<compile_context>
chip_gen: v7x
topology: tpu7x:2x2x1
jax: 0.10.2.dev20260603
libtpu: 0.0.44.dev20260713+nightly
codegen_flags: <defaults>
</compile_context>

<pallas_src>
import functools

import jax
import jax.numpy as jnp
from jax import lax
from jax.experimental import pallas as pl
from jax.experimental.pallas import tpu as pltpu
from jax.experimental.pallas import tpu_sc as plsc

NC = 2
NS = 16
K = 80


def _mesh():
    return plsc.VectorSubcoreMesh(core_axis_name="c", subcore_axis_name="s")


def _pad_rows(n):
    return ((n + NS * 8 - 1) // (NS * 8)) * NS * 8



def _sc_prop(table, src4, dst4, zeros, NP, W):
    nch = src4.shape[2]
    rpt = NP // NS
    nh1 = ((nch + 1) // 2 + 7) // 8 * 8
    halves = ((0, nh1), (nh1, nch - nh1))

    @functools.partial(
        pl.kernel,
        out_type=jax.ShapeDtypeStruct((NC, NP, W), jnp.float32),
        mesh=_mesh(),
        scratch_types=[
            pltpu.VMEM((nh1, K), jnp.int32),
            pltpu.VMEM((nh1, K), jnp.int32),
            pltpu.VMEM((2, K, W), jnp.float32),
            pltpu.VMEM_SHARED((NP, W), jnp.float32),
            pltpu.SemaphoreType.DMA,
        ],
    )
    def body(t_hbm, src_hbm, dst_hbm, z_hbm, out_hbm,
             src_v, dst_v, rows2, acc, sem):
        cid = lax.axis_index("c")
        sid = lax.axis_index("s")
        r0 = sid * rpt
        pltpu.sync_copy(z_hbm.at[pl.ds(r0, rpt)], acc.at[pl.ds(r0, rpt)])
        plsc.subcore_barrier()

        for base, cnt in halves:
            pltpu.sync_copy(src_hbm.at[cid, sid, pl.ds(base, cnt)],
                            src_v.at[pl.ds(0, cnt)])
            pltpu.sync_copy(dst_hbm.at[cid, sid, pl.ds(base, cnt)],
                            dst_v.at[pl.ds(0, cnt)])
            pltpu.async_copy(t_hbm.at[src_v.at[0]], rows2.at[0], sem)

            def step(i, carry):
                p = lax.rem(i, 2)
                pltpu.make_async_copy(
                    t_hbm.at[src_v.at[i]], rows2.at[p], sem).wait()

                @pl.when(i + 1 < cnt)
                def _():
                    pltpu.async_copy(
                        t_hbm.at[src_v.at[i + 1]], rows2.at[1 - p], sem)

                pltpu.sync_copy(rows2.at[p], acc.at[dst_v.at[i]], add=True)
                return carry

            lax.fori_loop(0, cnt, step, 0)

        plsc.subcore_barrier()
        pltpu.sync_copy(acc.at[pl.ds(r0, rpt)], out_hbm.at[cid, pl.ds(r0, rpt)])

    return body(table, src4, dst4, zeros)



def _tc_prep(cnt, x, N, C, R):

    def body(cnt_ref, x_ref, dinv_ref, y1_ref):
        deg = cnt_ref[0][:, :1] + cnt_ref[1][:, :1] + 1.0
        dinv = lax.rsqrt(deg)
        dinv_ref[...] = dinv
        y1 = x_ref[...] * dinv
        y1_ref[0] = y1
        y1_ref[1] = y1

    return pl.pallas_call(
        body,
        grid=(N // R,),
        in_specs=[
            pl.BlockSpec((NC, R, C), lambda i: (0, i, 0)),
            pl.BlockSpec((R, C), lambda i: (i, 0)),
        ],
        out_specs=[
            pl.BlockSpec((R, 1), lambda i: (i, 0)),
            pl.BlockSpec((NC, R, C), lambda i: (0, i, 0)),
        ],
        out_shape=[
            jax.ShapeDtypeStruct((N, 1), jnp.float32),
            jax.ShapeDtypeStruct((NC, N, C), jnp.float32),
        ],
    )(cnt, x)


def _tc_layer1(s1, y1s, dinv, W1, b1, N, C, R):

    def body(s1_ref, y1_ref, dinv_ref, w_ref, b_ref, y2_ref):
        dv = dinv_ref[...]
        z = (s1_ref[0] + s1_ref[1] + y1_ref[0]) * dv
        h = jnp.dot(z, w_ref[...], preferred_element_type=jnp.float32) + b_ref[...]
        y2 = jnp.maximum(h, 0.0) * dv
        y2_ref[0] = y2[:, :C]
        y2_ref[1] = y2[:, C:]

    return pl.pallas_call(
        body,
        grid=(N // R,),
        in_specs=[
            pl.BlockSpec((NC, R, C), lambda i: (0, i, 0)),
            pl.BlockSpec((1, R, C), lambda i: (0, i, 0)),
            pl.BlockSpec((R, 1), lambda i: (i, 0)),
            pl.BlockSpec((C, 2 * C), lambda i: (0, 0)),
            pl.BlockSpec((1, 2 * C), lambda i: (0, 0)),
        ],
        out_specs=pl.BlockSpec((NC, R, C), lambda i: (0, i, 0)),
        out_shape=jax.ShapeDtypeStruct((NC, N, C), jnp.float32),
    )(s1, y1s, dinv, W1, b1)


def _tc_layer2(sA, sB, y2s, dinv, wma, wmb, wla, wlb, bm, bl, N, C, R):

    def body(sA_ref, sB_ref, y2_ref, dinv_ref, wma_ref, wmb_ref, wla_ref,
             wlb_ref, bm_ref, bl_ref, mu_ref, ls_ref):
        dv = dinv_ref[...]
        qa = (sA_ref[0] + sB_ref[0] + y2_ref[0]) * dv
        qb = (sA_ref[1] + sB_ref[1] + y2_ref[1]) * dv
        mu = (jnp.dot(qa, wma_ref[...], preferred_element_type=jnp.float32)
              + jnp.dot(qb, wmb_ref[...], preferred_element_type=jnp.float32)
              + bm_ref[...])
        ls = (jnp.dot(qa, wla_ref[...], preferred_element_type=jnp.float32)
              + jnp.dot(qb, wlb_ref[...], preferred_element_type=jnp.float32)
              + bl_ref[...])
        mu_ref[...] = mu
        ls_ref[...] = jnp.minimum(ls, 10.0)

    blk = pl.BlockSpec((NC, R, C), lambda i: (0, i, 0))
    mat = pl.BlockSpec((C, C), lambda i: (0, 0))
    vec = pl.BlockSpec((1, C), lambda i: (0, 0))
    return pl.pallas_call(
        body,
        grid=(N // R,),
        in_specs=[
            blk, blk, blk,
            pl.BlockSpec((R, 1), lambda i: (i, 0)),
            mat, mat, mat, mat, vec, vec,
        ],
        out_specs=[
            pl.BlockSpec((R, C), lambda i: (i, 0)),
            pl.BlockSpec((R, C), lambda i: (i, 0)),
        ],
        out_shape=[
            jax.ShapeDtypeStruct((N, C), jnp.float32),
            jax.ShapeDtypeStruct((N, C), jnp.float32),
        ],
    )(sA, sB, y2s, dinv, wma, wmb, wla, wlb, bm, bl)



def kernel(x, edge_index, W1, b1, W_mu, b_mu, W_ls, b_ls):
    N, C = x.shape
    E = edge_index.shape[1]
    EH = E // 2
    NP = _pad_rows(N)
    R = 1000
    nch = EH // NS // K

    src = edge_index[0].astype(jnp.int32)
    dst = edge_index[1].astype(jnp.int32)
    shp = (NC, NS, nch, K)
    src4_l1 = src.reshape(shp)
    dst4_l1 = dst.reshape(shp)
    src4_2a = jnp.stack([src[:EH], src[EH:] + N]).reshape(shp)
    src4_2b = jnp.stack([src[EH:], src[:EH] + N]).reshape(shp)
    dst4_2a = dst4_l1
    dst4_2b = jnp.stack([dst[EH:], dst[:EH]]).reshape(shp)
    zeros_c = jnp.zeros((NP, C), jnp.float32)
    ones_t = jnp.ones((NC * N, C), jnp.float32)

    src4_cnt = (jnp.arange(NC * NS * nch * K, dtype=jnp.int32) % (2 * N)
                ).reshape(shp)
    cnt = _sc_prop(ones_t, src4_cnt, dst4_l1, zeros_c, NP, C)
    dinv, y1s = _tc_prep(cnt, x, N, C, R)
    s1 = _sc_prop(y1s.reshape(NC * N, C), src4_l1, dst4_l1, zeros_c, NP, C)
    y2s = _tc_layer1(s1, y1s, dinv, W1, b1.reshape(1, -1), N, C, R)
    y2f = y2s.reshape(NC * N, C)
    s2a = _sc_prop(y2f, src4_2a, dst4_2a, zeros_c, NP, C)
    s2b = _sc_prop(y2f, src4_2b, dst4_2b, zeros_c, NP, C)
    mu, ls = _tc_layer2(
        s2a, s2b, y2s, dinv, W_mu[:C], W_mu[C:], W_ls[:C], W_ls[C:],
        b_mu.reshape(1, -1), b_ls.reshape(1, -1), N, C, R)
    return (mu, ls)

# --- scband reference (transcript-rebuilt; emitter-appended) ---
"""Pipeline reference for scband-lego-gnnencoder-65481071395096 (READ-ONLY COPY).

The authoritative reference and input builder live on the scoring server;
editing this copy changes nothing except your own understanding.
"""

import jax, jax.numpy as jnp
import numpy as np

N_NODES = 10000
E_EDGES = 320000
IN_CH = 128
OUT_CH = 128
HID = 2 * OUT_CH


def _gcn_conv(x, edge_index, W, b):
    N = x.shape[0]
    src = edge_index[0]
    dst = edge_index[1]
    # add self-loops (PyG GCNConv default add_self_loops=True)
    loop = jnp.arange(N, dtype=src.dtype)
    src = jnp.concatenate([src, loop])
    dst = jnp.concatenate([dst, loop])
    # symmetric gcn normalization with unit edge weights
    deg = jnp.zeros((N,), dtype=x.dtype).at[dst].add(1.0)
    deg_inv_sqrt = jnp.where(deg > 0, deg ** -0.5, 0.0)
    norm = deg_inv_sqrt[src] * deg_inv_sqrt[dst]
    # linear transform then propagate
    h = x @ W
    msg = h[src] * norm[:, None]
    out = jnp.zeros((N, h.shape[1]), dtype=x.dtype).at[dst].add(msg)
    return out + b


def setup_inputs(seed: int = 0) -> dict:
    key = jax.random.key(seed)
    ks = jax.random.split(key, 8)
    x = jax.random.normal(ks[0], (N_NODES, IN_CH), dtype=jnp.float32)
    edge_index = jax.random.randint(ks[1], (2, E_EDGES), 0, N_NODES, dtype=jnp.int64)
    W1 = jax.random.normal(ks[2], (IN_CH, HID), dtype=jnp.float32) * (1.0 / np.sqrt(IN_CH))
    b1 = jnp.zeros((HID,), dtype=jnp.float32)
    W_mu = jax.random.normal(ks[3], (HID, OUT_CH), dtype=jnp.float32) * (1.0 / np.sqrt(HID))
    b_mu = jnp.zeros((OUT_CH,), dtype=jnp.float32)
    W_ls = jax.random.normal(ks[4], (HID, OUT_CH), dtype=jnp.float32) * (1.0 / np.sqrt(HID))
    b_ls = jnp.zeros((OUT_CH,), dtype=jnp.float32)
    return {"x": x, "edge_index": edge_index, "W1": W1, "b1": b1,
            "W_mu": W_mu, "b_mu": b_mu, "W_ls": W_ls, "b_ls": b_ls}


def reference(x, edge_index, W1, b1, W_mu, b_mu, W_ls, b_ls):
    h = _gcn_conv(x, edge_index, W1, b1)
    h = jax.nn.relu(h)
    mu = _gcn_conv(h, edge_index, W_mu, b_mu)
    logstd = _gcn_conv(h, edge_index, W_ls, b_ls)
    logstd = jnp.minimum(logstd, 10.0)
    return (mu, logstd)

if __name__ == "__main__":
    import jax
    _d = setup_inputs()
    print(jax.jit(kernel)(*tuple(_d.values())))

</pallas_src>

<mosaic_0001>
#map = affine_map<(d0, d1) -> (0, 0)>
#map1 = affine_map<(d0, d1) -> (0, 0, 0, 0)>
#map2 = affine_map<(d0, d1) -> (0, 0, 0)>
module attributes {stable_mosaic.version = 14 : i64} {
  func.func @body(%arg0: i32, %arg1: i32, %arg2: memref<20000x128xf32, #tpu.memory_space<hbm>>, %arg3: memref<2x16x125x80xi32, #tpu.memory_space<hbm>>, %arg4: memref<2x16x125x80xi32, #tpu.memory_space<hbm>>, %arg5: memref<10112x128xf32, #tpu.memory_space<hbm>>, %arg6: memref<2x10112x128xf32, #tpu.memory_space<hbm>>, %arg7: memref<64x80xi32, #tpu.memory_space<vmem>>, %arg8: memref<64x80xi32, #tpu.memory_space<vmem>>, %arg9: memref<2x80x128xf32, #tpu.memory_space<vmem>>, %arg10: memref<10112x128xf32, #tpu.memory_space<vmem_shared>>, %arg11: memref<!tpu.dma_semaphore, #tpu.memory_space<semaphore_mem>>) attributes {dimension_semantics = [#tpu.dimension_semantics<core_parallel>, #tpu.dimension_semantics<subcore_parallel>], iteration_bounds = array<i64: 2, 16>, scalar_prefetch = 0 : i64, scratch_operands = 5 : i64, tpu.core_type = #tpu.core_type<sc_vector_subcore>, window_params = [{transform_indices = #map}, {transform_indices = #map1}, {transform_indices = #map1}, {transform_indices = #map}, {transform_indices = #map2}]} {
    %mul3A = arith.constant 632 : i32
    %mul3A_0 = arith.muli %arg1, %mul3A : i32
    "tpu.region"() ({
      %run_scoped3A = tpu.sem_alloc : memref<!tpu.dma_semaphore, #tpu.memory_space<semaphore_mem>>
      %dma_start3A_36 = arith.constant 0 : i32
      %dma_start3A_37 = tpu.memref_slice %arg10[%mul3A_0, %dma_start3A_36] : memref<10112x128xf32, #tpu.memory_space<vmem_shared>> -> memref<632x128xf32, #tpu.memory_space<vmem_shared>>
      %dma_start3A_38 = arith.constant 0 : i32
      %dma_start3A_39 = tpu.memref_slice %arg5[%mul3A_0, %dma_start3A_38] : memref<10112x128xf32, #tpu.memory_space<hbm>> -> memref<632x128xf32, #tpu.memory_space<hbm>>
      tpu.enqueue_dma source(%dma_start3A_39 : memref<632x128xf32, #tpu.memory_space<hbm>>) target(%dma_start3A_37 : memref<632x128xf32, #tpu.memory_space<vmem_shared>>) target_semaphore(%run_scoped3A : memref<!tpu.dma_semaphore, #tpu.memory_space<semaphore_mem>>)
      %dma_wait3A = arith.constant 0 : i32
      %dma_wait3A_40 = tpu.memref_slice %arg10[%mul3A_0, %dma_wait3A] : memref<10112x128xf32, #tpu.memory_space<vmem_shared>> -> memref<632x128xf32, #tpu.memory_space<vmem_shared>>
      %dma_wait3A_41 = arith.constant 0 : i32
      %dma_wait3A_42 = tpu.memref_slice %arg5[%mul3A_0, %dma_wait3A_41] : memref<10112x128xf32, #tpu.memory_space<hbm>> -> memref<632x128xf32, #tpu.memory_space<hbm>>
      tpu.wait_dma2 semaphore(%run_scoped3A : memref<!tpu.dma_semaphore, #tpu.memory_space<semaphore_mem>>) src(%dma_wait3A_42 : memref<632x128xf32, #tpu.memory_space<hbm>>) dst(%dma_wait3A_40 : memref<632x128xf32, #tpu.memory_space<vmem_shared>>)
      tpu.yield
    }) : () -> ()
    %barrier3A = arith.constant 0 : index
    tpu.barrier barrier_id(%barrier3A)
    "tpu.region"() ({
      %run_scoped3A = tpu.sem_alloc : memref<!tpu.dma_semaphore, #tpu.memory_space<semaphore_mem>>
      %dma_start3A_36 = arith.constant 0 : i32
      %dma_start3A_37 = arith.constant 0 : i32
      %dma_start3A_38 = tpu.memref_slice %arg7[%dma_start3A_36, %dma_start3A_37] : memref<64x80xi32, #tpu.memory_space<vmem>> -> memref<64x80xi32, #tpu.memory_space<vmem>>
      %dma_start3A_39 = arith.constant 0 : i32
      %dma_start3A_40 = arith.constant 0 : i32
      %dma_start3A_41 = tpu.memref_slice %arg3[%arg0, %arg1, %dma_start3A_39, %dma_start3A_40] : memref<2x16x125x80xi32, #tpu.memory_space<hbm>> -> memref<1x1x64x80xi32, #tpu.memory_space<hbm>>
      %dma_start3A_42 = tpu.memref_squeeze %dma_start3A_41 : memref<1x1x64x80xi32, #tpu.memory_space<hbm>> -> memref<64x80xi32, #tpu.memory_space<hbm>>
      %dma_start3A_43 = arith.constant 0 : i32
      %dma_start3A_44 = arith.constant 0 : i32
      %dma_start3A_45 = tpu.memref_slice %arg7[%dma_start3A_43, %dma_start3A_44] : memref<64x80xi32, #tpu.memory_space<vmem>> -> memref<64x80xi32, #tpu.memory_space<vmem>>
      %dma_start3A_46 = arith.constant 0 : i32
      %dma_start3A_47 = arith.constant 0 : i32
      %dma_start3A_48 = tpu.memref_slice %arg3[%arg0, %arg1, %dma_start3A_46, %dma_start3A_47] : memref<2x16x125x80xi32, #tpu.memory_space<hbm>> -> memref<1x1x64x80xi32, #tpu.memory_space<hbm>>
      %dma_start3A_49 = tpu.memref_squeeze %dma_start3A_48 : memref<1x1x64x80xi32, #tpu.memory_space<hbm>> -> memref<64x80xi32, #tpu.memory_space<hbm>>
      tpu.enqueue_dma source(%dma_start3A_49 : memref<64x80xi32, #tpu.memory_space<hbm>>) target(%dma_start3A_45 : memref<64x80xi32, #tpu.memory_space<vmem>>) target_semaphore(%run_scoped3A : memref<!tpu.dma_semaphore, #tpu.memory_space<semaphore_mem>>)
      %dma_wait3A = arith.constant 0 : i32
      %dma_wait3A_50 = arith.constant 0 : i32
      %dma_wait3A_51 = tpu.memref_slice %arg7[%dma_wait3A, %dma_wait3A_50] : memref<64x80xi32, #tpu.memory_space<vmem>> -> memref<64x80xi32, #tpu.memory_space<vmem>>
      %dma_wait3A_52 = arith.constant 0 : i32
      %dma_wait3A_53 = arith.constant 0 : i32
      %dma_wait3A_54 = tpu.memref_slice %arg3[%arg0, %arg1, %dma_wait3A_52, %dma_wait3A_53] : memref<2x16x125x80xi32, #tpu.memory_space<hbm>> -> memref<1x1x64x80xi32, #tpu.memory_space<hbm>>
      %dma_wait3A_55 = tpu.memref_squeeze %dma_wait3A_54 : memref<1x1x64x80xi32, #tpu.memory_space<hbm>> -> memref<64x80xi32, #tpu.memory_space<hbm>>
      %dma_wait3A_56 = arith.constant 0 : i32
      %dma_wait3A_57 = arith.constant 0 : i32
      %dma_wait3A_58 = tpu.memref_slice %arg7[%dma_wait3A_56, %dma_wait3A_57] : memref<64x80xi32, #tpu.memory_space<vmem>> -> memref<64x80xi32, #tpu.memory_space<vmem>>
      %dma_wait3A_59 = arith.constant 0 : i32
      %dma_wait3A_60 = arith.constant 0 : i32
      %dma_wait3A_61 = tpu.memref_slice %arg3[%arg0, %arg1, %dma_wait3A_59, %dma_wait3A_60] : memref<2x16x125x80xi32, #tpu.memory_space<hbm>> -> memref<1x1x64x80xi32, #tpu.memory_space<hbm>>
      %dma_wait3A_62 = tpu.memref_squeeze %dma_wait3A_61 : memref<1x1x64x80xi32, #tpu.memory_space<hbm>> -> memref<64x80xi32, #tpu.memory_space<hbm>>
      tpu.wait_dma2 semaphore(%run_scoped3A : memref<!tpu.dma_semaphore, #tpu.memory_space<semaphore_mem>>) src(%dma_wait3A_62 : memref<64x80xi32, #tpu.memory_space<hbm>>) dst(%dma_wait3A_58 : memref<64x80xi32, #tpu.memory_space<vmem>>)
      tpu.yield
    }) : () -> ()
    "tpu.region"() ({
      %run_scoped3A = tpu.sem_alloc : memref<!tpu.dma_semaphore, #tpu.memory_space<semaphore_mem>>
      %dma_start3A_36 = arith.constant 0 : i32
      %dma_start3A_37 = arith.constant 0 : i32
      %dma_start3A_38 = tpu.memref_slice %arg8[%dma_start3A_36, %dma_start3A_37] : memref<64x80xi32, #tpu.memory_space<vmem>> -> memref<64x80xi32, #tpu.memory_space<vmem>>
      %dma_start3A_39 = arith.constant 0 : i32
      %dma_start3A_40 = arith.constant 0 : i32
      %dma_start3A_41 = tpu.memref_slice %arg4[%arg0, %arg1, %dma_start3A_39, %dma_start3A_40] : memref<2x16x125x80xi32, #tpu.memory_space<hbm>> -> memref<1x1x64x80xi32, #tpu.memory_space<hbm>>
      %dma_start3A_42 = tpu.memref_squeeze %dma_start3A_41 : memref<1x1x64x80xi32, #tpu.memory_space<hbm>> -> memref<64x80xi32, #tpu.memory_space<hbm>>
      %dma_start3A_43 = arith.constant 0 : i32
      %dma_start3A_44 = arith.constant 0 : i32
      %dma_start3A_45 = tpu.memref_slice %arg8[%dma_start3A_43, %dma_start3A_44] : memref<64x80xi32, #tpu.memory_space<vmem>> -> memref<64x80xi32, #tpu.memory_space<vmem>>
      %dma_start3A_46 = arith.constant 0 : i32
      %dma_start3A_47 = arith.constant 0 : i32
      %dma_start3A_48 = tpu.memref_slice %arg4[%arg0, %arg1, %dma_start3A_46, %dma_start3A_47] : memref<2x16x125x80xi32, #tpu.memory_space<hbm>> -> memref<1x1x64x80xi32, #tpu.memory_space<hbm>>
      %dma_start3A_49 = tpu.memref_squeeze %dma_start3A_48 : memref<1x1x64x80xi32, #tpu.memory_space<hbm>> -> memref<64x80xi32, #tpu.memory_space<hbm>>
      tpu.enqueue_dma source(%dma_start3A_49 : memref<64x80xi32, #tpu.memory_space<hbm>>) target(%dma_start3A_45 : memref<64x80xi32, #tpu.memory_space<vmem>>) target_semaphore(%run_scoped3A : memref<!tpu.dma_semaphore, #tpu.memory_space<semaphore_mem>>)
      %dma_wait3A = arith.constant 0 : i32
      %dma_wait3A_50 = arith.constant 0 : i32
      %dma_wait3A_51 = tpu.memref_slice %arg8[%dma_wait3A, %dma_wait3A_50] : memref<64x80xi32, #tpu.memory_space<vmem>> -> memref<64x80xi32, #tpu.memory_space<vmem>>
      %dma_wait3A_52 = arith.constant 0 : i32
      %dma_wait3A_53 = arith.constant 0 : i32
      %dma_wait3A_54 = tpu.memref_slice %arg4[%arg0, %arg1, %dma_wait3A_52, %dma_wait3A_53] : memref<2x16x125x80xi32, #tpu.memory_space<hbm>> -> memref<1x1x64x80xi32, #tpu.memory_space<hbm>>
      %dma_wait3A_55 = tpu.memref_squeeze %dma_wait3A_54 : memref<1x1x64x80xi32, #tpu.memory_space<hbm>> -> memref<64x80xi32, #tpu.memory_space<hbm>>
      %dma_wait3A_56 = arith.constant 0 : i32
      %dma_wait3A_57 = arith.constant 0 : i32
      %dma_wait3A_58 = tpu.memref_slice %arg8[%dma_wait3A_56, %dma_wait3A_57] : memref<64x80xi32, #tpu.memory_space<vmem>> -> memref<64x80xi32, #tpu.memory_space<vmem>>
      %dma_wait3A_59 = arith.constant 0 : i32
      %dma_wait3A_60 = arith.constant 0 : i32
      %dma_wait3A_61 = tpu.memref_slice %arg4[%arg0, %arg1, %dma_wait3A_59, %dma_wait3A_60] : memref<2x16x125x80xi32, #tpu.memory_space<hbm>> -> memref<1x1x64x80xi32, #tpu.memory_space<hbm>>
      %dma_wait3A_62 = tpu.memref_squeeze %dma_wait3A_61 : memref<1x1x64x80xi32, #tpu.memory_space<hbm>> -> memref<64x80xi32, #tpu.memory_space<hbm>>
      tpu.wait_dma2 semaphore(%run_scoped3A : memref<!tpu.dma_semaphore, #tpu.memory_space<semaphore_mem>>) src(%dma_wait3A_62 : memref<64x80xi32, #tpu.memory_space<hbm>>) dst(%dma_wait3A_58 : memref<64x80xi32, #tpu.memory_space<vmem>>)
      tpu.yield
    }) : () -> ()
    %dma_start3A = arith.constant 0 : i32
    %dma_start3A_1 = arith.constant 0 : i32
    %dma_start3A_2 = arith.constant 0 : i32
    %dma_start3A_3 = arith.constant 0 : i32
    %dma_start3A_4 = tpu.memref_slice %arg9[%dma_start3A_1, %dma_start3A_2, %dma_start3A_3] : memref<2x80x128xf32, #tpu.memory_space<vmem>> -> memref<1x80x128xf32, #tpu.memory_space<vmem>>
    %dma_start3A_5 = tpu.memref_squeeze %dma_start3A_4 : memref<1x80x128xf32, #tpu.memory_space<vmem>> -> memref<80x128xf32, #tpu.memory_space<vmem>>
    %dma_start3A_6 = arith.constant 0 : i32
    %dma_start3A_7 = tpu.memref_slice %arg7[%dma_start3A, %dma_start3A_6] : memref<64x80xi32, #tpu.memory_space<vmem>> -> memref<1x80xi32, #tpu.memory_space<vmem>>
    %dma_start3A_8 = tpu.memref_squeeze %dma_start3A_7 : memref<1x80xi32, #tpu.memory_space<vmem>> -> memref<80xi32, #tpu.memory_space<vmem>>
    %dma_start3A_9 = arith.constant 0 : i32
    %dma_start3A_10 = arith.constant 0 : i32
    %dma_start3A_11 = tpu.memref_slice %arg2[%dma_start3A_9, %dma_start3A_10] : memref<20000x128xf32, #tpu.memory_space<hbm>> -> memref<20000x128xf32, #tpu.memory_space<hbm>>
    tpu.enqueue_indirect_dma source(%dma_start3A_11 : memref<20000x128xf32, #tpu.memory_space<hbm>>) target(%dma_start3A_5 : memref<80x128xf32, #tpu.memory_space<vmem>>) offsets(%dma_start3A_8 : memref<80xi32, #tpu.memory_space<vmem>>) semaphore(%arg11 : memref<!tpu.dma_semaphore, #tpu.memory_space<semaphore_mem>>)
    %scan3A = arith.constant 0 : i32
    %scan3A_12 = arith.constant 0 : i32
    %scan3A_13 = arith.constant 64 : i32
    %scan3A_14 = arith.addi %scan3A_12, %scan3A_13 : i32
    %scan3A_15 = arith.constant 1 : i32
    scf.for %scan3A_36 = %scan3A_12 to %scan3A_14 step %scan3A_15  : i32 {
      %rem3A = arith.constant 2 : i32
      %rem3A_37 = arith.remsi %scan3A_36, %rem3A : i32
      %dma_wait3A = arith.constant 0 : i32
      %dma_wait3A_38 = arith.constant 0 : i32
      %dma_wait3A_39 = tpu.memref_slice %arg9[%rem3A_37, %dma_wait3A, %dma_wait3A_38] : memref<2x80x128xf32, #tpu.memory_space<vmem>> -> memref<1x80x128xf32, #tpu.memory_space<vmem>>
      %dma_wait3A_40 = tpu.memref_squeeze %dma_wait3A_39 : memref<1x80x128xf32, #tpu.memory_space<vmem>> -> memref<80x128xf32, #tpu.memory_space<vmem>>
      %dma_wait3A_41 = arith.constant 0 : i32
      %dma_wait3A_42 = tpu.memref_slice %arg7[%scan3A_36, %dma_wait3A_41] : memref<64x80xi32, #tpu.memory_space<vmem>> -> memref<1x80xi32, #tpu.memory_space<vmem>>
      %dma_wait3A_43 = tpu.memref_squeeze %dma_wait3A_42 : memref<1x80xi32, #tpu.memory_space<vmem>> -> memref<80xi32, #tpu.memory_space<vmem>>
      %dma_wait3A_44 = arith.constant 0 : i32
      %dma_wait3A_45 = arith.constant 0 : i32
      %dma_wait3A_46 = tpu.memref_slice %arg2[%dma_wait3A_44, %dma_wait3A_45] : memref<20000x128xf32, #tpu.memory_space<hbm>> -> memref<20000x128xf32, #tpu.memory_space<hbm>>
      tpu.wait_indirect_dma semaphore(%arg11 : memref<!tpu.dma_semaphore, #tpu.memory_space<semaphore_mem>>) src(%dma_wait3A_46 : memref<20000x128xf32, #tpu.memory_space<hbm>>) dst(%dma_wait3A_40 : memref<80x128xf32, #tpu.memory_space<vmem>>)
      %add3A = arith.constant 1 : i32
      %add3A_47 = arith.addi %scan3A_36, %add3A : i32
      %lt3A = arith.constant 64 : i32
      %lt3A_48 = arith.cmpi slt, %add3A_47, %lt3A : i32
      %convert_element_type3A = arith.extui %lt3A_48 : i1 to i32
      %cond3A = arith.constant 0 : i32
      %cond3A_49 = arith.cmpi ne, %convert_element_type3A, %cond3A : i32
      scf.if %cond3A_49 {
        %add3A_50 = arith.constant 1 : i32
        %add3A_51 = arith.addi %scan3A_36, %add3A_50 : i32
        %sub3A = arith.constant 1 : i32
        %sub3A_52 = arith.subi %sub3A, %rem3A_37 : i32
        %dma_start3A_53 = arith.constant 0 : i32
        %dma_start3A_54 = arith.constant 0 : i32
        %dma_start3A_55 = tpu.memref_slice %arg9[%sub3A_52, %dma_start3A_53, %dma_start3A_54] : memref<2x80x128xf32, #tpu.memory_space<vmem>> -> memref<1x80x128xf32, #tpu.memory_space<vmem>>
        %dma_start3A_56 = tpu.memref_squeeze %dma_start3A_55 : memref<1x80x128xf32, #tpu.memory_space<vmem>> -> memref<80x128xf32, #tpu.memory_space<vmem>>
        %dma_start3A_57 = arith.constant 0 : i32
        %dma_start3A_58 = tpu.memref_slice %arg7[%add3A_51, %dma_start3A_57] : memref<64x80xi32, #tpu.memory_space<vmem>> -> memref<1x80xi32, #tpu.memory_space<vmem>>
        %dma_start3A_59 = tpu.memref_squeeze %dma_start3A_58 : memref<1x80xi32, #tpu.memory_space<vmem>> -> memref<80xi32, #tpu.memory_space<vmem>>
        %dma_start3A_60 = arith.constant 0 : i32
        %dma_start3A_61 = arith.constant 0 : i32
        %dma_start3A_62 = tpu.memref_slice %arg2[%dma_start3A_60, %dma_start3A_61] : memref<20000x128xf32, #tpu.memory_space<hbm>> -> memref<20000x128xf32, #tpu.memory_space<hbm>>
        tpu.enqueue_indirect_dma source(%dma_start3A_62 : memref<20000x128xf32, #tpu.memory_space<hbm>>) target(%dma_start3A_56 : memref<80x128xf32, #tpu.memory_space<vmem>>) offsets(%dma_start3A_59 : memref<80xi32, #tpu.memory_space<vmem>>) semaphore(%arg11 : memref<!tpu.dma_semaphore, #tpu.memory_space<semaphore_mem>>)
      } else {
      }
      "tpu.region"() ({
        %run_scoped3A = tpu.sem_alloc : memref<!tpu.dma_semaphore, #tpu.memory_space<semaphore_mem>>
        %dma_start3A_50 = arith.constant 0 : i32
        %dma_start3A_51 = arith.constant 0 : i32
        %dma_start3A_52 = tpu.memref_slice %arg9[%rem3A_37, %dma_start3A_50, %dma_start3A_51] : memref<2x80x128xf32, #tpu.memory_space<vmem>> -> memref<1x80x128xf32, #tpu.memory_space<vmem>>
        %dma_start3A_53 = tpu.memref_squeeze %dma_start3A_52 : memref<1x80x128xf32, #tpu.memory_space<vmem>> -> memref<80x128xf32, #tpu.memory_space<vmem>>
        %dma_start3A_54 = arith.constant 0 : i32
        %dma_start3A_55 = tpu.memref_slice %arg8[%scan3A_36, %dma_start3A_54] : memref<64x80xi32, #tpu.memory_space<vmem>> -> memref<1x80xi32, #tpu.memory_space<vmem>>
        %dma_start3A_56 = tpu.memref_squeeze %dma_start3A_55 : memref<1x80xi32, #tpu.memory_space<vmem>> -> memref<80xi32, #tpu.memory_space<vmem>>
        %dma_start3A_57 = arith.constant 0 : i32
        %dma_start3A_58 = arith.constant 0 : i32
        %dma_start3A_59 = tpu.memref_slice %arg10[%dma_start3A_57, %dma_start3A_58] : memref<10112x128xf32, #tpu.memory_space<vmem_shared>> -> memref<10112x128xf32, #tpu.memory_space<vmem_shared>>
        tpu.enqueue_indirect_dma source(%dma_start3A_53 : memref<80x128xf32, #tpu.memory_space<vmem>>) target(%dma_start3A_59 : memref<10112x128xf32, #tpu.memory_space<vmem_shared>>) offsets(%dma_start3A_56 : memref<80xi32, #tpu.memory_space<vmem>>) semaphore(%run_scoped3A : memref<!tpu.dma_semaphore, #tpu.memory_space<semaphore_mem>>) {add = true}
        %dma_wait3A_60 = arith.constant 0 : i32
        %dma_wait3A_61 = arith.constant 0 : i32
        %dma_wait3A_62 = tpu.memref_slice %arg9[%rem3A_37, %dma_wait3A_60, %dma_wait3A_61] : memref<2x80x128xf32, #tpu.memory_space<vmem>> -> memref<1x80x128xf32, #tpu.memory_space<vmem>>
        %dma_wait3A_63 = tpu.memref_squeeze %dma_wait3A_62 : memref<1x80x128xf32, #tpu.memory_space<vmem>> -> memref<80x128xf32, #tpu.memory_space<vmem>>
        %dma_wait3A_64 = arith.constant 0 : i32
        %dma_wait3A_65 = tpu.memref_slice %arg8[%scan3A_36, %dma_wait3A_64] : memref<64x80xi32, #tpu.memory_space<vmem>> -> memref<1x80xi32, #tpu.memory_space<vmem>>
        %dma_wait3A_66 = tpu.memref_squeeze %dma_wait3A_65 : memref<1x80xi32, #tpu.memory_space<vmem>> -> memref<80xi32, #tpu.memory_space<vmem>>
        %dma_wait3A_67 = arith.constant 0 : i32
        %dma_wait3A_68 = arith.constant 0 : i32
        %dma_wait3A_69 = tpu.memref_slice %arg10[%dma_wait3A_67, %dma_wait3A_68] : memref<10112x128xf32, #tpu.memory_space<vmem_shared>> -> memref<10112x128xf32, #tpu.memory_space<vmem_shared>>
        tpu.wait_indirect_dma semaphore(%run_scoped3A : memref<!tpu.dma_semaphore, #tpu.memory_space<semaphore_mem>>) src(%dma_wait3A_63 : memref<80x128xf32, #tpu.memory_space<vmem>>) dst(%dma_wait3A_69 : memref<10112x128xf32, #tpu.memory_space<vmem_shared>>)
        tpu.yield
      }) : () -> ()
    }
    %scan3A_16 = arith.constant 64 : i32
    "tpu.region"() ({
      %run_scoped3A = tpu.sem_alloc : memref<!tpu.dma_semaphore, #tpu.memory_space<semaphore_mem>>
      %dma_start3A_36 = arith.constant 0 : i32
      %dma_start3A_37 = arith.constant 0 : i32
      %dma_start3A_38 = tpu.memref_slice %arg7[%dma_start3A_36, %dma_start3A_37] : memref<64x80xi32, #tpu.memory_space<vmem>> -> memref<61x80xi32, #tpu.memory_space<vmem>>
      %dma_start3A_39 = arith.constant 64 : i32
      %dma_start3A_40 = arith.constant 0 : i32
      %dma_start3A_41 = tpu.memref_slice %arg3[%arg0, %arg1, %dma_start3A_39, %dma_start3A_40] : memref<2x16x125x80xi32, #tpu.memory_space<hbm>> -> memref<1x1x61x80xi32, #tpu.memory_space<hbm>>
      %dma_start3A_42 = tpu.memref_squeeze %dma_start3A_41 : memref<1x1x61x80xi32, #tpu.memory_space<hbm>> -> memref<61x80xi32, #tpu.memory_space<hbm>>
      %dma_start3A_43 = arith.constant 0 : i32
      %dma_start3A_44 = arith.constant 0 : i32
      %dma_start3A_45 = tpu.memref_slice %arg7[%dma_start3A_43, %dma_start3A_44] : memref<64x80xi32, #tpu.memory_space<vmem>> -> memref<61x80xi32, #tpu.memory_space<vmem>>
      %dma_start3A_46 = arith.constant 64 : i32
      %dma_start3A_47 = arith.constant 0 : i32
      %dma_start3A_48 = tpu.memref_slice %arg3[%arg0, %arg1, %dma_start3A_46, %dma_start3A_47] : memref<2x16x125x80xi32, #tpu.memory_space<hbm>> -> memref<1x1x61x80xi32, #tpu.memory_space<hbm>>
      %dma_start3A_49 = tpu.memref_squeeze %dma_start3A_48 : memref<1x1x61x80xi32, #tpu.memory_space<hbm>> -> memref<61x80xi32, #tpu.memory_space<hbm>>
      tpu.enqueue_dma source(%dma_start3A_49 : memref<61x80xi32, #tpu.memory_space<hbm>>) target(%dma_start3A_45 : memref<61x80xi32, #tpu.memory_space<vmem>>) target_semaphore(%run_scoped3A : memref<!tpu.dma_semaphore, #tpu.memory_space<semaphore_mem>>)
      %dma_wait3A = arith.constant 0 : i32
      %dma_wait3A_50 = arith.constant 0 : i32
      %dma_wait3A_51 = tpu.memref_slice %arg7[%dma_wait3A, %dma_wait3A_50] : memref<64x80xi32, #tpu.memory_space<vmem>> -> memref<61x80xi32, #tpu.memory_space<vmem>>
      %dma_wait3A_52 = arith.constant 64 : i32
      %dma_wait3A_53 = arith.constant 0 : i32
      %dma_wait3A_54 = tpu.memref_slice %arg3[%arg0, %arg1, %dma_wait3A_52, %dma_wait3A_53] : memref<2x16x125x80xi32, #tpu.memory_space<hbm>> -> memref<1x1x61x80xi32, #tpu.memory_space<hbm>>
      %dma_wait3A_55 = tpu.memref_squeeze %dma_wait3A_54 : memref<1x1x61x80xi32, #tpu.memory_space<hbm>> -> memref<61x80xi32, #tpu.memory_space<hbm>>
      %dma_wait3A_56 = arith.constant 0 : i32
      %dma_wait3A_57 = arith.constant 0 : i32
      %dma_wait3A_58 = tpu.memref_slice %arg7[%dma_wait3A_56, %dma_wait3A_57] : memref<64x80xi32, #tpu.memory_space<vmem>> -> memref<61x80xi32, #tpu.memory_space<vmem>>
      %dma_wait3A_59 = arith.constant 64 : i32
      %dma_wait3A_60 = arith.constant 0 : i32
      %dma_wait3A_61 = tpu.memref_slice %arg3[%arg0, %arg1, %dma_wait3A_59, %dma_wait3A_60] : memref<2x16x125x80xi32, #tpu.memory_space<hbm>> -> memref<1x1x61x80xi32, #tpu.memory_space<hbm>>
      %dma_wait3A_62 = tpu.memref_squeeze %dma_wait3A_61 : memref<1x1x61x80xi32, #tpu.memory_space<hbm>> -> memref<61x80xi32, #tpu.memory_space<hbm>>
      tpu.wait_dma2 semaphore(%run_scoped3A : memref<!tpu.dma_semaphore, #tpu.memory_space<semaphore_mem>>) src(%dma_wait3A_62 : memref<61x80xi32, #tpu.memory_space<hbm>>) dst(%dma_wait3A_58 : memref<61x80xi32, #tpu.memory_space<vmem>>)
      tpu.yield
    }) : () -> ()
    "tpu.region"() ({
      %run_scoped3A = tpu.sem_alloc : memref<!tpu.dma_semaphore, #tpu.memory_space<semaphore_mem>>
      %dma_start3A_36 = arith.constant 0 : i32
      %dma_start3A_37 = arith.constant 0 : i32
      %dma_start3A_38 = tpu.memref_slice %arg8[%dma_start3A_36, %dma_start3A_37] : memref<64x80xi32, #tpu.memory_space<vmem>> -> memref<61x80xi32, #tpu.memory_space<vmem>>
      %dma_start3A_39 = arith.constant 64 : i32
      %dma_start3A_40 = arith.constant 0 : i32
      %dma_start3A_41 = tpu.memref_slice %arg4[%arg0, %arg1, %dma_start3A_39, %dma_start3A_40] : memref<2x16x125x80xi32, #tpu.memory_space<hbm>> -> memref<1x1x61x80xi32, #tpu.memory_space<hbm>>
      %dma_start3A_42 = tpu.memref_squeeze %dma_start3A_41 : memref<1x1x61x80xi32, #tpu.memory_space<hbm>> -> memref<61x80xi32, #tpu.memory_space<hbm>>
      %dma_start3A_43 = arith.constant 0 : i32
      %dma_start3A_44 = arith.constant 0 : i32
      %dma_start3A_45 = tpu.memref_slice %arg8[%dma_start3A_43, %dma_start3A_44] : memref<64x80xi32, #tpu.memory_space<vmem>> -> memref<61x80xi32, #tpu.memory_space<vmem>>
      %dma_start3A_46 = arith.constant 64 : i32
      %dma_start3A_47 = arith.constant 0 : i32
      %dma_start3A_48 = tpu.memref_slice %arg4[%arg0, %arg1, %dma_start3A_46, %dma_start3A_47] : memref<2x16x125x80xi32, #tpu.memory_space<hbm>> -> memref<1x1x61x80xi32, #tpu.memory_space<hbm>>
      %dma_start3A_49 = tpu.memref_squeeze %dma_start3A_48 : memref<1x1x61x80xi32, #tpu.memory_space<hbm>> -> memref<61x80xi32, #tpu.memory_space<hbm>>
      tpu.enqueue_dma source(%dma_start3A_49 : memref<61x80xi32, #tpu.memory_space<hbm>>) target(%dma_start3A_45 : memref<61x80xi32, #tpu.memory_space<vmem>>) target_semaphore(%run_scoped3A : memref<!tpu.dma_semaphore, #tpu.memory_space<semaphore_mem>>)
      %dma_wait3A = arith.constant 0 : i32
      %dma_wait3A_50 = arith.constant 0 : i32
      %dma_wait3A_51 = tpu.memref_slice %arg8[%dma_wait3A, %dma_wait3A_50] : memref<64x80xi32, #tpu.memory_space<vmem>> -> memref<61x80xi32, #tpu.memory_space<vmem>>
      %dma_wait3A_52 = arith.constant 64 : i32
      %dma_wait3A_53 = arith.constant 0 : i32
      %dma_wait3A_54 = tpu.memref_slice %arg4[%arg0, %arg1, %dma_wait3A_52, %dma_wait3A_53] : memref<2x16x125x80xi32, #tpu.memory_space<hbm>> -> memref<1x1x61x80xi32, #tpu.memory_space<hbm>>
      %dma_wait3A_55 = tpu.memref_squeeze %dma_wait3A_54 : memref<1x1x61x80xi32, #tpu.memory_space<hbm>> -> memref<61x80xi32, #tpu.memory_space<hbm>>
      %dma_wait3A_56 = arith.constant 0 : i32
      %dma_wait3A_57 = arith.constant 0 : i32
      %dma_wait3A_58 = tpu.memref_slice %arg8[%dma_wait3A_56, %dma_wait3A_57] : memref<64x80xi32, #tpu.memory_space<vmem>> -> memref<61x80xi32, #tpu.memory_space<vmem>>
      %dma_wait3A_59 = arith.constant 64 : i32
      %dma_wait3A_60 = arith.constant 0 : i32
      %dma_wait3A_61 = tpu.memref_slice %arg4[%arg0, %arg1, %dma_wait3A_59, %dma_wait3A_60] : memref<2x16x125x80xi32, #tpu.memory_space<hbm>> -> memref<1x1x61x80xi32, #tpu.memory_space<hbm>>
      %dma_wait3A_62 = tpu.memref_squeeze %dma_wait3A_61 : memref<1x1x61x80xi32, #tpu.memory_space<hbm>> -> memref<61x80xi32, #tpu.memory_space<hbm>>
      tpu.wait_dma2 semaphore(%run_scoped3A : memref<!tpu.dma_semaphore, #tpu.memory_space<semaphore_mem>>) src(%dma_wait3A_62 : memref<61x80xi32, #tpu.memory_space<hbm>>) dst(%dma_wait3A_58 : memref<61x80xi32, #tpu.memory_space<vmem>>)
      tpu.yield
    }) : () -> ()
    %dma_start3A_17 = arith.constant 0 : i32
    %dma_start3A_18 = arith.constant 0 : i32
    %dma_start3A_19 = arith.constant 0 : i32
    %dma_start3A_20 = arith.constant 0 : i32
    %dma_start3A_21 = tpu.memref_slice %arg9[%dma_start3A_18, %dma_start3A_19, %dma_start3A_20] : memref<2x80x128xf32, #tpu.memory_space<vmem>> -> memref<1x80x128xf32, #tpu.memory_space<vmem>>
    %dma_start3A_22 = tpu.memref_squeeze %dma_start3A_21 : memref<1x80x128xf32, #tpu.memory_space<vmem>> -> memref<80x128xf32, #tpu.memory_space<vmem>>
    %dma_start3A_23 = arith.constant 0 : i32
    %dma_start3A_24 = tpu.memref_slice %arg7[%dma_start3A_17, %dma_start3A_23] : memref<64x80xi32, #tpu.memory_space<vmem>> -> memref<1x80xi32, #tpu.memory_space<vmem>>
    %dma_start3A_25 = tpu.memref_squeeze %dma_start3A_24 : memref<1x80xi32, #tpu.memory_space<vmem>> -> memref<80xi32, #tpu.memory_space<vmem>>
    %dma_start3A_26 = arith.constant 0 : i32
    %dma_start3A_27 = arith.constant 0 : i32
    %dma_start3A_28 = tpu.memref_slice %arg2[%dma_start3A_26, %dma_start3A_27] : memref<20000x128xf32, #tpu.memory_space<hbm>> -> memref<20000x128xf32, #tpu.memory_space<hbm>>
    tpu.enqueue_indirect_dma source(%dma_start3A_28 : memref<20000x128xf32, #tpu.memory_space<hbm>>) target(%dma_start3A_22 : memref<80x128xf32, #tpu.memory_space<vmem>>) offsets(%dma_start3A_25 : memref<80xi32, #tpu.memory_space<vmem>>) semaphore(%arg11 : memref<!tpu.dma_semaphore, #tpu.memory_space<semaphore_mem>>)
    %scan3A_29 = arith.constant 0 : i32
    %scan3A_30 = arith.constant 0 : i32
    %scan3A_31 = arith.constant 61 : i32
    %scan3A_32 = arith.addi %scan3A_30, %scan3A_31 : i32
    %scan3A_33 = arith.constant 1 : i32
    scf.for %scan3A_36 = %scan3A_30 to %scan3A_32 step %scan3A_33  : i32 {
      %rem3A = arith.constant 2 : i32
      %rem3A_37 = arith.remsi %scan3A_36, %rem3A : i32
      %dma_wait3A = arith.constant 0 : i32
      %dma_wait3A_38 = arith.constant 0 : i32
      %dma_wait3A_39 = tpu.memref_slice %arg9[%rem3A_37, %dma_wait3A, %dma_wait3A_38] : memref<2x80x128xf32, #tpu.memory_space<vmem>> -> memref<1x80x128xf32, #tpu.memory_space<vmem>>
      %dma_wait3A_40 = tpu.memref_squeeze %dma_wait3A_39 : memref<1x80x128xf32, #tpu.memory_space<vmem>> -> memref<80x128xf32, #tpu.memory_space<vmem>>
      %dma_wait3A_41 = arith.constant 0 : i32
      %dma_wait3A_42 = tpu.memref_slice %arg7[%scan3A_36, %dma_wait3A_41] : memref<64x80xi32, #tpu.memory_space<vmem>> -> memref<1x80xi32, #tpu.memory_space<vmem>>
      %dma_wait3A_43 = tpu.memref_squeeze %dma_wait3A_42 : memref<1x80xi32, #tpu.memory_space<vmem>> -> memref<80xi32, #tpu.memory_space<vmem>>
      %dma_wait3A_44 = arith.constant 0 : i32
      %dma_wait3A_45 = arith.constant 0 : i32
      %dma_wait3A_46 = tpu.memref_slice %arg2[%dma_wait3A_44, %dma_wait3A_45] : memref<20000x128xf32, #tpu.memory_space<hbm>> -> memref<20000x128xf32, #tpu.memory_space<hbm>>
      tpu.wait_indirect_dma semaphore(%arg11 : memref<!tpu.dma_semaphore, #tpu.memory_space<semaphore_mem>>) src(%dma_wait3A_46 : memref<20000x128xf32, #tpu.memory_space<hbm>>) dst(%dma_wait3A_40 : memref<80x128xf32, #tpu.memory_space<vmem>>)
      %add3A = arith.constant 1 : i32
      %add3A_47 = arith.addi %scan3A_36, %add3A : i32
      %lt3A = arith.constant 61 : i32
      %lt3A_48 = arith.cmpi slt, %add3A_47, %lt3A : i32
      %convert_element_type3A = arith.extui %lt3A_48 : i1 to i32
      %cond3A = arith.constant 0 : i32
      %cond3A_49 = arith.cmpi ne, %convert_element_type3A, %cond3A : i32
      scf.if %cond3A_49 {
        %add3A_50 = arith.constant 1 : i32
        %add3A_51 = arith.addi %scan3A_36, %add3A_50 : i32
        %sub3A = arith.constant 1 : i32
        %sub3A_52 = arith.subi %sub3A, %rem3A_37 : i32
        %dma_start3A_53 = arith.constant 0 : i32
        %dma_start3A_54 = arith.constant 0 : i32
        %dma_start3A_55 = tpu.memref_slice %arg9[%sub3A_52, %dma_start3A_53, %dma_start3A_54] : memref<2x80x128xf32, #tpu.memory_space<vmem>> -> memref<1x80x128xf32, #tpu.memory_space<vmem>>
        %dma_start3A_56 = tpu.memref_squeeze %dma_start3A_55 : memref<1x80x128xf32, #tpu.memory_space<vmem>> -> memref<80x128xf32, #tpu.memory_space<vmem>>
        %dma_start3A_57 = arith.constant 0 : i32
        %dma_start3A_58 = tpu.memref_slice %arg7[%add3A_51, %dma_start3A_57] : memref<64x80xi32, #tpu.memory_space<vmem>> -> memref<1x80xi32, #tpu.memory_space<vmem>>
        %dma_start3A_59 = tpu.memref_squeeze %dma_start3A_58 : memref<1x80xi32, #tpu.memory_space<vmem>> -> memref<80xi32, #tpu.memory_space<vmem>>
        %dma_start3A_60 = arith.constant 0 : i32
        %dma_start3A_61 = arith.constant 0 : i32
        %dma_start3A_62 = tpu.memref_slice %arg2[%dma_start3A_60, %dma_start3A_61] : memref<20000x128xf32, #tpu.memory_space<hbm>> -> memref<20000x128xf32, #tpu.memory_space<hbm>>
        tpu.enqueue_indirect_dma source(%dma_start3A_62 : memref<20000x128xf32, #tpu.memory_space<hbm>>) target(%dma_start3A_56 : memref<80x128xf32, #tpu.memory_space<vmem>>) offsets(%dma_start3A_59 : memref<80xi32, #tpu.memory_space<vmem>>) semaphore(%arg11 : memref<!tpu.dma_semaphore, #tpu.memory_space<semaphore_mem>>)
      } else {
      }
      "tpu.region"() ({
        %run_scoped3A = tpu.sem_alloc : memref<!tpu.dma_semaphore, #tpu.memory_space<semaphore_mem>>
        %dma_start3A_50 = arith.constant 0 : i32
        %dma_start3A_51 = arith.constant 0 : i32
        %dma_start3A_52 = tpu.memref_slice %arg9[%rem3A_37, %dma_start3A_50, %dma_start3A_51] : memref<2x80x128xf32, #tpu.memory_space<vmem>> -> memref<1x80x128xf32, #tpu.memory_space<vmem>>
        %dma_start3A_53 = tpu.memref_squeeze %dma_start3A_52 : memref<1x80x128xf32, #tpu.memory_space<vmem>> -> memref<80x128xf32, #tpu.memory_space<vmem>>
        %dma_start3A_54 = arith.constant 0 : i32
        %dma_start3A_55 = tpu.memref_slice %arg8[%scan3A_36, %dma_start3A_54] : memref<64x80xi32, #tpu.memory_space<vmem>> -> memref<1x80xi32, #tpu.memory_space<vmem>>
        %dma_start3A_56 = tpu.memref_squeeze %dma_start3A_55 : memref<1x80xi32, #tpu.memory_space<vmem>> -> memref<80xi32, #tpu.memory_space<vmem>>
        %dma_start3A_57 = arith.constant 0 : i32
        %dma_start3A_58 = arith.constant 0 : i32
        %dma_start3A_59 = tpu.memref_slice %arg10[%dma_start3A_57, %dma_start3A_58] : memref<10112x128xf32, #tpu.memory_space<vmem_shared>> -> memref<10112x128xf32, #tpu.memory_space<vmem_shared>>
        tpu.enqueue_indirect_dma source(%dma_start3A_53 : memref<80x128xf32, #tpu.memory_space<vmem>>) target(%dma_start3A_59 : memref<10112x128xf32, #tpu.memory_space<vmem_shared>>) offsets(%dma_start3A_56 : memref<80xi32, #tpu.memory_space<vmem>>) semaphore(%run_scoped3A : memref<!tpu.dma_semaphore, #tpu.memory_space<semaphore_mem>>) {add = true}
        %dma_wait3A_60 = arith.constant 0 : i32
        %dma_wait3A_61 = arith.constant 0 : i32
        %dma_wait3A_62 = tpu.memref_slice %arg9[%rem3A_37, %dma_wait3A_60, %dma_wait3A_61] : memref<2x80x128xf32, #tpu.memory_space<vmem>> -> memref<1x80x128xf32, #tpu.memory_space<vmem>>
        %dma_wait3A_63 = tpu.memref_squeeze %dma_wait3A_62 : memref<1x80x128xf32, #tpu.memory_space<vmem>> -> memref<80x128xf32, #tpu.memory_space<vmem>>
        %dma_wait3A_64 = arith.constant 0 : i32
        %dma_wait3A_65 = tpu.memref_slice %arg8[%scan3A_36, %dma_wait3A_64] : memref<64x80xi32, #tpu.memory_space<vmem>> -> memref<1x80xi32, #tpu.memory_space<vmem>>
        %dma_wait3A_66 = tpu.memref_squeeze %dma_wait3A_65 : memref<1x80xi32, #tpu.memory_space<vmem>> -> memref<80xi32, #tpu.memory_space<vmem>>
        %dma_wait3A_67 = arith.constant 0 : i32
        %dma_wait3A_68 = arith.constant 0 : i32
        %dma_wait3A_69 = tpu.memref_slice %arg10[%dma_wait3A_67, %dma_wait3A_68] : memref<10112x128xf32, #tpu.memory_space<vmem_shared>> -> memref<10112x128xf32, #tpu.memory_space<vmem_shared>>
        tpu.wait_indirect_dma semaphore(%run_scoped3A : memref<!tpu.dma_semaphore, #tpu.memory_space<semaphore_mem>>) src(%dma_wait3A_63 : memref<80x128xf32, #tpu.memory_space<vmem>>) dst(%dma_wait3A_69 : memref<10112x128xf32, #tpu.memory_space<vmem_shared>>)
        tpu.yield
      }) : () -> ()
    }
    %scan3A_34 = arith.constant 61 : i32
    %barrier3A_35 = arith.constant 0 : index
    tpu.barrier barrier_id(%barrier3A_35)
    "tpu.region"() ({
      %run_scoped3A = tpu.sem_alloc : memref<!tpu.dma_semaphore, #tpu.memory_space<semaphore_mem>>
      %dma_start3A_36 = arith.constant 0 : i32
      %dma_start3A_37 = tpu.memref_slice %arg6[%arg0, %mul3A_0, %dma_start3A_36] : memref<2x10112x128xf32, #tpu.memory_space<hbm>> -> memref<1x632x128xf32, #tpu.memory_space<hbm>>
      %dma_start3A_38 = tpu.memref_squeeze %dma_start3A_37 : memref<1x632x128xf32, #tpu.memory_space<hbm>> -> memref<632x128xf32, #tpu.memory_space<hbm>>
      %dma_start3A_39 = arith.constant 0 : i32
      %dma_start3A_40 = tpu.memref_slice %arg10[%mul3A_0, %dma_start3A_39] : memref<10112x128xf32, #tpu.memory_space<vmem_shared>> -> memref<632x128xf32, #tpu.memory_space<vmem_shared>>
      tpu.enqueue_dma source(%dma_start3A_40 : memref<632x128xf32, #tpu.memory_space<vmem_shared>>) target(%dma_start3A_38 : memref<632x128xf32, #tpu.memory_space<hbm>>) target_semaphore(%run_scoped3A : memref<!tpu.dma_semaphore, #tpu.memory_space<semaphore_mem>>)
      %dma_wait3A = arith.constant 0 : i32
      %dma_wait3A_41 = tpu.memref_slice %arg6[%arg0, %mul3A_0, %dma_wait3A] : memref<2x10112x128xf32, #tpu.memory_space<hbm>> -> memref<1x632x128xf32, #tpu.memory_space<hbm>>
      %dma_wait3A_42 = tpu.memref_squeeze %dma_wait3A_41 : memref<1x632x128xf32, #tpu.memory_space<hbm>> -> memref<632x128xf32, #tpu.memory_space<hbm>>
      %dma_wait3A_43 = arith.constant 0 : i32
      %dma_wait3A_44 = tpu.memref_slice %arg10[%mul3A_0, %dma_wait3A_43] : memref<10112x128xf32, #tpu.memory_space<vmem_shared>> -> memref<632x128xf32, #tpu.memory_space<vmem_shared>>
      tpu.wait_dma2 semaphore(%run_scoped3A : memref<!tpu.dma_semaphore, #tpu.memory_space<semaphore_mem>>) src(%dma_wait3A_44 : memref<632x128xf32, #tpu.memory_space<vmem_shared>>) dst(%dma_wait3A_42 : memref<632x128xf32, #tpu.memory_space<hbm>>)
      tpu.yield
    }) : () -> ()
    return
  }
}

#map = affine_map<(d0, d1) -> (0, 0)>
#map1 = affine_map<(d0, d1) -> (0, 0, 0, 0)>
#map2 = affine_map<(d0, d1) -> (0, 0, 0)>
module attributes {stable_mosaic.version = 14 : i64} {
  func.func @body(%arg0: i32, %arg1: i32, %arg2: memref<20000x128xf32, #tpu.memory_space<hbm>>, %arg3: memref<2x16x125x80xi32, #tpu.memory_space<hbm>>, %arg4: memref<2x16x125x80xi32, #tpu.memory_space<hbm>>, %arg5: memref<10112x128xf32, #tpu.memory_space<hbm>>, %arg6: memref<2x10112x128xf32, #tpu.memory_space<hbm>>, %arg7: memref<64x80xi32, #tpu.memory_space<vmem>>, %arg8: memref<64x80xi32, #tpu.memory_space<vmem>>, %arg9: memref<2x80x128xf32, #tpu.memory_space<vmem>>, %arg10: memref<10112x128xf32, #tpu.memory_space<vmem_shared>>, %arg11: memref<!tpu.dma_semaphore, #tpu.memory_space<semaphore_mem>>) attributes {dimension_semantics = [#tpu.dimension_semantics<core_parallel>, #tpu.dimension_semantics<subcore_parallel>], iteration_bounds = array<i64: 2, 16>, scalar_prefetch = 0 : i64, scratch_operands = 5 : i64, tpu.core_type = #tpu.core_type<sc_vector_subcore>, window_params = [{transform_indices = #map}, {transform_indices = #map1}, {transform_indices = #map1}, {transform_indices = #map}, {transform_indices = #map2}]} {
    %mul3A = arith.constant 632 : i32
    %mul3A_0 = arith.muli %arg1, %mul3A : i32
    "tpu.region"() ({
      %run_scoped3A = tpu.sem_alloc : memref<!tpu.dma_semaphore, #tpu.memory_space<semaphore_mem>>
      %dma_start3A_36 = arith.constant 0 : i32
      %dma_start3A_37 = tpu.memref_slice %arg10[%mul3A_0, %dma_start3A_36] : memref<10112x128xf32, #tpu.memory_space<vmem_shared>> -> memref<632x128xf32, #tpu.memory_space<vmem_shared>>
      %dma_start3A_38 = arith.constant 0 : i32
      %dma_start3A_39 = tpu.memref_slice %arg5[%mul3A_0, %dma_start3A_38] : memref<10112x128xf32, #tpu.memory_space<hbm>> -> memref<632x128xf32, #tpu.memory_space<hbm>>
      tpu.enqueue_dma source(%dma_start3A_39 : memref<632x128xf32, #tpu.memory_space<hbm>>) target(%dma_start3A_37 : memref<632x128xf32, #tpu.memory_space<vmem_shared>>) target_semaphore(%run_scoped3A : memref<!tpu.dma_semaphore, #tpu.memory_space<semaphore_mem>>)
      %dma_wait3A = arith.constant 0 : i32
      %dma_wait3A_40 = tpu.memref_slice %arg10[%mul3A_0, %dma_wait3A] : memref<10112x128xf32, #tpu.memory_space<vmem_shared>> -> memref<632x128xf32, #tpu.memory_space<vmem_shared>>
      %dma_wait3A_41 = arith.constant 0 : i32
      %dma_wait3A_42 = tpu.memref_slice %arg5[%mul3A_0, %dma_wait3A_41] : memref<10112x128xf32, #tpu.memory_space<hbm>> -> memref<632x128xf32, #tpu.memory_space<hbm>>
      tpu.wait_dma2 semaphore(%run_scoped3A : memref<!tpu.dma_semaphore, #tpu.memory_space<semaphore_mem>>) src(%dma_wait3A_42 : memref<632x128xf32, #tpu.memory_space<hbm>>) dst(%dma_wait3A_40 : memref<632x128xf32, #tpu.memory_space<vmem_shared>>)
      tpu.yield
    }) : () -> ()
    %barrier3A = arith.constant 0 : index
    tpu.barrier barrier_id(%barrier3A)
    "tpu.region"() ({
      %run_scoped3A = tpu.sem_alloc : memref<!tpu.dma_semaphore, #tpu.memory_space<semaphore_mem>>
      %dma_start3A_36 = arith.constant 0 : i32
      %dma_start3A_37 = arith.constant 0 : i32
      %dma_start3A_38 = tpu.memref_slice %arg7[%dma_start3A_36, %dma_start3A_37] : memref<64x80xi32, #tpu.memory_space<vmem>> -> memref<64x80xi32, #tpu.memory_space<vmem>>
      %dma_start3A_39 = arith.constant 0 : i32
      %dma_start3A_40 = arith.constant 0 : i32
      %dma_start3A_41 = tpu.memref_slice %arg3[%arg0, %arg1, %dma_start3A_39, %dma_start3A_40] : memref<2x16x125x80xi32, #tpu.memory_space<hbm>> -> memref<1x1x64x80xi32, #tpu.memory_space<hbm>>
      %dma_start3A_42 = tpu.memref_squeeze %dma_start3A_41 : memref<1x1x64x80xi32, #tpu.memory_space<hbm>> -> memref<64x80xi32, #tpu.memory_space<hbm>>
      %dma_start3A_43 = arith.constant 0 : i32
      %dma_start3A_44 = arith.constant 0 : i32
      %dma_start3A_45 = tpu.memref_slice %arg7[%dma_start3A_43, %dma_start3A_44] : memref<64x80xi32, #tpu.memory_space<vmem>> -> memref<64x80xi32, #tpu.memory_space<vmem>>
      %dma_start3A_46 = arith.constant 0 : i32
      %dma_start3A_47 = arith.constant 0 : i32
      %dma_start3A_48 = tpu.memref_slice %arg3[%arg0, %arg1, %dma_start3A_46, %dma_start3A_47] : memref<2x16x125x80xi32, #tpu.memory_space<hbm>> -> memref<1x1x64x80xi32, #tpu.memory_space<hbm>>
      %dma_start3A_49 = tpu.memref_squeeze %dma_start3A_48 : memref<1x1x64x80xi32, #tpu.memory_space<hbm>> -> memref<64x80xi32, #tpu.memory_space<hbm>>
      tpu.enqueue_dma source(%dma_start3A_49 : memref<64x80xi32, #tpu.memory_space<hbm>>) target(%dma_start3A_45 : memref<64x80xi32, #tpu.memory_space<vmem>>) target_semaphore(%run_scoped3A : memref<!tpu.dma_semaphore, #tpu.memory_space<semaphore_mem>>)
      %dma_wait3A = arith.constant 0 : i32
      %dma_wait3A_50 = arith.constant 0 : i32
      %dma_wait3A_51 = tpu.memref_slice %arg7[%dma_wait3A, %dma_wait3A_50] : memref<64x80xi32, #tpu.memory_space<vmem>> -> memref<64x80xi32, #tpu.memory_space<vmem>>
      %dma_wait3A_52 = arith.constant 0 : i32
      %dma_wait3A_53 = arith.constant 0 : i32
      %dma_wait3A_54 = tpu.memref_slice %arg3[%arg0, %arg1, %dma_wait3A_52, %dma_wait3A_53] : memref<2x16x125x80xi32, #tpu.memory_space<hbm>> -> memref<1x1x64x80xi32, #tpu.memory_space<hbm>>
      %dma_wait3A_55 = tpu.memref_squeeze %dma_wait3A_54 : memref<1x1x64x80xi32, #tpu.memory_space<hbm>> -> memref<64x80xi32, #tpu.memory_space<hbm>>
      %dma_wait3A_56 = arith.constant 0 : i32
      %dma_wait3A_57 = arith.constant 0 : i32
      %dma_wait3A_58 = tpu.memref_slice %arg7[%dma_wait3A_56, %dma_wait3A_57] : memref<64x80xi32, #tpu.memory_space<vmem>> -> memref<64x80xi32, #tpu.memory_space<vmem>>
      %dma_wait3A_59 = arith.constant 0 : i32
      %dma_wait3A_60 = arith.constant 0 : i32
      %dma_wait3A_61 = tpu.memref_slice %arg3[%arg0, %arg1, %dma_wait3A_59, %dma_wait3A_60] : memref<2x16x125x80xi32, #tpu.memory_space<hbm>> -> memref<1x1x64x80xi32, #tpu.memory_space<hbm>>
      %dma_wait3A_62 = tpu.memref_squeeze %dma_wait3A_61 : memref<1x1x64x80xi32, #tpu.memory_space<hbm>> -> memref<64x80xi32, #tpu.memory_space<hbm>>
      tpu.wait_dma2 semaphore(%run_scoped3A : memref<!tpu.dma_semaphore, #tpu.memory_space<semaphore_mem>>) src(%dma_wait3A_62 : memref<64x80xi32, #tpu.memory_space<hbm>>) dst(%dma_wait3A_58 : memref<64x80xi32, #tpu.memory_space<vmem>>)
      tpu.yield
    }) : () -> ()
    "tpu.region"() ({
      %run_scoped3A = tpu.sem_alloc : memref<!tpu.dma_semaphore, #tpu.memory_space<semaphore_mem>>
      %dma_start3A_36 = arith.constant 0 : i32
      %dma_start3A_37 = arith.constant 0 : i32
      %dma_start3A_38 = tpu.memref_slice %arg8[%dma_start3A_36, %dma_start3A_37] : memref<64x80xi32, #tpu.memory_space<vmem>> -> memref<64x80xi32, #tpu.memory_space<vmem>>
      %dma_start3A_39 = arith.constant 0 : i32
      %dma_start3A_40 = arith.constant 0 : i32
      %dma_start3A_41 = tpu.memref_slice %arg4[%arg0, %arg1, %dma_start3A_39, %dma_start3A_40] : memref<2x16x125x80xi32, #tpu.memory_space<hbm>> -> memref<1x1x64x80xi32, #tpu.memory_space<hbm>>
      %dma_start3A_42 = tpu.memref_squeeze %dma_start3A_41 : memref<1x1x64x80xi32, #tpu.memory_space<hbm>> -> memref<64x80xi32, #tpu.memory_space<hbm>>
      %dma_start3A_43 = arith.constant 0 : i32
      %dma_start3A_44 = arith.constant 0 : i32
      %dma_start3A_45 = tpu.memref_slice %arg8[%dma_start3A_43, %dma_start3A_44] : memref<64x80xi32, #tpu.memory_space<vmem>> -> memref<64x80xi32, #tpu.memory_space<vmem>>
      %dma_start3A_46 = arith.constant 0 : i32
      %dma_start3A_47 = arith.constant 0 : i32
      %dma_start3A_48 = tpu.memref_slice %arg4[%arg0, %arg1, %dma_start3A_46, %dma_start3A_47] : memref<2x16x125x80xi32, #tpu.memory_space<hbm>> -> memref<1x1x64x80xi32, #tpu.memory_space<hbm>>
      %dma_start3A_49 = tpu.memref_squeeze %dma_start3A_48 : memref<1x1x64x80xi32, #tpu.memory_space<hbm>> -> memref<64x80xi32, #tpu.memory_space<hbm>>
      tpu.enqueue_dma source(%dma_start3A_49 : memref<64x80xi32, #tpu.memory_space<hbm>>) target(%dma_start3A_45 : memref<64x80xi32, #tpu.memory_space<vmem>>) target_semaphore(%run_scoped3A : memref<!tpu.dma_semaphore, #tpu.memory_space<semaphore_mem>>)
      %dma_wait3A = arith.constant 0 : i32
      %dma_wait3A_50 = arith.constant 0 : i32
      %dma_wait3A_51 = tpu.memref_slice %arg8[%dma_wait3A, %dma_wait3A_50] : memref<64x80xi32, #tpu.memory_space<vmem>> -> memref<64x80xi32, #tpu.memory_space<vmem>>
      %dma_wait3A_52 = arith.constant 0 : i32
      %dma_wait3A_53 = arith.constant 0 : i32
      %dma_wait3A_54 = tpu.memref_slice %arg4[%arg0, %arg1, %dma_wait3A_52, %dma_wait3A_53] : memref<2x16x125x80xi32, #tpu.memory_space<hbm>> -> memref<1x1x64x80xi32, #tpu.memory_space<hbm>>
      %dma_wait3A_55 = tpu.memref_squeeze %dma_wait3A_54 : memref<1x1x64x80xi32, #tpu.memory_space<hbm>> -> memref<64x80xi32, #tpu.memory_space<hbm>>
      %dma_wait3A_56 = arith.constant 0 : i32
      %dma_wait3A_57 = arith.constant 0 : i32
      %dma_wait3A_58 = tpu.memref_slice %arg8[%dma_wait3A_56, %dma_wait3A_57] : memref<64x80xi32, #tpu.memory_space<vmem>> -> memref<64x80xi32, #tpu.memory_space<vmem>>
      %dma_wait3A_59 = arith.constant 0 : i32
      %dma_wait3A_60 = arith.constant 0 : i32
      %dma_wait3A_61 = tpu.memref_slice %arg4[%arg0, %arg1, %dma_wait3A_59, %dma_wait3A_60] : memref<2x16x125x80xi32, #tpu.memory_space<hbm>> -> memref<1x1x64x80xi32, #tpu.memory_space<hbm>>
      %dma_wait3A_62 = tpu.memref_squeeze %dma_wait3A_61 : memref<1x1x64x80xi32, #tpu.memory_space<hbm>> -> memref<64x80xi32, #tpu.memory_space<hbm>>
      tpu.wait_dma2 semaphore(%run_scoped3A : memref<!tpu.dma_semaphore, #tpu.memory_space<semaphore_mem>>) src(%dma_wait3A_62 : memref<64x80xi32, #tpu.memory_space<hbm>>) dst(%dma_wait3A_58 : memref<64x80xi32, #tpu.memory_space<vmem>>)
      tpu.yield
    }) : () -> ()
    %dma_start3A = arith.constant 0 : i32
    %dma_start3A_1 = arith.constant 0 : i32
    %dma_start3A_2 = arith.constant 0 : i32
    %dma_start3A_3 = arith.constant 0 : i32
    %dma_start3A_4 = tpu.memref_slice %arg9[%dma_start3A_1, %dma_start3A_2, %dma_start3A_3] : memref<2x80x128xf32, #tpu.memory_space<vmem>> -> memref<1x80x128xf32, #tpu.memory_space<vmem>>
    %dma_start3A_5 = tpu.memref_squeeze %dma_start3A_4 : memref<1x80x128xf32, #tpu.memory_space<vmem>> -> memref<80x128xf32, #tpu.memory_space<vmem>>
    %dma_start3A_6 = arith.constant 0 : i32
    %dma_start3A_7 = tpu.memref_slice %arg7[%dma_start3A, %dma_start3A_6] : memref<64x80xi32, #tpu.memory_space<vmem>> -> memref<1x80xi32, #tpu.memory_space<vmem>>
    %dma_start3A_8 = tpu.memref_squeeze %dma_start3A_7 : memref<1x80xi32, #tpu.memory_space<vmem>> -> memref<80xi32, #tpu.memory_space<vmem>>
    %dma_start3A_9 = arith.constant 0 : i32
    %dma_start3A_10 = arith.constant 0 : i32
    %dma_start3A_11 = tpu.memref_slice %arg2[%dma_start3A_9, %dma_start3A_10] : memref<20000x128xf32, #tpu.memory_space<hbm>> -> memref<20000x128xf32, #tpu.memory_space<hbm>>
    tpu.enqueue_indirect_dma source(%dma_start3A_11 : memref<20000x128xf32, #tpu.memory_space<hbm>>) target(%dma_start3A_5 : memref<80x128xf32, #tpu.memory_space<vmem>>) offsets(%dma_start3A_8 : memref<80xi32, #tpu.memory_space<vmem>>) semaphore(%arg11 : memref<!tpu.dma_semaphore, #tpu.memory_space<semaphore_mem>>)
    %scan3A = arith.constant 0 : i32
    %scan3A_12 = arith.constant 0 : i32
    %scan3A_13 = arith.constant 64 : i32
    %scan3A_14 = arith.addi %scan3A_12, %scan3A_13 : i32
    %scan3A_15 = arith.constant 1 : i32
    scf.for %scan3A_36 = %scan3A_12 to %scan3A_14 step %scan3A_15  : i32 {
      %rem3A = arith.constant 2 : i32
      %rem3A_37 = arith.remsi %scan3A_36, %rem3A : i32
      %dma_wait3A = arith.constant 0 : i32
      %dma_wait3A_38 = arith.constant 0 : i32
      %dma_wait3A_39 = tpu.memref_slice %arg9[%rem3A_37, %dma_wait3A, %dma_wait3A_38] : memref<2x80x128xf32, #tpu.memory_space<vmem>> -> memref<1x80x128xf32, #tpu.memory_space<vmem>>
      %dma_wait3A_40 = tpu.memref_squeeze %dma_wait3A_39 : memref<1x80x128xf32, #tpu.memory_space<vmem>> -> memref<80x128xf32, #tpu.memory_space<vmem>>
      %dma_wait3A_41 = arith.constant 0 : i32
      %dma_wait3A_42 = tpu.memref_slice %arg7[%scan3A_36, %dma_wait3A_41] : memref<64x80xi32, #tpu.memory_space<vmem>> -> memref<1x80xi32, #tpu.memory_space<vmem>>
      %dma_wait3A_43 = tpu.memref_squeeze %dma_wait3A_42 : memref<1x80xi32, #tpu.memory_space<vmem>> -> memref<80xi32, #tpu.memory_space<vmem>>
      %dma_wait3A_44 = arith.constant 0 : i32
      %dma_wait3A_45 = arith.constant 0 : i32
      %dma_wait3A_46 = tpu.memref_slice %arg2[%dma_wait3A_44, %dma_wait3A_45] : memref<20000x128xf32, #tpu.memory_space<hbm>> -> memref<20000x128xf32, #tpu.memory_space<hbm>>
      tpu.wait_indirect_dma semaphore(%arg11 : memref<!tpu.dma_semaphore, #tpu.memory_space<semaphore_mem>>) src(%dma_wait3A_46 : memref<20000x128xf32, #tpu.memory_space<hbm>>) dst(%dma_wait3A_40 : memref<80x128xf32, #tpu.memory_space<vmem>>)
      %add3A = arith.constant 1 : i32
      %add3A_47 = arith.addi %scan3A_36, %add3A : i32
      %lt3A = arith.constant 64 : i32
      %lt3A_48 = arith.cmpi slt, %add3A_47, %lt3A : i32
      %convert_element_type3A = arith.extui %lt3A_48 : i1 to i32
      %cond3A = arith.constant 0 : i32
      %cond3A_49 = arith.cmpi ne, %convert_element_type3A, %cond3A : i32
      scf.if %cond3A_49 {
        %add3A_50 = arith.constant 1 : i32
        %add3A_51 = arith.addi %scan3A_36, %add3A_50 : i32
        %sub3A = arith.constant 1 : i32
        %sub3A_52 = arith.subi %sub3A, %rem3A_37 : i32
        %dma_start3A_53 = arith.constant 0 : i32
        %dma_start3A_54 = arith.constant 0 : i32
        %dma_start3A_55 = tpu.memref_slice %arg9[%sub3A_52, %dma_start3A_53, %dma_start3A_54] : memref<2x80x128xf32, #tpu.memory_space<vmem>> -> memref<1x80x128xf32, #tpu.memory_space<vmem>>
        %dma_start3A_56 = tpu.memref_squeeze %dma_start3A_55 : memref<1x80x128xf32, #tpu.memory_space<vmem>> -> memref<80x128xf32, #tpu.memory_space<vmem>>
        %dma_start3A_57 = arith.constant 0 : i32
        %dma_start3A_58 = tpu.memref_slice %arg7[%add3A_51, %dma_start3A_57] : memref<64x80xi32, #tpu.memory_space<vmem>> -> memref<1x80xi32, #tpu.memory_space<vmem>>
        %dma_start3A_59 = tpu.memref_squeeze %dma_start3A_58 : memref<1x80xi32, #tpu.memory_space<vmem>> -> memref<80xi32, #tpu.memory_space<vmem>>
        %dma_start3A_60 = arith.constant 0 : i32
        %dma_start3A_61 = arith.constant 0 : i32
        %dma_start3A_62 = tpu.memref_slice %arg2[%dma_start3A_60, %dma_start3A_61] : memref<20000x128xf32, #tpu.memory_space<hbm>> -> memref<20000x128xf32, #tpu.memory_space<hbm>>
        tpu.enqueue_indirect_dma source(%dma_start3A_62 : memref<20000x128xf32, #tpu.memory_space<hbm>>) target(%dma_start3A_56 : memref<80x128xf32, #tpu.memory_space<vmem>>) offsets(%dma_start3A_59 : memref<80xi32, #tpu.memory_space<vmem>>) semaphore(%arg11 : memref<!tpu.dma_semaphore, #tpu.memory_space<semaphore_mem>>)
      } else {
      }
      "tpu.region"() ({
        %run_scoped3A = tpu.sem_alloc : memref<!tpu.dma_semaphore, #tpu.memory_space<semaphore_mem>>
        %dma_start3A_50 = arith.constant 0 : i32
        %dma_start3A_51 = arith.constant 0 : i32
        %dma_start3A_52 = tpu.memref_slice %arg9[%rem3A_37, %dma_start3A_50, %dma_start3A_51] : memref<2x80x128xf32, #tpu.memory_space<vmem>> -> memref<1x80x128xf32, #tpu.memory_space<vmem>>
        %dma_start3A_53 = tpu.memref_squeeze %dma_start3A_52 : memref<1x80x128xf32, #tpu.memory_space<vmem>> -> memref<80x128xf32, #tpu.memory_space<vmem>>
        %dma_start3A_54 = arith.constant 0 : i32
        %dma_start3A_55 = tpu.memref_slice %arg8[%scan3A_36, %dma_start3A_54] : memref<64x80xi32, #tpu.memory_space<vmem>> -> memref<1x80xi32, #tpu.memory_space<vmem>>
        %dma_start3A_56 = tpu.memref_squeeze %dma_start3A_55 : memref<1x80xi32, #tpu.memory_space<vmem>> -> memref<80xi32, #tpu.memory_space<vmem>>
        %dma_start3A_57 = arith.constant 0 : i32
        %dma_start3A_58 = arith.constant 0 : i32
        %dma_start3A_59 = tpu.memref_slice %arg10[%dma_start3A_57, %dma_start3A_58] : memref<10112x128xf32, #tpu.memory_space<vmem_shared>> -> memref<10112x128xf32, #tpu.memory_space<vmem_shared>>
        tpu.enqueue_indirect_dma source(%dma_start3A_53 : memref<80x128xf32, #tpu.memory_space<vmem>>) target(%dma_start3A_59 : memref<10112x128xf32, #tpu.memory_space<vmem_shared>>) offsets(%dma_start3A_56 : memref<80xi32, #tpu.memory_space<vmem>>) semaphore(%run_scoped3A : memref<!tpu.dma_semaphore, #tpu.memory_space<semaphore_mem>>) {add = true}
        %dma_wait3A_60 = arith.constant 0 : i32
        %dma_wait3A_61 = arith.constant 0 : i32
        %dma_wait3A_62 = tpu.memref_slice %arg9[%rem3A_37, %dma_wait3A_60, %dma_wait3A_61] : memref<2x80x128xf32, #tpu.memory_space<vmem>> -> memref<1x80x128xf32, #tpu.memory_space<vmem>>
        %dma_wait3A_63 = tpu.memref_squeeze %dma_wait3A_62 : memref<1x80x128xf32, #tpu.memory_space<vmem>> -> memref<80x128xf32, #tpu.memory_space<vmem>>
        %dma_wait3A_64 = arith.constant 0 : i32
        %dma_wait3A_65 = tpu.memref_slice %arg8[%scan3A_36, %dma_wait3A_64] : memref<64x80xi32, #tpu.memory_space<vmem>> -> memref<1x80xi32, #tpu.memory_space<vmem>>
        %dma_wait3A_66 = tpu.memref_squeeze %dma_wait3A_65 : memref<1x80xi32, #tpu.memory_space<vmem>> -> memref<80xi32, #tpu.memory_space<vmem>>
        %dma_wait3A_67 = arith.constant 0 : i32
        %dma_wait3A_68 = arith.constant 0 : i32
        %dma_wait3A_69 = tpu.memref_slice %arg10[%dma_wait3A_67, %dma_wait3A_68] : memref<10112x128xf32, #tpu.memory_space<vmem_shared>> -> memref<10112x128xf32, #tpu.memory_space<vmem_shared>>
        tpu.wait_indirect_dma semaphore(%run_scoped3A : memref<!tpu.dma_semaphore, #tpu.memory_space<semaphore_mem>>) src(%dma_wait3A_63 : memref<80x128xf32, #tpu.memory_space<vmem>>) dst(%dma_wait3A_69 : memref<10112x128xf32, #tpu.memory_space<vmem_shared>>)
        tpu.yield
      }) : () -> ()
    }
    %scan3A_16 = arith.constant 64 : i32
    "tpu.region"() ({
      %run_scoped3A = tpu.sem_alloc : memref<!tpu.dma_semaphore, #tpu.memory_space<semaphore_mem>>
      %dma_start3A_36 = arith.constant 0 : i32
      %dma_start3A_37 = arith.constant 0 : i32
      %dma_start3A_38 = tpu.memref_slice %arg7[%dma_start3A_36, %dma_start3A_37] : memref<64x80xi32, #tpu.memory_space<vmem>> -> memref<61x80xi32, #tpu.memory_space<vmem>>
      %dma_start3A_39 = arith.constant 64 : i32
      %dma_start3A_40 = arith.constant 0 : i32
      %dma_start3A_41 = tpu.memref_slice %arg3[%arg0, %arg1, %dma_start3A_39, %dma_start3A_40] : memref<2x16x125x80xi32, #tpu.memory_space<hbm>> -> memref<1x1x61x80xi32, #tpu.memory_space<hbm>>
      %dma_start3A_42 = tpu.memref_squeeze %dma_start3A_41 : memref<1x1x61x80xi32, #tpu.memory_space<hbm>> -> memref<61x80xi32, #tpu.memory_space<hbm>>
      %dma_start3A_43 = arith.constant 0 : i32
      %dma_start3A_44 = arith.constant 0 : i32
      %dma_start3A_45 = tpu.memref_slice %arg7[%dma_start3A_43, %dma_start3A_44] : memref<64x80xi32, #tpu.memory_space<vmem>> -> memref<61x80xi32, #tpu.memory_space<vmem>>
      %dma_start3A_46 = arith.constant 64 : i32
      %dma_start3A_47 = arith.constant 0 : i32
      %dma_start3A_48 = tpu.memref_slice %arg3[%arg0, %arg1, %dma_start3A_46, %dma_start3A_47] : memref<2x16x125x80xi32, #tpu.memory_space<hbm>> -> memref<1x1x61x80xi32, #tpu.memory_space<hbm>>
      %dma_start3A_49 = tpu.memref_squeeze %dma_start3A_48 : memref<1x1x61x80xi32, #tpu.memory_space<hbm>> -> memref<61x80xi32, #tpu.memory_space<hbm>>
      tpu.enqueue_dma source(%dma_start3A_49 : memref<61x80xi32, #tpu.memory_space<hbm>>) target(%dma_start3A_45 : memref<61x80xi32, #tpu.memory_space<vmem>>) target_semaphore(%run_scoped3A : memref<!tpu.dma_semaphore, #tpu.memory_space<semaphore_mem>>)
      %dma_wait3A = arith.constant 0 : i32
      %dma_wait3A_50 = arith.constant 0 : i32
      %dma_wait3A_51 = tpu.memref_slice %arg7[%dma_wait3A, %dma_wait3A_50] : memref<64x80xi32, #tpu.memory_space<vmem>> -> memref<61x80xi32, #tpu.memory_space<vmem>>
      %dma_wait3A_52 = arith.constant 64 : i32
      %dma_wait3A_53 = arith.constant 0 : i32
      %dma_wait3A_54 = tpu.memref_slice %arg3[%arg0, %arg1, %dma_wait3A_52, %dma_wait3A_53] : memref<2x16x125x80xi32, #tpu.memory_space<hbm>> -> memref<1x1x61x80xi32, #tpu.memory_space<hbm>>
      %dma_wait3A_55 = tpu.memref_squeeze %dma_wait3A_54 : memref<1x1x61x80xi32, #tpu.memory_space<hbm>> -> memref<61x80xi32, #tpu.memory_space<hbm>>
      %dma_wait3A_56 = arith.constant 0 : i32
      %dma_wait3A_57 = arith.constant 0 : i32
      %dma_wait3A_58 = tpu.memref_slice %arg7[%dma_wait3A_56, %dma_wait3A_57] : memref<64x80xi32, #tpu.memory_space<vmem>> -> memref<61x80xi32, #tpu.memory_space<vmem>>
      %dma_wait3A_59 = arith.constant 64 : i32
      %dma_wait3A_60 = arith.constant 0 : i32
      %dma_wait3A_61 = tpu.memref_slice %arg3[%arg0, %arg1, %dma_wait3A_59, %dma_wait3A_60] : memref<2x16x125x80xi32, #tpu.memory_space<hbm>> -> memref<1x1x61x80xi32, #tpu.memory_space<hbm>>
      %dma_wait3A_62 = tpu.memref_squeeze %dma_wait3A_61 : memref<1x1x61x80xi32, #tpu.memory_space<hbm>> -> memref<61x80xi32, #tpu.memory_space<hbm>>
      tpu.wait_dma2 semaphore(%run_scoped3A : memref<!tpu.dma_semaphore, #tpu.memory_space<semaphore_mem>>) src(%dma_wait3A_62 : memref<61x80xi32, #tpu.memory_space<hbm>>) dst(%dma_wait3A_58 : memref<61x80xi32, #tpu.memory_space<vmem>>)
      tpu.yield
    }) : () -> ()
    "tpu.region"() ({
      %run_scoped3A = tpu.sem_alloc : memref<!tpu.dma_semaphore, #tpu.memory_space<semaphore_mem>>
      %dma_start3A_36 = arith.constant 0 : i32
      %dma_start3A_37 = arith.constant 0 : i32
      %dma_start3A_38 = tpu.memref_slice %arg8[%dma_start3A_36, %dma_start3A_37] : memref<64x80xi32, #tpu.memory_space<vmem>> -> memref<61x80xi32, #tpu.memory_space<vmem>>
      %dma_start3A_39 = arith.constant 64 : i32
      %dma_start3A_40 = arith.constant 0 : i32
      %dma_start3A_41 = tpu.memref_slice %arg4[%arg0, %arg1, %dma_start3A_39, %dma_start3A_40] : memref<2x16x125x80xi32, #tpu.memory_space<hbm>> -> memref<1x1x61x80xi32, #tpu.memory_space<hbm>>
      %dma_start3A_42 = tpu.memref_squeeze %dma_start3A_41 : memref<1x1x61x80xi32, #tpu.memory_space<hbm>> -> memref<61x80xi32, #tpu.memory_space<hbm>>
      %dma_start3A_43 = arith.constant 0 : i32
      %dma_start3A_44 = arith.constant 0 : i32
      %dma_start3A_45 = tpu.memref_slice %arg8[%dma_start3A_43, %dma_start3A_44] : memref<64x80xi32, #tpu.memory_space<vmem>> -> memref<61x80xi32, #tpu.memory_space<vmem>>
      %dma_start3A_46 = arith.constant 64 : i32
      %dma_start3A_47 = arith.constant 0 : i32
      %dma_start3A_48 = tpu.memref_slice %arg4[%arg0, %arg1, %dma_start3A_46, %dma_start3A_47] : memref<2x16x125x80xi32, #tpu.memory_space<hbm>> -> memref<1x1x61x80xi32, #tpu.memory_space<hbm>>
      %dma_start3A_49 = tpu.memref_squeeze %dma_start3A_48 : memref<1x1x61x80xi32, #tpu.memory_space<hbm>> -> memref<61x80xi32, #tpu.memory_space<hbm>>
      tpu.enqueue_dma source(%dma_start3A_49 : memref<61x80xi32, #tpu.memory_space<hbm>>) target(%dma_start3A_45 : memref<61x80xi32, #tpu.memory_space<vmem>>) target_semaphore(%run_scoped3A : memref<!tpu.dma_semaphore, #tpu.memory_space<semaphore_mem>>)
      %dma_wait3A = arith.constant 0 : i32
      %dma_wait3A_50 = arith.constant 0 : i32
      %dma_wait3A_51 = tpu.memref_slice %arg8[%dma_wait3A, %dma_wait3A_50] : memref<64x80xi32, #tpu.memory_space<vmem>> -> memref<61x80xi32, #tpu.memory_space<vmem>>
      %dma_wait3A_52 = arith.constant 64 : i32
      %dma_wait3A_53 = arith.constant 0 : i32
      %dma_wait3A_54 = tpu.memref_slice %arg4[%arg0, %arg1, %dma_wait3A_52, %dma_wait3A_53] : memref<2x16x125x80xi32, #tpu.memory_space<hbm>> -> memref<1x1x61x80xi32, #tpu.memory_space<hbm>>
      %dma_wait3A_55 = tpu.memref_squeeze %dma_wait3A_54 : memref<1x1x61x80xi32, #tpu.memory_space<hbm>> -> memref<61x80xi32, #tpu.memory_space<hbm>>
      %dma_wait3A_56 = arith.constant 0 : i32
      %dma_wait3A_57 = arith.constant 0 : i32
      %dma_wait3A_58 = tpu.memref_slice %arg8[%dma_wait3A_56, %dma_wait3A_57] : memref<64x80xi32, #tpu.memory_space<vmem>> -> memref<61x80xi32, #tpu.memory_space<vmem>>
      %dma_wait3A_59 = arith.constant 64 : i32
      %dma_wait3A_60 = arith.constant 0 : i32
      %dma_wait3A_61 = tpu.memref_slice %arg4[%arg0, %arg1, %dma_wait3A_59, %dma_wait3A_60] : memref<2x16x125x80xi32, #tpu.memory_space<hbm>> -> memref<1x1x61x80xi32, #tpu.memory_space<hbm>>
      %dma_wait3A_62 = tpu.memref_squeeze %dma_wait3A_61 : memref<1x1x61x80xi32, #tpu.memory_space<hbm>> -> memref<61x80xi32, #tpu.memory_space<hbm>>
      tpu.wait_dma2 semaphore(%run_scoped3A : memref<!tpu.dma_semaphore, #tpu.memory_space<semaphore_mem>>) src(%dma_wait3A_62 : memref<61x80xi32, #tpu.memory_space<hbm>>) dst(%dma_wait3A_58 : memref<61x80xi32, #tpu.memory_space<vmem>>)
      tpu.yield
    }) : () -> ()
    %dma_start3A_17 = arith.constant 0 : i32
    %dma_start3A_18 = arith.constant 0 : i32
    %dma_start3A_19 = arith.constant 0 : i32
    %dma_start3A_20 = arith.constant 0 : i32
    %dma_start3A_21 = tpu.memref_slice %arg9[%dma_start3A_18, %dma_start3A_19, %dma_start3A_20] : memref<2x80x128xf32, #tpu.memory_space<vmem>> -> memref<1x80x128xf32, #tpu.memory_space<vmem>>
    %dma_start3A_22 = tpu.memref_squeeze %dma_start3A_21 : memref<1x80x128xf32, #tpu.memory_space<vmem>> -> memref<80x128xf32, #tpu.memory_space<vmem>>
    %dma_start3A_23 = arith.constant 0 : i32
    %dma_start3A_24 = tpu.memref_slice %arg7[%dma_start3A_17, %dma_start3A_23] : memref<64x80xi32, #tpu.memory_space<vmem>> -> memref<1x80xi32, #tpu.memory_space<vmem>>
    %dma_start3A_25 = tpu.memref_squeeze %dma_start3A_24 : memref<1x80xi32, #tpu.memory_space<vmem>> -> memref<80xi32, #tpu.memory_space<vmem>>
    %dma_start3A_26 = arith.constant 0 : i32
    %dma_start3A_27 = arith.constant 0 : i32
    %dma_start3A_28 = tpu.memref_slice %arg2[%dma_start3A_26, %dma_start3A_27] : memref<20000x128xf32, #tpu.memory_space<hbm>> -> memref<20000x128xf32, #tpu.memory_space<hbm>>
    tpu.enqueue_indirect_dma source(%dma_start3A_28 : memref<20000x128xf32, #tpu.memory_space<hbm>>) target(%dma_start3A_22 : memref<80x128xf32, #tpu.memory_space<vmem>>) offsets(%dma_start3A_25 : memref<80xi32, #tpu.memory_space<vmem>>) semaphore(%arg11 : memref<!tpu.dma_semaphore, #tpu.memory_space<semaphore_mem>>)
    %scan3A_29 = arith.constant 0 : i32
    %scan3A_30 = arith.constant 0 : i32
    %scan3A_31 = arith.constant 61 : i32
    %scan3A_32 = arith.addi %scan3A_30, %scan3A_31 : i32
    %scan3A_33 = arith.constant 1 : i32
    scf.for %scan3A_36 = %scan3A_30 to %scan3A_32 step %scan3A_33  : i32 {
      %rem3A = arith.constant 2 : i32
      %rem3A_37 = arith.remsi %scan3A_36, %rem3A : i32
      %dma_wait3A = arith.constant 0 : i32
      %dma_wait3A_38 = arith.constant 0 : i32
      %dma_wait3A_39 = tpu.memref_slice %arg9[%rem3A_37, %dma_wait3A, %dma_wait3A_38] : memref<2x80x128xf32, #tpu.memory_space<vmem>> -> memref<1x80x128xf32, #tpu.memory_space<vmem>>
      %dma_wait3A_40 = tpu.memref_squeeze %dma_wait3A_39 : memref<1x80x128xf32, #tpu.memory_space<vmem>> -> memref<80x128xf32, #tpu.memory_space<vmem>>
      %dma_wait3A_41 = arith.constant 0 : i32
      %dma_wait3A_42 = tpu.memref_slice %arg7[%scan3A_36, %dma_wait3A_41] : memref<64x80xi32, #tpu.memory_space<vmem>> -> memref<1x80xi32, #tpu.memory_space<vmem>>
      %dma_wait3A_43 = tpu.memref_squeeze %dma_wait3A_42 : memref<1x80xi32, #tpu.memory_space<vmem>> -> memref<80xi32, #tpu.memory_space<vmem>>
      %dma_wait3A_44 = arith.constant 0 : i32
      %dma_wait3A_45 = arith.constant 0 : i32
      %dma_wait3A_46 = tpu.memref_slice %arg2[%dma_wait3A_44, %dma_wait3A_45] : memref<20000x128xf32, #tpu.memory_space<hbm>> -> memref<20000x128xf32, #tpu.memory_space<hbm>>
      tpu.wait_indirect_dma semaphore(%arg11 : memref<!tpu.dma_semaphore, #tpu.memory_space<semaphore_mem>>) src(%dma_wait3A_46 : memref<20000x128xf32, #tpu.memory_space<hbm>>) dst(%dma_wait3A_40 : memref<80x128xf32, #tpu.memory_space<vmem>>)
      %add3A = arith.constant 1 : i32
      %add3A_47 = arith.addi %scan3A_36, %add3A : i32
      %lt3A = arith.constant 61 : i32
      %lt3A_48 = arith.cmpi slt, %add3A_47, %lt3A : i32
      %convert_element_type3A = arith.extui %lt3A_48 : i1 to i32
      %cond3A = arith.constant 0 : i32
      %cond3A_49 = arith.cmpi ne, %convert_element_type3A, %cond3A : i32
      scf.if %cond3A_49 {
        %add3A_50 = arith.constant 1 : i32
        %add3A_51 = arith.addi %scan3A_36, %add3A_50 : i32
        %sub3A = arith.constant 1 : i32
        %sub3A_52 = arith.subi %sub3A, %rem3A_37 : i32
        %dma_start3A_53 = arith.constant 0 : i32
        %dma_start3A_54 = arith.constant 0 : i32
        %dma_start3A_55 = tpu.memref_slice %arg9[%sub3A_52, %dma_start3A_53, %dma_start3A_54] : memref<2x80x128xf32, #tpu.memory_space<vmem>> -> memref<1x80x128xf32, #tpu.memory_space<vmem>>
        %dma_start3A_56 = tpu.memref_squeeze %dma_start3A_55 : memref<1x80x128xf32, #tpu.memory_space<vmem>> -> memref<80x128xf32, #tpu.memory_space<vmem>>
        %dma_start3A_57 = arith.constant 0 : i32
        %dma_start3A_58 = tpu.memref_slice %arg7[%add3A_51, %dma_start3A_57] : memref<64x80xi32, #tpu.memory_space<vmem>> -> memref<1x80xi32, #tpu.memory_space<vmem>>
        %dma_start3A_59 = tpu.memref_squeeze %dma_start3A_58 : memref<1x80xi32, #tpu.memory_space<vmem>> -> memref<80xi32, #tpu.memory_space<vmem>>
        %dma_start3A_60 = arith.constant 0 : i32
        %dma_start3A_61 = arith.constant 0 : i32
        %dma_start3A_62 = tpu.memref_slice %arg2[%dma_start3A_60, %dma_start3A_61] : memref<20000x128xf32, #tpu.memory_space<hbm>> -> memref<20000x128xf32, #tpu.memory_space<hbm>>
        tpu.enqueue_indirect_dma source(%dma_start3A_62 : memref<20000x128xf32, #tpu.memory_space<hbm>>) target(%dma_start3A_56 : memref<80x128xf32, #tpu.memory_space<vmem>>) offsets(%dma_start3A_59 : memref<80xi32, #tpu.memory_space<vmem>>) semaphore(%arg11 : memref<!tpu.dma_semaphore, #tpu.memory_space<semaphore_mem>>)
      } else {
      }
      "tpu.region"() ({
        %run_scoped3A = tpu.sem_alloc : memref<!tpu.dma_semaphore, #tpu.memory_space<semaphore_mem>>
        %dma_start3A_50 = arith.constant 0 : i32
        %dma_start3A_51 = arith.constant 0 : i32
        %dma_start3A_52 = tpu.memref_slice %arg9[%rem3A_37, %dma_start3A_50, %dma_start3A_51] : memref<2x80x128xf32, #tpu.memory_space<vmem>> -> memref<1x80x128xf32, #tpu.memory_space<vmem>>
        %dma_start3A_53 = tpu.memref_squeeze %dma_start3A_52 : memref<1x80x128xf32, #tpu.memory_space<vmem>> -> memref<80x128xf32, #tpu.memory_space<vmem>>
        %dma_start3A_54 = arith.constant 0 : i32
        %dma_start3A_55 = tpu.memref_slice %arg8[%scan3A_36, %dma_start3A_54] : memref<64x80xi32, #tpu.memory_space<vmem>> -> memref<1x80xi32, #tpu.memory_space<vmem>>
        %dma_start3A_56 = tpu.memref_squeeze %dma_start3A_55 : memref<1x80xi32, #tpu.memory_space<vmem>> -> memref<80xi32, #tpu.memory_space<vmem>>
        %dma_start3A_57 = arith.constant 0 : i32
        %dma_start3A_58 = arith.constant 0 : i32
        %dma_start3A_59 = tpu.memref_slice %arg10[%dma_start3A_57, %dma_start3A_58] : memref<10112x128xf32, #tpu.memory_space<vmem_shared>> -> memref<10112x128xf32, #tpu.memory_space<vmem_shared>>
        tpu.enqueue_indirect_dma source(%dma_start3A_53 : memref<80x128xf32, #tpu.memory_space<vmem>>) target(%dma_start3A_59 : memref<10112x128xf32, #tpu.memory_space<vmem_shared>>) offsets(%dma_start3A_56 : memref<80xi32, #tpu.memory_space<vmem>>) semaphore(%run_scoped3A : memref<!tpu.dma_semaphore, #tpu.memory_space<semaphore_mem>>) {add = true}
        %dma_wait3A_60 = arith.constant 0 : i32
        %dma_wait3A_61 = arith.constant 0 : i32
        %dma_wait3A_62 = tpu.memref_slice %arg9[%rem3A_37, %dma_wait3A_60, %dma_wait3A_61] : memref<2x80x128xf32, #tpu.memory_space<vmem>> -> memref<1x80x128xf32, #tpu.memory_space<vmem>>
        %dma_wait3A_63 = tpu.memref_squeeze %dma_wait3A_62 : memref<1x80x128xf32, #tpu.memory_space<vmem>> -> memref<80x128xf32, #tpu.memory_space<vmem>>
        %dma_wait3A_64 = arith.constant 0 : i32
        %dma_wait3A_65 = tpu.memref_slice %arg8[%scan3A_36, %dma_wait3A_64] : memref<64x80xi32, #tpu.memory_space<vmem>> -> memref<1x80xi32, #tpu.memory_space<vmem>>
        %dma_wait3A_66 = tpu.memref_squeeze %dma_wait3A_65 : memref<1x80xi32, #tpu.memory_space<vmem>> -> memref<80xi32, #tpu.memory_space<vmem>>
        %dma_wait3A_67 = arith.constant 0 : i32
        %dma_wait3A_68 = arith.constant 0 : i32
        %dma_wait3A_69 = tpu.memref_slice %arg10[%dma_wait3A_67, %dma_wait3A_68] : memref<10112x128xf32, #tpu.memory_space<vmem_shared>> -> memref<10112x128xf32, #tpu.memory_space<vmem_shared>>
        tpu.wait_indirect_dma semaphore(%run_scoped3A : memref<!tpu.dma_semaphore, #tpu.memory_space<semaphore_mem>>) src(%dma_wait3A_63 : memref<80x128xf32, #tpu.memory_space<vmem>>) dst(%dma_wait3A_69 : memref<10112x128xf32, #tpu.memory_space<vmem_shared>>)
        tpu.yield
      }) : () -> ()
    }
    %scan3A_34 = arith.constant 61 : i32
    %barrier3A_35 = arith.constant 0 : index
    tpu.barrier barrier_id(%barrier3A_35)
    "tpu.region"() ({
      %run_scoped3A = tpu.sem_alloc : memref<!tpu.dma_semaphore, #tpu.memory_space<semaphore_mem>>
      %dma_start3A_36 = arith.constant 0 : i32
      %dma_start3A_37 = tpu.memref_slice %arg6[%arg0, %mul3A_0, %dma_start3A_36] : memref<2x10112x128xf32, #tpu.memory_space<hbm>> -> memref<1x632x128xf32, #tpu.memory_space<hbm>>
      %dma_start3A_38 = tpu.memref_squeeze %dma_start3A_37 : memref<1x632x128xf32, #tpu.memory_space<hbm>> -> memref<632x128xf32, #tpu.memory_space<hbm>>
      %dma_start3A_39 = arith.constant 0 : i32
      %dma_start3A_40 = tpu.memref_slice %arg10[%mul3A_0, %dma_start3A_39] : memref<10112x128xf32, #tpu.memory_space<vmem_shared>> -> memref<632x128xf32, #tpu.memory_space<vmem_shared>>
      tpu.enqueue_dma source(%dma_start3A_40 : memref<632x128xf32, #tpu.memory_space<vmem_shared>>) target(%dma_start3A_38 : memref<632x128xf32, #tpu.memory_space<hbm>>) target_semaphore(%run_scoped3A : memref<!tpu.dma_semaphore, #tpu.memory_space<semaphore_mem>>)
      %dma_wait3A = arith.constant 0 : i32
      %dma_wait3A_41 = tpu.memref_slice %arg6[%arg0, %mul3A_0, %dma_wait3A] : memref<2x10112x128xf32, #tpu.memory_space<hbm>> -> memref<1x632x128xf32, #tpu.memory_space<hbm>>
      %dma_wait3A_42 = tpu.memref_squeeze %dma_wait3A_41 : memref<1x632x128xf32, #tpu.memory_space<hbm>> -> memref<632x128xf32, #tpu.memory_space<hbm>>
      %dma_wait3A_43 = arith.constant 0 : i32
      %dma_wait3A_44 = tpu.memref_slice %arg10[%mul3A_0, %dma_wait3A_43] : memref<10112x128xf32, #tpu.memory_space<vmem_shared>> -> memref<632x128xf32, #tpu.memory_space<vmem_shared>>
      tpu.wait_dma2 semaphore(%run_scoped3A : memref<!tpu.dma_semaphore, #tpu.memory_space<semaphore_mem>>) src(%dma_wait3A_44 : memref<632x128xf32, #tpu.memory_space<vmem_shared>>) dst(%dma_wait3A_42 : memref<632x128xf32, #tpu.memory_space<hbm>>)
      tpu.yield
    }) : () -> ()
    return
  }
}

#map = affine_map<(d0, d1) -> (0, 0)>
#map1 = affine_map<(d0, d1) -> (0, 0, 0, 0)>
#map2 = affine_map<(d0, d1) -> (0, 0, 0)>
module attributes {stable_mosaic.version = 14 : i64} {
  func.func @body(%arg0: i32, %arg1: i32, %arg2: memref<20000x128xf32, #tpu.memory_space<hbm>>, %arg3: memref<2x16x125x80xi32, #tpu.memory_space<hbm>>, %arg4: memref<2x16x125x80xi32, #tpu.memory_space<hbm>>, %arg5: memref<10112x128xf32, #tpu.memory_space<hbm>>, %arg6: memref<2x10112x128xf32, #tpu.memory_space<hbm>>, %arg7: memref<64x80xi32, #tpu.memory_space<vmem>>, %arg8: memref<64x80xi32, #tpu.memory_space<vmem>>, %arg9: memref<2x80x128xf32, #tpu.memory_space<vmem>>, %arg10: memref<10112x128xf32, #tpu.memory_space<vmem_shared>>, %arg11: memref<!tpu.dma_semaphore, #tpu.memory_space<semaphore_mem>>) attributes {dimension_semantics = [#tpu.dimension_semantics<core_parallel>, #tpu.dimension_semantics<subcore_parallel>], iteration_bounds = array<i64: 2, 16>, scalar_prefetch = 0 : i64, scratch_operands = 5 : i64, tpu.core_type = #tpu.core_type<sc_vector_subcore>, window_params = [{transform_indices = #map}, {transform_indices = #map1}, {transform_indices = #map1}, {transform_indices = #map}, {transform_indices = #map2}]} {
    %mul3A = arith.constant 632 : i32
    %mul3A_0 = arith.muli %arg1, %mul3A : i32
    "tpu.region"() ({
      %run_scoped3A = tpu.sem_alloc : memref<!tpu.dma_semaphore, #tpu.memory_space<semaphore_mem>>
      %dma_start3A_36 = arith.constant 0 : i32
      %dma_start3A_37 = tpu.memref_slice %arg10[%mul3A_0, %dma_start3A_36] : memref<10112x128xf32, #tpu.memory_space<vmem_shared>> -> memref<632x128xf32, #tpu.memory_space<vmem_shared>>
      %dma_start3A_38 = arith.constant 0 : i32
      %dma_start3A_39 = tpu.memref_slice %arg5[%mul3A_0, %dma_start3A_38] : memref<10112x128xf32, #tpu.memory_space<hbm>> -> memref<632x128xf32, #tpu.memory_space<hbm>>
      tpu.enqueue_dma source(%dma_start3A_39 : memref<632x128xf32, #tpu.memory_space<hbm>>) target(%dma_start3A_37 : memref<632x128xf32, #tpu.memory_space<vmem_shared>>) target_semaphore(%run_scoped3A : memref<!tpu.dma_semaphore, #tpu.memory_space<semaphore_mem>>)
      %dma_wait3A = arith.constant 0 : i32
      %dma_wait3A_40 = tpu.memref_slice %arg10[%mul3A_0, %dma_wait3A] : memref<10112x128xf32, #tpu.memory_space<vmem_shared>> -> memref<632x128xf32, #tpu.memory_space<vmem_shared>>
      %dma_wait3A_41 = arith.constant 0 : i32
      %dma_wait3A_42 = tpu.memref_slice %arg5[%mul3A_0, %dma_wait3A_41] : memref<10112x128xf32, #tpu.memory_space<hbm>> -> memref<632x128xf32, #tpu.memory_space<hbm>>
      tpu.wait_dma2 semaphore(%run_scoped3A : memref<!tpu.dma_semaphore, #tpu.memory_space<semaphore_mem>>) src(%dma_wait3A_42 : memref<632x128xf32, #tpu.memory_space<hbm>>) dst(%dma_wait3A_40 : memref<632x128xf32, #tpu.memory_space<vmem_shared>>)
      tpu.yield
    }) : () -> ()
    %barrier3A = arith.constant 0 : index
    tpu.barrier barrier_id(%barrier3A)
    "tpu.region"() ({
      %run_scoped3A = tpu.sem_alloc : memref<!tpu.dma_semaphore, #tpu.memory_space<semaphore_mem>>
      %dma_start3A_36 = arith.constant 0 : i32
      %dma_start3A_37 = arith.constant 0 : i32
      %dma_start3A_38 = tpu.memref_slice %arg7[%dma_start3A_36, %dma_start3A_37] : memref<64x80xi32, #tpu.memory_space<vmem>> -> memref<64x80xi32, #tpu.memory_space<vmem>>
      %dma_start3A_39 = arith.constant 0 : i32
      %dma_start3A_40 = arith.constant 0 : i32
      %dma_start3A_41 = tpu.memref_slice %arg3[%arg0, %arg1, %dma_start3A_39, %dma_start3A_40] : memref<2x16x125x80xi32, #tpu.memory_space<hbm>> -> memref<1x1x64x80xi32, #tpu.memory_space<hbm>>
      %dma_start3A_42 = tpu.memref_squeeze %dma_start3A_41 : memref<1x1x64x80xi32, #tpu.memory_space<hbm>> -> memref<64x80xi32, #tpu.memory_space<hbm>>
      %dma_start3A_43 = arith.constant 0 : i32
      %dma_start3A_44 = arith.constant 0 : i32
      %dma_start3A_45 = tpu.memref_slice %arg7[%dma_start3A_43, %dma_start3A_44] : memref<64x80xi32, #tpu.memory_space<vmem>> -> memref<64x80xi32, #tpu.memory_space<vmem>>
      %dma_start3A_46 = arith.constant 0 : i32
      %dma_start3A_47 = arith.constant 0 : i32
      %dma_start3A_48 = tpu.memref_slice %arg3[%arg0, %arg1, %dma_start3A_46, %dma_start3A_47] : memref<2x16x125x80xi32, #tpu.memory_space<hbm>> -> memref<1x1x64x80xi32, #tpu.memory_space<hbm>>
      %dma_start3A_49 = tpu.memref_squeeze %dma_start3A_48 : memref<1x1x64x80xi32, #tpu.memory_space<hbm>> -> memref<64x80xi32, #tpu.memory_space<hbm>>
      tpu.enqueue_dma source(%dma_start3A_49 : memref<64x80xi32, #tpu.memory_space<hbm>>) target(%dma_start3A_45 : memref<64x80xi32, #tpu.memory_space<vmem>>) target_semaphore(%run_scoped3A : memref<!tpu.dma_semaphore, #tpu.memory_space<semaphore_mem>>)
      %dma_wait3A = arith.constant 0 : i32
      %dma_wait3A_50 = arith.constant 0 : i32
      %dma_wait3A_51 = tpu.memref_slice %arg7[%dma_wait3A, %dma_wait3A_50] : memref<64x80xi32, #tpu.memory_space<vmem>> -> memref<64x80xi32, #tpu.memory_space<vmem>>
      %dma_wait3A_52 = arith.constant 0 : i32
      %dma_wait3A_53 = arith.constant 0 : i32
      %dma_wait3A_54 = tpu.memref_slice %arg3[%arg0, %arg1, %dma_wait3A_52, %dma_wait3A_53] : memref<2x16x125x80xi32, #tpu.memory_space<hbm>> -> memref<1x1x64x80xi32, #tpu.memory_space<hbm>>
      %dma_wait3A_55 = tpu.memref_squeeze %dma_wait3A_54 : memref<1x1x64x80xi32, #tpu.memory_space<hbm>> -> memref<64x80xi32, #tpu.memory_space<hbm>>
      %dma_wait3A_56 = arith.constant 0 : i32
      %dma_wait3A_57 = arith.constant 0 : i32
      %dma_wait3A_58 = tpu.memref_slice %arg7[%dma_wait3A_56, %dma_wait3A_57] : memref<64x80xi32, #tpu.memory_space<vmem>> -> memref<64x80xi32, #tpu.memory_space<vmem>>
      %dma_wait3A_59 = arith.constant 0 : i32
      %dma_wait3A_60 = arith.constant 0 : i32
      %dma_wait3A_61 = tpu.memref_slice %arg3[%arg0, %arg1, %dma_wait3A_59, %dma_wait3A_60] : memref<2x16x125x80xi32, #tpu.memory_space<hbm>> -> memref<1x1x64x80xi32, #tpu.memory_space<hbm>>
      %dma_wait3A_62 = tpu.memref_squeeze %dma_wait3A_61 : memref<1x1x64x80xi32, #tpu.memory_space<hbm>> -> memref<64x80xi32, #tpu.memory_space<hbm>>
      tpu.wait_dma2 semaphore(%run_scoped3A : memref<!tpu.dma_semaphore, #tpu.memory_space<semaphore_mem>>) src(%dma_wait3A_62 : memref<64x80xi32, #tpu.memory_space<hbm>>) dst(%dma_wait3A_58 : memref<64x80xi32, #tpu.memory_space<vmem>>)
      tpu.yield
    }) : () -> ()
    "tpu.region"() ({
      %run_scoped3A = tpu.sem_alloc : memref<!tpu.dma_semaphore, #tpu.memory_space<semaphore_mem>>
      %dma_start3A_36 = arith.constant 0 : i32
      %dma_start3A_37 = arith.constant 0 : i32
      %dma_start3A_38 = tpu.memref_slice %arg8[%dma_start3A_36, %dma_start3A_37] : memref<64x80xi32, #tpu.memory_space<vmem>> -> memref<64x80xi32, #tpu.memory_space<vmem>>
      %dma_start3A_39 = arith.constant 0 : i32
      %dma_start3A_40 = arith.constant 0 : i32
      %dma_start3A_41 = tpu.memref_slice %arg4[%arg0, %arg1, %dma_start3A_39, %dma_start3A_40] : memref<2x16x125x80xi32, #tpu.memory_space<hbm>> -> memref<1x1x64x80xi32, #tpu.memory_space<hbm>>
      %dma_start3A_42 = tpu.memref_squeeze %dma_start3A_41 : memref<1x1x64x80xi32, #tpu.memory_space<hbm>> -> memref<64x80xi32, #tpu.memory_space<hbm>>
      %dma_start3A_43 = arith.constant 0 : i32
      %dma_start3A_44 = arith.constant 0 : i32
      %dma_start3A_45 = tpu.memref_slice %arg8[%dma_start3A_43, %dma_start3A_44] : memref<64x80xi32, #tpu.memory_space<vmem>> -> memref<64x80xi32, #tpu.memory_space<vmem>>
      %dma_start3A_46 = arith.constant 0 : i32
      %dma_start3A_47 = arith.constant 0 : i32
      %dma_start3A_48 = tpu.memref_slice %arg4[%arg0, %arg1, %dma_start3A_46, %dma_start3A_47] : memref<2x16x125x80xi32, #tpu.memory_space<hbm>> -> memref<1x1x64x80xi32, #tpu.memory_space<hbm>>
      %dma_start3A_49 = tpu.memref_squeeze %dma_start3A_48 : memref<1x1x64x80xi32, #tpu.memory_space<hbm>> -> memref<64x80xi32, #tpu.memory_space<hbm>>
      tpu.enqueue_dma source(%dma_start3A_49 : memref<64x80xi32, #tpu.memory_space<hbm>>) target(%dma_start3A_45 : memref<64x80xi32, #tpu.memory_space<vmem>>) target_semaphore(%run_scoped3A : memref<!tpu.dma_semaphore, #tpu.memory_space<semaphore_mem>>)
      %dma_wait3A = arith.constant 0 : i32
      %dma_wait3A_50 = arith.constant 0 : i32
      %dma_wait3A_51 = tpu.memref_slice %arg8[%dma_wait3A, %dma_wait3A_50] : memref<64x80xi32, #tpu.memory_space<vmem>> -> memref<64x80xi32, #tpu.memory_space<vmem>>
      %dma_wait3A_52 = arith.constant 0 : i32
      %dma_wait3A_53 = arith.constant 0 : i32
      %dma_wait3A_54 = tpu.memref_slice %arg4[%arg0, %arg1, %dma_wait3A_52, %dma_wait3A_53] : memref<2x16x125x80xi32, #tpu.memory_space<hbm>> -> memref<1x1x64x80xi32, #tpu.memory_space<hbm>>
      %dma_wait3A_55 = tpu.memref_squeeze %dma_wait3A_54 : memref<1x1x64x80xi32, #tpu.memory_space<hbm>> -> memref<64x80xi32, #tpu.memory_space<hbm>>
      %dma_wait3A_56 = arith.constant 0 : i32
      %dma_wait3A_57 = arith.constant 0 : i32
      %dma_wait3A_58 = tpu.memref_slice %arg8[%dma_wait3A_56, %dma_wait3A_57] : memref<64x80xi32, #tpu.memory_space<vmem>> -> memref<64x80xi32, #tpu.memory_space<vmem>>
      %dma_wait3A_59 = arith.constant 0 : i32
      %dma_wait3A_60 = arith.constant 0 : i32
      %dma_wait3A_61 = tpu.memref_slice %arg4[%arg0, %arg1, %dma_wait3A_59, %dma_wait3A_60] : memref<2x16x125x80xi32, #tpu.memory_space<hbm>> -> memref<1x1x64x80xi32, #tpu.memory_space<hbm>>
      %dma_wait3A_62 = tpu.memref_squeeze %dma_wait3A_61 : memref<1x1x64x80xi32, #tpu.memory_space<hbm>> -> memref<64x80xi32, #tpu.memory_space<hbm>>
      tpu.wait_dma2 semaphore(%run_scoped3A : memref<!tpu.dma_semaphore, #tpu.memory_space<semaphore_mem>>) src(%dma_wait3A_62 : memref<64x80xi32, #tpu.memory_space<hbm>>) dst(%dma_wait3A_58 : memref<64x80xi32, #tpu.memory_space<vmem>>)
      tpu.yield
    }) : () -> ()
    %dma_start3A = arith.constant 0 : i32
    %dma_start3A_1 = arith.constant 0 : i32
    %dma_start3A_2 = arith.constant 0 : i32
    %dma_start3A_3 = arith.constant 0 : i32
    %dma_start3A_4 = tpu.memref_slice %arg9[%dma_start3A_1, %dma_start3A_2, %dma_start3A_3] : memref<2x80x128xf32, #tpu.memory_space<vmem>> -> memref<1x80x128xf32, #tpu.memory_space<vmem>>
    %dma_start3A_5 = tpu.memref_squeeze %dma_start3A_4 : memref<1x80x128xf32, #tpu.memory_space<vmem>> -> memref<80x128xf32, #tpu.memory_space<vmem>>
    %dma_start3A_6 = arith.constant 0 : i32
    %dma_start3A_7 = tpu.memref_slice %arg7[%dma_start3A, %dma_start3A_6] : memref<64x80xi32, #tpu.memory_space<vmem>> -> memref<1x80xi32, #tpu.memory_space<vmem>>
    %dma_start3A_8 = tpu.memref_squeeze %dma_start3A_7 : memref<1x80xi32, #tpu.memory_space<vmem>> -> memref<80xi32, #tpu.memory_space<vmem>>
    %dma_start3A_9 = arith.constant 0 : i32
    %dma_start3A_10 = arith.constant 0 : i32
    %dma_start3A_11 = tpu.memref_slice %arg2[%dma_start3A_9, %dma_start3A_10] : memref<20000x128xf32, #tpu.memory_space<hbm>> -> memref<20000x128xf32, #tpu.memory_space<hbm>>
    tpu.enqueue_indirect_dma source(%dma_start3A_11 : memref<20000x128xf32, #tpu.memory_space<hbm>>) target(%dma_start3A_5 : memref<80x128xf32, #tpu.memory_space<vmem>>) offsets(%dma_start3A_8 : memref<80xi32, #tpu.memory_space<vmem>>) semaphore(%arg11 : memref<!tpu.dma_semaphore, #tpu.memory_space<semaphore_mem>>)
    %scan3A = arith.constant 0 : i32
    %scan3A_12 = arith.constant 0 : i32
    %scan3A_13 = arith.constant 64 : i32
    %scan3A_14 = arith.addi %scan3A_12, %scan3A_13 : i32
    %scan3A_15 = arith.constant 1 : i32
    scf.for %scan3A_36 = %scan3A_12 to %scan3A_14 step %scan3A_15  : i32 {
      %rem3A = arith.constant 2 : i32
      %rem3A_37 = arith.remsi %scan3A_36, %rem3A : i32
      %dma_wait3A = arith.constant 0 : i32
      %dma_wait3A_38 = arith.constant 0 : i32
      %dma_wait3A_39 = tpu.memref_slice %arg9[%rem3A_37, %dma_wait3A, %dma_wait3A_38] : memref<2x80x128xf32, #tpu.memory_space<vmem>> -> memref<1x80x128xf32, #tpu.memory_space<vmem>>
      %dma_wait3A_40 = tpu.memref_squeeze %dma_wait3A_39 : memref<1x80x128xf32, #tpu.memory_space<vmem>> -> memref<80x128xf32, #tpu.memory_space<vmem>>
      %dma_wait3A_41 = arith.constant 0 : i32
      %dma_wait3A_42 = tpu.memref_slice %arg7[%scan3A_36, %dma_wait3A_41] : memref<64x80xi32, #tpu.memory_space<vmem>> -> memref<1x80xi32, #tpu.memory_space<vmem>>
      %dma_wait3A_43 = tpu.memref_squeeze %dma_wait3A_42 : memref<1x80xi32, #tpu.memory_space<vmem>> -> memref<80xi32, #tpu.memory_space<vmem>>
      %dma_wait3A_44 = arith.constant 0 : i32
      %dma_wait3A_45 = arith.constant 0 : i32
      %dma_wait3A_46 = tpu.memref_slice %arg2[%dma_wait3A_44, %dma_wait3A_45] : memref<20000x128xf32, #tpu.memory_space<hbm>> -> memref<20000x128xf32, #tpu.memory_space<hbm>>
      tpu.wait_indirect_dma semaphore(%arg11 : memref<!tpu.dma_semaphore, #tpu.memory_space<semaphore_mem>>) src(%dma_wait3A_46 : memref<20000x128xf32, #tpu.memory_space<hbm>>) dst(%dma_wait3A_40 : memref<80x128xf32, #tpu.memory_space<vmem>>)
      %add3A = arith.constant 1 : i32
      %add3A_47 = arith.addi %scan3A_36, %add3A : i32
      %lt3A = arith.constant 64 : i32
      %lt3A_48 = arith.cmpi slt, %add3A_47, %lt3A : i32
      %convert_element_type3A = arith.extui %lt3A_48 : i1 to i32
      %cond3A = arith.constant 0 : i32
      %cond3A_49 = arith.cmpi ne, %convert_element_type3A, %cond3A : i32
      scf.if %cond3A_49 {
        %add3A_50 = arith.constant 1 : i32
        %add3A_51 = arith.addi %scan3A_36, %add3A_50 : i32
        %sub3A = arith.constant 1 : i32
        %sub3A_52 = arith.subi %sub3A, %rem3A_37 : i32
        %dma_start3A_53 = arith.constant 0 : i32
        %dma_start3A_54 = arith.constant 0 : i32
        %dma_start3A_55 = tpu.memref_slice %arg9[%sub3A_52, %dma_start3A_53, %dma_start3A_54] : memref<2x80x128xf32, #tpu.memory_space<vmem>> -> memref<1x80x128xf32, #tpu.memory_space<vmem>>
        %dma_start3A_56 = tpu.memref_squeeze %dma_start3A_55 : memref<1x80x128xf32, #tpu.memory_space<vmem>> -> memref<80x128xf32, #tpu.memory_space<vmem>>
        %dma_start3A_57 = arith.constant 0 : i32
        %dma_start3A_58 = tpu.memref_slice %arg7[%add3A_51, %dma_start3A_57] : memref<64x80xi32, #tpu.memory_space<vmem>> -> memref<1x80xi32, #tpu.memory_space<vmem>>
        %dma_start3A_59 = tpu.memref_squeeze %dma_start3A_58 : memref<1x80xi32, #tpu.memory_space<vmem>> -> memref<80xi32, #tpu.memory_space<vmem>>
        %dma_start3A_60 = arith.constant 0 : i32
        %dma_start3A_61 = arith.constant 0 : i32
        %dma_start3A_62 = tpu.memref_slice %arg2[%dma_start3A_60, %dma_start3A_61] : memref<20000x128xf32, #tpu.memory_space<hbm>> -> memref<20000x128xf32, #tpu.memory_space<hbm>>
        tpu.enqueue_indirect_dma source(%dma_start3A_62 : memref<20000x128xf32, #tpu.memory_space<hbm>>) target(%dma_start3A_56 : memref<80x128xf32, #tpu.memory_space<vmem>>) offsets(%dma_start3A_59 : memref<80xi32, #tpu.memory_space<vmem>>) semaphore(%arg11 : memref<!tpu.dma_semaphore, #tpu.memory_space<semaphore_mem>>)
      } else {
      }
      "tpu.region"() ({
        %run_scoped3A = tpu.sem_alloc : memref<!tpu.dma_semaphore, #tpu.memory_space<semaphore_mem>>
        %dma_start3A_50 = arith.constant 0 : i32
        %dma_start3A_51 = arith.constant 0 : i32
        %dma_start3A_52 = tpu.memref_slice %arg9[%rem3A_37, %dma_start3A_50, %dma_start3A_51] : memref<2x80x128xf32, #tpu.memory_space<vmem>> -> memref<1x80x128xf32, #tpu.memory_space<vmem>>
        %dma_start3A_53 = tpu.memref_squeeze %dma_start3A_52 : memref<1x80x128xf32, #tpu.memory_space<vmem>> -> memref<80x128xf32, #tpu.memory_space<vmem>>
        %dma_start3A_54 = arith.constant 0 : i32
        %dma_start3A_55 = tpu.memref_slice %arg8[%scan3A_36, %dma_start3A_54] : memref<64x80xi32, #tpu.memory_space<vmem>> -> memref<1x80xi32, #tpu.memory_space<vmem>>
        %dma_start3A_56 = tpu.memref_squeeze %dma_start3A_55 : memref<1x80xi32, #tpu.memory_space<vmem>> -> memref<80xi32, #tpu.memory_space<vmem>>
        %dma_start3A_57 = arith.constant 0 : i32
        %dma_start3A_58 = arith.constant 0 : i32
        %dma_start3A_59 = tpu.memref_slice %arg10[%dma_start3A_57, %dma_start3A_58] : memref<10112x128xf32, #tpu.memory_space<vmem_shared>> -> memref<10112x128xf32, #tpu.memory_space<vmem_shared>>
        tpu.enqueue_indirect_dma source(%dma_start3A_53 : memref<80x128xf32, #tpu.memory_space<vmem>>) target(%dma_start3A_59 : memref<10112x128xf32, #tpu.memory_space<vmem_shared>>) offsets(%dma_start3A_56 : memref<80xi32, #tpu.memory_space<vmem>>) semaphore(%run_scoped3A : memref<!tpu.dma_semaphore, #tpu.memory_space<semaphore_mem>>) {add = true}
        %dma_wait3A_60 = arith.constant 0 : i32
        %dma_wait3A_61 = arith.constant 0 : i32
        %dma_wait3A_62 = tpu.memref_slice %arg9[%rem3A_37, %dma_wait3A_60, %dma_wait3A_61] : memref<2x80x128xf32, #tpu.memory_space<vmem>> -> memref<1x80x128xf32, #tpu.memory_space<vmem>>
        %dma_wait3A_63 = tpu.memref_squeeze %dma_wait3A_62 : memref<1x80x128xf32, #tpu.memory_space<vmem>> -> memref<80x128xf32, #tpu.memory_space<vmem>>
        %dma_wait3A_64 = arith.constant 0 : i32
        %dma_wait3A_65 = tpu.memref_slice %arg8[%scan3A_36, %dma_wait3A_64] : memref<64x80xi32, #tpu.memory_space<vmem>> -> memref<1x80xi32, #tpu.memory_space<vmem>>
        %dma_wait3A_66 = tpu.memref_squeeze %dma_wait3A_65 : memref<1x80xi32, #tpu.memory_space<vmem>> -> memref<80xi32, #tpu.memory_space<vmem>>
        %dma_wait3A_67 = arith.constant 0 : i32
        %dma_wait3A_68 = arith.constant 0 : i32
        %dma_wait3A_69 = tpu.memref_slice %arg10[%dma_wait3A_67, %dma_wait3A_68] : memref<10112x128xf32, #tpu.memory_space<vmem_shared>> -> memref<10112x128xf32, #tpu.memory_space<vmem_shared>>
        tpu.wait_indirect_dma semaphore(%run_scoped3A : memref<!tpu.dma_semaphore, #tpu.memory_space<semaphore_mem>>) src(%dma_wait3A_63 : memref<80x128xf32, #tpu.memory_space<vmem>>) dst(%dma_wait3A_69 : memref<10112x128xf32, #tpu.memory_space<vmem_shared>>)
        tpu.yield
      }) : () -> ()
    }
    %scan3A_16 = arith.constant 64 : i32
    "tpu.region"() ({
      %run_scoped3A = tpu.sem_alloc : memref<!tpu.dma_semaphore, #tpu.memory_space<semaphore_mem>>
      %dma_start3A_36 = arith.constant 0 : i32
      %dma_start3A_37 = arith.constant 0 : i32
      %dma_start3A_38 = tpu.memref_slice %arg7[%dma_start3A_36, %dma_start3A_37] : memref<64x80xi32, #tpu.memory_space<vmem>> -> memref<61x80xi32, #tpu.memory_space<vmem>>
      %dma_start3A_39 = arith.constant 64 : i32
      %dma_start3A_40 = arith.constant 0 : i32
      %dma_start3A_41 = tpu.memref_slice %arg3[%arg0, %arg1, %dma_start3A_39, %dma_start3A_40] : memref<2x16x125x80xi32, #tpu.memory_space<hbm>> -> memref<1x1x61x80xi32, #tpu.memory_space<hbm>>
      %dma_start3A_42 = tpu.memref_squeeze %dma_start3A_41 : memref<1x1x61x80xi32, #tpu.memory_space<hbm>> -> memref<61x80xi32, #tpu.memory_space<hbm>>
      %dma_start3A_43 = arith.constant 0 : i32
      %dma_start3A_44 = arith.constant 0 : i32
      %dma_start3A_45 = tpu.memref_slice %arg7[%dma_start3A_43, %dma_start3A_44] : memref<64x80xi32, #tpu.memory_space<vmem>> -> memref<61x80xi32, #tpu.memory_space<vmem>>
      %dma_start3A_46 = arith.constant 64 : i32
      %dma_start3A_47 = arith.constant 0 : i32
      %dma_start3A_48 = tpu.memref_slice %arg3[%arg0, %arg1, %dma_start3A_46, %dma_start3A_47] : memref<2x16x125x80xi32, #tpu.memory_space<hbm>> -> memref<1x1x61x80xi32, #tpu.memory_space<hbm>>
      %dma_start3A_49 = tpu.memref_squeeze %dma_start3A_48 : memref<1x1x61x80xi32, #tpu.memory_space<hbm>> -> memref<61x80xi32, #tpu.memory_space<hbm>>
      tpu.enqueue_dma source(%dma_start3A_49 : memref<61x80xi32, #tpu.memory_space<hbm>>) target(%dma_start3A_45 : memref<61x80xi32, #tpu.memory_space<vmem>>) target_semaphore(%run_scoped3A : memref<!tpu.dma_semaphore, #tpu.memory_space<semaphore_mem>>)
      %dma_wait3A = arith.constant 0 : i32
      %dma_wait3A_50 = arith.constant 0 : i32
      %dma_wait3A_51 = tpu.memref_slice %arg7[%dma_wait3A, %dma_wait3A_50] : memref<64x80xi32, #tpu.memory_space<vmem>> -> memref<61x80xi32, #tpu.memory_space<vmem>>
      %dma_wait3A_52 = arith.constant 64 : i32
      %dma_wait3A_53 = arith.constant 0 : i32
      %dma_wait3A_54 = tpu.memref_slice %arg3[%arg0, %arg1, %dma_wait3A_52, %dma_wait3A_53] : memref<2x16x125x80xi32, #tpu.memory_space<hbm>> -> memref<1x1x61x80xi32, #tpu.memory_space<hbm>>
      %dma_wait3A_55 = tpu.memref_squeeze %dma_wait3A_54 : memref<1x1x61x80xi32, #tpu.memory_space<hbm>> -> memref<61x80xi32, #tpu.memory_space<hbm>>
      %dma_wait3A_56 = arith.constant 0 : i32
      %dma_wait3A_57 = arith.constant 0 : i32
      %dma_wait3A_58 = tpu.memref_slice %arg7[%dma_wait3A_56, %dma_wait3A_57] : memref<64x80xi32, #tpu.memory_space<vmem>> -> memref<61x80xi32, #tpu.memory_space<vmem>>
      %dma_wait3A_59 = arith.constant 64 : i32
      %dma_wait3A_60 = arith.constant 0 : i32
      %dma_wait3A_61 = tpu.memref_slice %arg3[%arg0, %arg1, %dma_wait3A_59, %dma_wait3A_60] : memref<2x16x125x80xi32, #tpu.memory_space<hbm>> -> memref<1x1x61x80xi32, #tpu.memory_space<hbm>>
      %dma_wait3A_62 = tpu.memref_squeeze %dma_wait3A_61 : memref<1x1x61x80xi32, #tpu.memory_space<hbm>> -> memref<61x80xi32, #tpu.memory_space<hbm>>
      tpu.wait_dma2 semaphore(%run_scoped3A : memref<!tpu.dma_semaphore, #tpu.memory_space<semaphore_mem>>) src(%dma_wait3A_62 : memref<61x80xi32, #tpu.memory_space<hbm>>) dst(%dma_wait3A_58 : memref<61x80xi32, #tpu.memory_space<vmem>>)
      tpu.yield
    }) : () -> ()
    "tpu.region"() ({
      %run_scoped3A = tpu.sem_alloc : memref<!tpu.dma_semaphore, #tpu.memory_space<semaphore_mem>>
      %dma_start3A_36 = arith.constant 0 : i32
      %dma_start3A_37 = arith.constant 0 : i32
      %dma_start3A_38 = tpu.memref_slice %arg8[%dma_start3A_36, %dma_start3A_37] : memref<64x80xi32, #tpu.memory_space<vmem>> -> memref<61x80xi32, #tpu.memory_space<vmem>>
      %dma_start3A_39 = arith.constant 64 : i32
      %dma_start3A_40 = arith.constant 0 : i32
      %dma_start3A_41 = tpu.memref_slice %arg4[%arg0, %arg1, %dma_start3A_39, %dma_start3A_40] : memref<2x16x125x80xi32, #tpu.memory_space<hbm>> -> memref<1x1x61x80xi32, #tpu.memory_space<hbm>>
      %dma_start3A_42 = tpu.memref_squeeze %dma_start3A_41 : memref<1x1x61x80xi32, #tpu.memory_space<hbm>> -> memref<61x80xi32, #tpu.memory_space<hbm>>
      %dma_start3A_43 = arith.constant 0 : i32
      %dma_start3A_44 = arith.constant 0 : i32
      %dma_start3A_45 = tpu.memref_slice %arg8[%dma_start3A_43, %dma_start3A_44] : memref<64x80xi32, #tpu.memory_space<vmem>> -> memref<61x80xi32, #tpu.memory_space<vmem>>
      %dma_start3A_46 = arith.constant 64 : i32
      %dma_start3A_47 = arith.constant 0 : i32
      %dma_start3A_48 = tpu.memref_slice %arg4[%arg0, %arg1, %dma_start3A_46, %dma_start3A_47] : memref<2x16x125x80xi32, #tpu.memory_space<hbm>> -> memref<1x1x61x80xi32, #tpu.memory_space<hbm>>
      %dma_start3A_49 = tpu.memref_squeeze %dma_start3A_48 : memref<1x1x61x80xi32, #tpu.memory_space<hbm>> -> memref<61x80xi32, #tpu.memory_space<hbm>>
      tpu.enqueue_dma source(%dma_start3A_49 : memref<61x80xi32, #tpu.memory_space<hbm>>) target(%dma_start3A_45 : memref<61x80xi32, #tpu.memory_space<vmem>>) target_semaphore(%run_scoped3A : memref<!tpu.dma_semaphore, #tpu.memory_space<semaphore_mem>>)
      %dma_wait3A = arith.constant 0 : i32
      %dma_wait3A_50 = arith.constant 0 : i32
      %dma_wait3A_51 = tpu.memref_slice %arg8[%dma_wait3A, %dma_wait3A_50] : memref<64x80xi32, #tpu.memory_space<vmem>> -> memref<61x80xi32, #tpu.memory_space<vmem>>
      %dma_wait3A_52 = arith.constant 64 : i32
      %dma_wait3A_53 = arith.constant 0 : i32
      %dma_wait3A_54 = tpu.memref_slice %arg4[%arg0, %arg1, %dma_wait3A_52, %dma_wait3A_53] : memref<2x16x125x80xi32, #tpu.memory_space<hbm>> -> memref<1x1x61x80xi32, #tpu.memory_space<hbm>>
      %dma_wait3A_55 = tpu.memref_squeeze %dma_wait3A_54 : memref<1x1x61x80xi32, #tpu.memory_space<hbm>> -> memref<61x80xi32, #tpu.memory_space<hbm>>
      %dma_wait3A_56 = arith.constant 0 : i32
      %dma_wait3A_57 = arith.constant 0 : i32
      %dma_wait3A_58 = tpu.memref_slice %arg8[%dma_wait3A_56, %dma_wait3A_57] : memref<64x80xi32, #tpu.memory_space<vmem>> -> memref<61x80xi32, #tpu.memory_space<vmem>>
      %dma_wait3A_59 = arith.constant 64 : i32
      %dma_wait3A_60 = arith.constant 0 : i32
      %dma_wait3A_61 = tpu.memref_slice %arg4[%arg0, %arg1, %dma_wait3A_59, %dma_wait3A_60] : memref<2x16x125x80xi32, #tpu.memory_space<hbm>> -> memref<1x1x61x80xi32, #tpu.memory_space<hbm>>
      %dma_wait3A_62 = tpu.memref_squeeze %dma_wait3A_61 : memref<1x1x61x80xi32, #tpu.memory_space<hbm>> -> memref<61x80xi32, #tpu.memory_space<hbm>>
      tpu.wait_dma2 semaphore(%run_scoped3A : memref<!tpu.dma_semaphore, #tpu.memory_space<semaphore_mem>>) src(%dma_wait3A_62 : memref<61x80xi32, #tpu.memory_space<hbm>>) dst(%dma_wait3A_58 : memref<61x80xi32, #tpu.memory_space<vmem>>)
      tpu.yield
    }) : () -> ()
    %dma_start3A_17 = arith.constant 0 : i32
    %dma_start3A_18 = arith.constant 0 : i32
    %dma_start3A_19 = arith.constant 0 : i32
    %dma_start3A_20 = arith.constant 0 : i32
    %dma_start3A_21 = tpu.memref_slice %arg9[%dma_start3A_18, %dma_start3A_19, %dma_start3A_20] : memref<2x80x128xf32, #tpu.memory_space<vmem>> -> memref<1x80x128xf32, #tpu.memory_space<vmem>>
    %dma_start3A_22 = tpu.memref_squeeze %dma_start3A_21 : memref<1x80x128xf32, #tpu.memory_space<vmem>> -> memref<80x128xf32, #tpu.memory_space<vmem>>
    %dma_start3A_23 = arith.constant 0 : i32
    %dma_start3A_24 = tpu.memref_slice %arg7[%dma_start3A_17, %dma_start3A_23] : memref<64x80xi32, #tpu.memory_space<vmem>> -> memref<1x80xi32, #tpu.memory_space<vmem>>
    %dma_start3A_25 = tpu.memref_squeeze %dma_start3A_24 : memref<1x80xi32, #tpu.memory_space<vmem>> -> memref<80xi32, #tpu.memory_space<vmem>>
    %dma_start3A_26 = arith.constant 0 : i32
    %dma_start3A_27 = arith.constant 0 : i32
    %dma_start3A_28 = tpu.memref_slice %arg2[%dma_start3A_26, %dma_start3A_27] : memref<20000x128xf32, #tpu.memory_space<hbm>> -> memref<20000x128xf32, #tpu.memory_space<hbm>>
    tpu.enqueue_indirect_dma source(%dma_start3A_28 : memref<20000x128xf32, #tpu.memory_space<hbm>>) target(%dma_start3A_22 : memref<80x128xf32, #tpu.memory_space<vmem>>) offsets(%dma_start3A_25 : memref<80xi32, #tpu.memory_space<vmem>>) semaphore(%arg11 : memref<!tpu.dma_semaphore, #tpu.memory_space<semaphore_mem>>)
    %scan3A_29 = arith.constant 0 : i32
    %scan3A_30 = arith.constant 0 : i32
    %scan3A_31 = arith.constant 61 : i32
    %scan3A_32 = arith.addi %scan3A_30, %scan3A_31 : i32
    %scan3A_33 = arith.constant 1 : i32
    scf.for %scan3A_36 = %scan3A_30 to %scan3A_32 step %scan3A_33  : i32 {
      %rem3A = arith.constant 2 : i32
      %rem3A_37 = arith.remsi %scan3A_36, %rem3A : i32
      %dma_wait3A = arith.constant 0 : i32
      %dma_wait3A_38 = arith.constant 0 : i32
      %dma_wait3A_39 = tpu.memref_slice %arg9[%rem3A_37, %dma_wait3A, %dma_wait3A_38] : memref<2x80x128xf32, #tpu.memory_space<vmem>> -> memref<1x80x128xf32, #tpu.memory_space<vmem>>
      %dma_wait3A_40 = tpu.memref_squeeze %dma_wait3A_39 : memref<1x80x128xf32, #tpu.memory_space<vmem>> -> memref<80x128xf32, #tpu.memory_space<vmem>>
      %dma_wait3A_41 = arith.constant 0 : i32
      %dma_wait3A_42 = tpu.memref_slice %arg7[%scan3A_36, %dma_wait3A_41] : memref<64x80xi32, #tpu.memory_space<vmem>> -> memref<1x80xi32, #tpu.memory_space<vmem>>
      %dma_wait3A_43 = tpu.memref_squeeze %dma_wait3A_42 : memref<1x80xi32, #tpu.memory_space<vmem>> -> memref<80xi32, #tpu.memory_space<vmem>>
      %dma_wait3A_44 = arith.constant 0 : i32
      %dma_wait3A_45 = arith.constant 0 : i32
      %dma_wait3A_46 = tpu.memref_slice %arg2[%dma_wait3A_44, %dma_wait3A_45] : memref<20000x128xf32, #tpu.memory_space<hbm>> -> memref<20000x128xf32, #tpu.memory_space<hbm>>
      tpu.wait_indirect_dma semaphore(%arg11 : memref<!tpu.dma_semaphore, #tpu.memory_space<semaphore_mem>>) src(%dma_wait3A_46 : memref<20000x128xf32, #tpu.memory_space<hbm>>) dst(%dma_wait3A_40 : memref<80x128xf32, #tpu.memory_space<vmem>>)
      %add3A = arith.constant 1 : i32
      %add3A_47 = arith.addi %scan3A_36, %add3A : i32
      %lt3A = arith.constant 61 : i32
      %lt3A_48 = arith.cmpi slt, %add3A_47, %lt3A : i32
      %convert_element_type3A = arith.extui %lt3A_48 : i1 to i32
      %cond3A = arith.constant 0 : i32
      %cond3A_49 = arith.cmpi ne, %convert_element_type3A, %cond3A : i32
      scf.if %cond3A_49 {
        %add3A_50 = arith.constant 1 : i32
        %add3A_51 = arith.addi %scan3A_36, %add3A_50 : i32
        %sub3A = arith.constant 1 : i32
        %sub3A_52 = arith.subi %sub3A, %rem3A_37 : i32
        %dma_start3A_53 = arith.constant 0 : i32
        %dma_start3A_54 = arith.constant 0 : i32
        %dma_start3A_55 = tpu.memref_slice %arg9[%sub3A_52, %dma_start3A_53, %dma_start3A_54] : memref<2x80x128xf32, #tpu.memory_space<vmem>> -> memref<1x80x128xf32, #tpu.memory_space<vmem>>
        %dma_start3A_56 = tpu.memref_squeeze %dma_start3A_55 : memref<1x80x128xf32, #tpu.memory_space<vmem>> -> memref<80x128xf32, #tpu.memory_space<vmem>>
        %dma_start3A_57 = arith.constant 0 : i32
        %dma_start3A_58 = tpu.memref_slice %arg7[%add3A_51, %dma_start3A_57] : memref<64x80xi32, #tpu.memory_space<vmem>> -> memref<1x80xi32, #tpu.memory_space<vmem>>
        %dma_start3A_59 = tpu.memref_squeeze %dma_start3A_58 : memref<1x80xi32, #tpu.memory_space<vmem>> -> memref<80xi32, #tpu.memory_space<vmem>>
        %dma_start3A_60 = arith.constant 0 : i32
        %dma_start3A_61 = arith.constant 0 : i32
        %dma_start3A_62 = tpu.memref_slice %arg2[%dma_start3A_60, %dma_start3A_61] : memref<20000x128xf32, #tpu.memory_space<hbm>> -> memref<20000x128xf32, #tpu.memory_space<hbm>>
        tpu.enqueue_indirect_dma source(%dma_start3A_62 : memref<20000x128xf32, #tpu.memory_space<hbm>>) target(%dma_start3A_56 : memref<80x128xf32, #tpu.memory_space<vmem>>) offsets(%dma_start3A_59 : memref<80xi32, #tpu.memory_space<vmem>>) semaphore(%arg11 : memref<!tpu.dma_semaphore, #tpu.memory_space<semaphore_mem>>)
      } else {
      }
      "tpu.region"() ({
        %run_scoped3A = tpu.sem_alloc : memref<!tpu.dma_semaphore, #tpu.memory_space<semaphore_mem>>
        %dma_start3A_50 = arith.constant 0 : i32
        %dma_start3A_51 = arith.constant 0 : i32
        %dma_start3A_52 = tpu.memref_slice %arg9[%rem3A_37, %dma_start3A_50, %dma_start3A_51] : memref<2x80x128xf32, #tpu.memory_space<vmem>> -> memref<1x80x128xf32, #tpu.memory_space<vmem>>
        %dma_start3A_53 = tpu.memref_squeeze %dma_start3A_52 : memref<1x80x128xf32, #tpu.memory_space<vmem>> -> memref<80x128xf32, #tpu.memory_space<vmem>>
        %dma_start3A_54 = arith.constant 0 : i32
        %dma_start3A_55 = tpu.memref_slice %arg8[%scan3A_36, %dma_start3A_54] : memref<64x80xi32, #tpu.memory_space<vmem>> -> memref<1x80xi32, #tpu.memory_space<vmem>>
        %dma_start3A_56 = tpu.memref_squeeze %dma_start3A_55 : memref<1x80xi32, #tpu.memory_space<vmem>> -> memref<80xi32, #tpu.memory_space<vmem>>
        %dma_start3A_57 = arith.constant 0 : i32
        %dma_start3A_58 = arith.constant 0 : i32
        %dma_start3A_59 = tpu.memref_slice %arg10[%dma_start3A_57, %dma_start3A_58] : memref<10112x128xf32, #tpu.memory_space<vmem_shared>> -> memref<10112x128xf32, #tpu.memory_space<vmem_shared>>
        tpu.enqueue_indirect_dma source(%dma_start3A_53 : memref<80x128xf32, #tpu.memory_space<vmem>>) target(%dma_start3A_59 : memref<10112x128xf32, #tpu.memory_space<vmem_shared>>) offsets(%dma_start3A_56 : memref<80xi32, #tpu.memory_space<vmem>>) semaphore(%run_scoped3A : memref<!tpu.dma_semaphore, #tpu.memory_space<semaphore_mem>>) {add = true}
        %dma_wait3A_60 = arith.constant 0 : i32
        %dma_wait3A_61 = arith.constant 0 : i32
        %dma_wait3A_62 = tpu.memref_slice %arg9[%rem3A_37, %dma_wait3A_60, %dma_wait3A_61] : memref<2x80x128xf32, #tpu.memory_space<vmem>> -> memref<1x80x128xf32, #tpu.memory_space<vmem>>
        %dma_wait3A_63 = tpu.memref_squeeze %dma_wait3A_62 : memref<1x80x128xf32, #tpu.memory_space<vmem>> -> memref<80x128xf32, #tpu.memory_space<vmem>>
        %dma_wait3A_64 = arith.constant 0 : i32
        %dma_wait3A_65 = tpu.memref_slice %arg8[%scan3A_36, %dma_wait3A_64] : memref<64x80xi32, #tpu.memory_space<vmem>> -> memref<1x80xi32, #tpu.memory_space<vmem>>
        %dma_wait3A_66 = tpu.memref_squeeze %dma_wait3A_65 : memref<1x80xi32, #tpu.memory_space<vmem>> -> memref<80xi32, #tpu.memory_space<vmem>>
        %dma_wait3A_67 = arith.constant 0 : i32
        %dma_wait3A_68 = arith.constant 0 : i32
        %dma_wait3A_69 = tpu.memref_slice %arg10[%dma_wait3A_67, %dma_wait3A_68] : memref<10112x128xf32, #tpu.memory_space<vmem_shared>> -> memref<10112x128xf32, #tpu.memory_space<vmem_shared>>
        tpu.wait_indirect_dma semaphore(%run_scoped3A : memref<!tpu.dma_semaphore, #tpu.memory_space<semaphore_mem>>) src(%dma_wait3A_63 : memref<80x128xf32, #tpu.memory_space<vmem>>) dst(%dma_wait3A_69 : memref<10112x128xf32, #tpu.memory_space<vmem_shared>>)
        tpu.yield
      }) : () -> ()
    }
    %scan3A_34 = arith.constant 61 : i32
    %barrier3A_35 = arith.constant 0 : index
    tpu.barrier barrier_id(%barrier3A_35)
    "tpu.region"() ({
      %run_scoped3A = tpu.sem_alloc : memref<!tpu.dma_semaphore, #tpu.memory_space<semaphore_mem>>
      %dma_start3A_36 = arith.constant 0 : i32
      %dma_start3A_37 = tpu.memref_slice %arg6[%arg0, %mul3A_0, %dma_start3A_36] : memref<2x10112x128xf32, #tpu.memory_space<hbm>> -> memref<1x632x128xf32, #tpu.memory_space<hbm>>
      %dma_start3A_38 = tpu.memref_squeeze %dma_start3A_37 : memref<1x632x128xf32, #tpu.memory_space<hbm>> -> memref<632x128xf32, #tpu.memory_space<hbm>>
      %dma_start3A_39 = arith.constant 0 : i32
      %dma_start3A_40 = tpu.memref_slice %arg10[%mul3A_0, %dma_start3A_39] : memref<10112x128xf32, #tpu.memory_space<vmem_shared>> -> memref<632x128xf32, #tpu.memory_space<vmem_shared>>
      tpu.enqueue_dma source(%dma_start3A_40 : memref<632x128xf32, #tpu.memory_space<vmem_shared>>) target(%dma_start3A_38 : memref<632x128xf32, #tpu.memory_space<hbm>>) target_semaphore(%run_scoped3A : memref<!tpu.dma_semaphore, #tpu.memory_space<semaphore_mem>>)
      %dma_wait3A = arith.constant 0 : i32
      %dma_wait3A_41 = tpu.memref_slice %arg6[%arg0, %mul3A_0, %dma_wait3A] : memref<2x10112x128xf32, #tpu.memory_space<hbm>> -> memref<1x632x128xf32, #tpu.memory_space<hbm>>
      %dma_wait3A_42 = tpu.memref_squeeze %dma_wait3A_41 : memref<1x632x128xf32, #tpu.memory_space<hbm>> -> memref<632x128xf32, #tpu.memory_space<hbm>>
      %dma_wait3A_43 = arith.constant 0 : i32
      %dma_wait3A_44 = tpu.memref_slice %arg10[%mul3A_0, %dma_wait3A_43] : memref<10112x128xf32, #tpu.memory_space<vmem_shared>> -> memref<632x128xf32, #tpu.memory_space<vmem_shared>>
      tpu.wait_dma2 semaphore(%run_scoped3A : memref<!tpu.dma_semaphore, #tpu.memory_space<semaphore_mem>>) src(%dma_wait3A_44 : memref<632x128xf32, #tpu.memory_space<vmem_shared>>) dst(%dma_wait3A_42 : memref<632x128xf32, #tpu.memory_space<hbm>>)
      tpu.yield
    }) : () -> ()
    return
  }
}

#map = affine_map<(d0, d1) -> (0, 0)>
#map1 = affine_map<(d0, d1) -> (0, 0, 0, 0)>
#map2 = affine_map<(d0, d1) -> (0, 0, 0)>
module attributes {stable_mosaic.version = 14 : i64} {
  func.func @body(%arg0: i32, %arg1: i32, %arg2: memref<20000x128xf32, #tpu.memory_space<hbm>>, %arg3: memref<2x16x125x80xi32, #tpu.memory_space<hbm>>, %arg4: memref<2x16x125x80xi32, #tpu.memory_space<hbm>>, %arg5: memref<10112x128xf32, #tpu.memory_space<hbm>>, %arg6: memref<2x10112x128xf32, #tpu.memory_space<hbm>>, %arg7: memref<64x80xi32, #tpu.memory_space<vmem>>, %arg8: memref<64x80xi32, #tpu.memory_space<vmem>>, %arg9: memref<2x80x128xf32, #tpu.memory_space<vmem>>, %arg10: memref<10112x128xf32, #tpu.memory_space<vmem_shared>>, %arg11: memref<!tpu.dma_semaphore, #tpu.memory_space<semaphore_mem>>) attributes {dimension_semantics = [#tpu.dimension_semantics<core_parallel>, #tpu.dimension_semantics<subcore_parallel>], iteration_bounds = array<i64: 2, 16>, scalar_prefetch = 0 : i64, scratch_operands = 5 : i64, tpu.core_type = #tpu.core_type<sc_vector_subcore>, window_params = [{transform_indices = #map}, {transform_indices = #map1}, {transform_indices = #map1}, {transform_indices = #map}, {transform_indices = #map2}]} {
    %mul3A = arith.constant 632 : i32
    %mul3A_0 = arith.muli %arg1, %mul3A : i32
    "tpu.region"() ({
      %run_scoped3A = tpu.sem_alloc : memref<!tpu.dma_semaphore, #tpu.memory_space<semaphore_mem>>
      %dma_start3A_36 = arith.constant 0 : i32
      %dma_start3A_37 = tpu.memref_slice %arg10[%mul3A_0, %dma_start3A_36] : memref<10112x128xf32, #tpu.memory_space<vmem_shared>> -> memref<632x128xf32, #tpu.memory_space<vmem_shared>>
      %dma_start3A_38 = arith.constant 0 : i32
      %dma_start3A_39 = tpu.memref_slice %arg5[%mul3A_0, %dma_start3A_38] : memref<10112x128xf32, #tpu.memory_space<hbm>> -> memref<632x128xf32, #tpu.memory_space<hbm>>
      tpu.enqueue_dma source(%dma_start3A_39 : memref<632x128xf32, #tpu.memory_space<hbm>>) target(%dma_start3A_37 : memref<632x128xf32, #tpu.memory_space<vmem_shared>>) target_semaphore(%run_scoped3A : memref<!tpu.dma_semaphore, #tpu.memory_space<semaphore_mem>>)
      %dma_wait3A = arith.constant 0 : i32
      %dma_wait3A_40 = tpu.memref_slice %arg10[%mul3A_0, %dma_wait3A] : memref<10112x128xf32, #tpu.memory_space<vmem_shared>> -> memref<632x128xf32, #tpu.memory_space<vmem_shared>>
      %dma_wait3A_41 = arith.constant 0 : i32
      %dma_wait3A_42 = tpu.memref_slice %arg5[%mul3A_0, %dma_wait3A_41] : memref<10112x128xf32, #tpu.memory_space<hbm>> -> memref<632x128xf32, #tpu.memory_space<hbm>>
      tpu.wait_dma2 semaphore(%run_scoped3A : memref<!tpu.dma_semaphore, #tpu.memory_space<semaphore_mem>>) src(%dma_wait3A_42 : memref<632x128xf32, #tpu.memory_space<hbm>>) dst(%dma_wait3A_40 : memref<632x128xf32, #tpu.memory_space<vmem_shared>>)
      tpu.yield
    }) : () -> ()
    %barrier3A = arith.constant 0 : index
    tpu.barrier barrier_id(%barrier3A)
    "tpu.region"() ({
      %run_scoped3A = tpu.sem_alloc : memref<!tpu.dma_semaphore, #tpu.memory_space<semaphore_mem>>
      %dma_start3A_36 = arith.constant 0 : i32
      %dma_start3A_37 = arith.constant 0 : i32
      %dma_start3A_38 = tpu.memref_slice %arg7[%dma_start3A_36, %dma_start3A_37] : memref<64x80xi32, #tpu.memory_space<vmem>> -> memref<64x80xi32, #tpu.memory_space<vmem>>
      %dma_start3A_39 = arith.constant 0 : i32
      %dma_start3A_40 = arith.constant 0 : i32
      %dma_start3A_41 = tpu.memref_slice %arg3[%arg0, %arg1, %dma_start3A_39, %dma_start3A_40] : memref<2x16x125x80xi32, #tpu.memory_space<hbm>> -> memref<1x1x64x80xi32, #tpu.memory_space<hbm>>
      %dma_start3A_42 = tpu.memref_squeeze %dma_start3A_41 : memref<1x1x64x80xi32, #tpu.memory_space<hbm>> -> memref<64x80xi32, #tpu.memory_space<hbm>>
      %dma_start3A_43 = arith.constant 0 : i32
      %dma_start3A_44 = arith.constant 0 : i32
      %dma_start3A_45 = tpu.memref_slice %arg7[%dma_start3A_43, %dma_start3A_44] : memref<64x80xi32, #tpu.memory_space<vmem>> -> memref<64x80xi32, #tpu.memory_space<vmem>>
      %dma_start3A_46 = arith.constant 0 : i32
      %dma_start3A_47 = arith.constant 0 : i32
      %dma_start3A_48 = tpu.memref_slice %arg3[%arg0, %arg1, %dma_start3A_46, %dma_start3A_47] : memref<2x16x125x80xi32, #tpu.memory_space<hbm>> -> memref<1x1x64x80xi32, #tpu.memory_space<hbm>>
      %dma_start3A_49 = tpu.memref_squeeze %dma_start3A_48 : memref<1x1x64x80xi32, #tpu.memory_space<hbm>> -> memref<64x80xi32, #tpu.memory_space<hbm>>
      tpu.enqueue_dma source(%dma_start3A_49 : memref<64x80xi32, #tpu.memory_space<hbm>>) target(%dma_start3A_45 : memref<64x80xi32, #tpu.memory_space<vmem>>) target_semaphore(%run_scoped3A : memref<!tpu.dma_semaphore, #tpu.memory_space<semaphore_mem>>)
      %dma_wait3A = arith.constant 0 : i32
      %dma_wait3A_50 = arith.constant 0 : i32
      %dma_wait3A_51 = tpu.memref_slice %arg7[%dma_wait3A, %dma_wait3A_50] : memref<64x80xi32, #tpu.memory_space<vmem>> -> memref<64x80xi32, #tpu.memory_space<vmem>>
      %dma_wait3A_52 = arith.constant 0 : i32
      %dma_wait3A_53 = arith.constant 0 : i32
      %dma_wait3A_54 = tpu.memref_slice %arg3[%arg0, %arg1, %dma_wait3A_52, %dma_wait3A_53] : memref<2x16x125x80xi32, #tpu.memory_space<hbm>> -> memref<1x1x64x80xi32, #tpu.memory_space<hbm>>
      %dma_wait3A_55 = tpu.memref_squeeze %dma_wait3A_54 : memref<1x1x64x80xi32, #tpu.memory_space<hbm>> -> memref<64x80xi32, #tpu.memory_space<hbm>>
      %dma_wait3A_56 = arith.constant 0 : i32
      %dma_wait3A_57 = arith.constant 0 : i32
      %dma_wait3A_58 = tpu.memref_slice %arg7[%dma_wait3A_56, %dma_wait3A_57] : memref<64x80xi32, #tpu.memory_space<vmem>> -> memref<64x80xi32, #tpu.memory_space<vmem>>
      %dma_wait3A_59 = arith.constant 0 : i32
      %dma_wait3A_60 = arith.constant 0 : i32
      %dma_wait3A_61 = tpu.memref_slice %arg3[%arg0, %arg1, %dma_wait3A_59, %dma_wait3A_60] : memref<2x16x125x80xi32, #tpu.memory_space<hbm>> -> memref<1x1x64x80xi32, #tpu.memory_space<hbm>>
      %dma_wait3A_62 = tpu.memref_squeeze %dma_wait3A_61 : memref<1x1x64x80xi32, #tpu.memory_space<hbm>> -> memref<64x80xi32, #tpu.memory_space<hbm>>
      tpu.wait_dma2 semaphore(%run_scoped3A : memref<!tpu.dma_semaphore, #tpu.memory_space<semaphore_mem>>) src(%dma_wait3A_62 : memref<64x80xi32, #tpu.memory_space<hbm>>) dst(%dma_wait3A_58 : memref<64x80xi32, #tpu.memory_space<vmem>>)
      tpu.yield
    }) : () -> ()
    "tpu.region"() ({
      %run_scoped3A = tpu.sem_alloc : memref<!tpu.dma_semaphore, #tpu.memory_space<semaphore_mem>>
      %dma_start3A_36 = arith.constant 0 : i32
      %dma_start3A_37 = arith.constant 0 : i32
      %dma_start3A_38 = tpu.memref_slice %arg8[%dma_start3A_36, %dma_start3A_37] : memref<64x80xi32, #tpu.memory_space<vmem>> -> memref<64x80xi32, #tpu.memory_space<vmem>>
      %dma_start3A_39 = arith.constant 0 : i32
      %dma_start3A_40 = arith.constant 0 : i32
      %dma_start3A_41 = tpu.memref_slice %arg4[%arg0, %arg1, %dma_start3A_39, %dma_start3A_40] : memref<2x16x125x80xi32, #tpu.memory_space<hbm>> -> memref<1x1x64x80xi32, #tpu.memory_space<hbm>>
      %dma_start3A_42 = tpu.memref_squeeze %dma_start3A_41 : memref<1x1x64x80xi32, #tpu.memory_space<hbm>> -> memref<64x80xi32, #tpu.memory_space<hbm>>
      %dma_start3A_43 = arith.constant 0 : i32
      %dma_start3A_44 = arith.constant 0 : i32
      %dma_start3A_45 = tpu.memref_slice %arg8[%dma_start3A_43, %dma_start3A_44] : memref<64x80xi32, #tpu.memory_space<vmem>> -> memref<64x80xi32, #tpu.memory_space<vmem>>
      %dma_start3A_46 = arith.constant 0 : i32
      %dma_start3A_47 = arith.constant 0 : i32
      %dma_start3A_48 = tpu.memref_slice %arg4[%arg0, %arg1, %dma_start3A_46, %dma_start3A_47] : memref<2x16x125x80xi32, #tpu.memory_space<hbm>> -> memref<1x1x64x80xi32, #tpu.memory_space<hbm>>
      %dma_start3A_49 = tpu.memref_squeeze %dma_start3A_48 : memref<1x1x64x80xi32, #tpu.memory_space<hbm>> -> memref<64x80xi32, #tpu.memory_space<hbm>>
      tpu.enqueue_dma source(%dma_start3A_49 : memref<64x80xi32, #tpu.memory_space<hbm>>) target(%dma_start3A_45 : memref<64x80xi32, #tpu.memory_space<vmem>>) target_semaphore(%run_scoped3A : memref<!tpu.dma_semaphore, #tpu.memory_space<semaphore_mem>>)
      %dma_wait3A = arith.constant 0 : i32
      %dma_wait3A_50 = arith.constant 0 : i32
      %dma_wait3A_51 = tpu.memref_slice %arg8[%dma_wait3A, %dma_wait3A_50] : memref<64x80xi32, #tpu.memory_space<vmem>> -> memref<64x80xi32, #tpu.memory_space<vmem>>
      %dma_wait3A_52 = arith.constant 0 : i32
      %dma_wait3A_53 = arith.constant 0 : i32
      %dma_wait3A_54 = tpu.memref_slice %arg4[%arg0, %arg1, %dma_wait3A_52, %dma_wait3A_53] : memref<2x16x125x80xi32, #tpu.memory_space<hbm>> -> memref<1x1x64x80xi32, #tpu.memory_space<hbm>>
      %dma_wait3A_55 = tpu.memref_squeeze %dma_wait3A_54 : memref<1x1x64x80xi32, #tpu.memory_space<hbm>> -> memref<64x80xi32, #tpu.memory_space<hbm>>
      %dma_wait3A_56 = arith.constant 0 : i32
      %dma_wait3A_57 = arith.constant 0 : i32
      %dma_wait3A_58 = tpu.memref_slice %arg8[%dma_wait3A_56, %dma_wait3A_57] : memref<64x80xi32, #tpu.memory_space<vmem>> -> memref<64x80xi32, #tpu.memory_space<vmem>>
      %dma_wait3A_59 = arith.constant 0 : i32
      %dma_wait3A_60 = arith.constant 0 : i32
      %dma_wait3A_61 = tpu.memref_slice %arg4[%arg0, %arg1, %dma_wait3A_59, %dma_wait3A_60] : memref<2x16x125x80xi32, #tpu.memory_space<hbm>> -> memref<1x1x64x80xi32, #tpu.memory_space<hbm>>
      %dma_wait3A_62 = tpu.memref_squeeze %dma_wait3A_61 : memref<1x1x64x80xi32, #tpu.memory_space<hbm>> -> memref<64x80xi32, #tpu.memory_space<hbm>>
      tpu.wait_dma2 semaphore(%run_scoped3A : memref<!tpu.dma_semaphore, #tpu.memory_space<semaphore_mem>>) src(%dma_wait3A_62 : memref<64x80xi32, #tpu.memory_space<hbm>>) dst(%dma_wait3A_58 : memref<64x80xi32, #tpu.memory_space<vmem>>)
      tpu.yield
    }) : () -> ()
    %dma_start3A = arith.constant 0 : i32
    %dma_start3A_1 = arith.constant 0 : i32
    %dma_start3A_2 = arith.constant 0 : i32
    %dma_start3A_3 = arith.constant 0 : i32
    %dma_start3A_4 = tpu.memref_slice %arg9[%dma_start3A_1, %dma_start3A_2, %dma_start3A_3] : memref<2x80x128xf32, #tpu.memory_space<vmem>> -> memref<1x80x128xf32, #tpu.memory_space<vmem>>
    %dma_start3A_5 = tpu.memref_squeeze %dma_start3A_4 : memref<1x80x128xf32, #tpu.memory_space<vmem>> -> memref<80x128xf32, #tpu.memory_space<vmem>>
    %dma_start3A_6 = arith.constant 0 : i32
    %dma_start3A_7 = tpu.memref_slice %arg7[%dma_start3A, %dma_start3A_6] : memref<64x80xi32, #tpu.memory_space<vmem>> -> memref<1x80xi32, #tpu.memory_space<vmem>>
    %dma_start3A_8 = tpu.memref_squeeze %dma_start3A_7 : memref<1x80xi32, #tpu.memory_space<vmem>> -> memref<80xi32, #tpu.memory_space<vmem>>
    %dma_start3A_9 = arith.constant 0 : i32
    %dma_start3A_10 = arith.constant 0 : i32
    %dma_start3A_11 = tpu.memref_slice %arg2[%dma_start3A_9, %dma_start3A_10] : memref<20000x128xf32, #tpu.memory_space<hbm>> -> memref<20000x128xf32, #tpu.memory_space<hbm>>
    tpu.enqueue_indirect_dma source(%dma_start3A_11 : memref<20000x128xf32, #tpu.memory_space<hbm>>) target(%dma_start3A_5 : memref<80x128xf32, #tpu.memory_space<vmem>>) offsets(%dma_start3A_8 : memref<80xi32, #tpu.memory_space<vmem>>) semaphore(%arg11 : memref<!tpu.dma_semaphore, #tpu.memory_space<semaphore_mem>>)
    %scan3A = arith.constant 0 : i32
    %scan3A_12 = arith.constant 0 : i32
    %scan3A_13 = arith.constant 64 : i32
    %scan3A_14 = arith.addi %scan3A_12, %scan3A_13 : i32
    %scan3A_15 = arith.constant 1 : i32
    scf.for %scan3A_36 = %scan3A_12 to %scan3A_14 step %scan3A_15  : i32 {
      %rem3A = arith.constant 2 : i32
      %rem3A_37 = arith.remsi %scan3A_36, %rem3A : i32
      %dma_wait3A = arith.constant 0 : i32
      %dma_wait3A_38 = arith.constant 0 : i32
      %dma_wait3A_39 = tpu.memref_slice %arg9[%rem3A_37, %dma_wait3A, %dma_wait3A_38] : memref<2x80x128xf32, #tpu.memory_space<vmem>> -> memref<1x80x128xf32, #tpu.memory_space<vmem>>
      %dma_wait3A_40 = tpu.memref_squeeze %dma_wait3A_39 : memref<1x80x128xf32, #tpu.memory_space<vmem>> -> memref<80x128xf32, #tpu.memory_space<vmem>>
      %dma_wait3A_41 = arith.constant 0 : i32
      %dma_wait3A_42 = tpu.memref_slice %arg7[%scan3A_36, %dma_wait3A_41] : memref<64x80xi32, #tpu.memory_space<vmem>> -> memref<1x80xi32, #tpu.memory_space<vmem>>
      %dma_wait3A_43 = tpu.memref_squeeze %dma_wait3A_42 : memref<1x80xi32, #tpu.memory_space<vmem>> -> memref<80xi32, #tpu.memory_space<vmem>>
      %dma_wait3A_44 = arith.constant 0 : i32
      %dma_wait3A_45 = arith.constant 0 : i32
      %dma_wait3A_46 = tpu.memref_slice %arg2[%dma_wait3A_44, %dma_wait3A_45] : memref<20000x128xf32, #tpu.memory_space<hbm>> -> memref<20000x128xf32, #tpu.memory_space<hbm>>
      tpu.wait_indirect_dma semaphore(%arg11 : memref<!tpu.dma_semaphore, #tpu.memory_space<semaphore_mem>>) src(%dma_wait3A_46 : memref<20000x128xf32, #tpu.memory_space<hbm>>) dst(%dma_wait3A_40 : memref<80x128xf32, #tpu.memory_space<vmem>>)
      %add3A = arith.constant 1 : i32
      %add3A_47 = arith.addi %scan3A_36, %add3A : i32
      %lt3A = arith.constant 64 : i32
      %lt3A_48 = arith.cmpi slt, %add3A_47, %lt3A : i32
      %convert_element_type3A = arith.extui %lt3A_48 : i1 to i32
      %cond3A = arith.constant 0 : i32
      %cond3A_49 = arith.cmpi ne, %convert_element_type3A, %cond3A : i32
      scf.if %cond3A_49 {
        %add3A_50 = arith.constant 1 : i32
        %add3A_51 = arith.addi %scan3A_36, %add3A_50 : i32
        %sub3A = arith.constant 1 : i32
        %sub3A_52 = arith.subi %sub3A, %rem3A_37 : i32
        %dma_start3A_53 = arith.constant 0 : i32
        %dma_start3A_54 = arith.constant 0 : i32
        %dma_start3A_55 = tpu.memref_slice %arg9[%sub3A_52, %dma_start3A_53, %dma_start3A_54] : memref<2x80x128xf32, #tpu.memory_space<vmem>> -> memref<1x80x128xf32, #tpu.memory_space<vmem>>
        %dma_start3A_56 = tpu.memref_squeeze %dma_start3A_55 : memref<1x80x128xf32, #tpu.memory_space<vmem>> -> memref<80x128xf32, #tpu.memory_space<vmem>>
        %dma_start3A_57 = arith.constant 0 : i32
        %dma_start3A_58 = tpu.memref_slice %arg7[%add3A_51, %dma_start3A_57] : memref<64x80xi32, #tpu.memory_space<vmem>> -> memref<1x80xi32, #tpu.memory_space<vmem>>
        %dma_start3A_59 = tpu.memref_squeeze %dma_start3A_58 : memref<1x80xi32, #tpu.memory_space<vmem>> -> memref<80xi32, #tpu.memory_space<vmem>>
        %dma_start3A_60 = arith.constant 0 : i32
        %dma_start3A_61 = arith.constant 0 : i32
        %dma_start3A_62 = tpu.memref_slice %arg2[%dma_start3A_60, %dma_start3A_61] : memref<20000x128xf32, #tpu.memory_space<hbm>> -> memref<20000x128xf32, #tpu.memory_space<hbm>>
        tpu.enqueue_indirect_dma source(%dma_start3A_62 : memref<20000x128xf32, #tpu.memory_space<hbm>>) target(%dma_start3A_56 : memref<80x128xf32, #tpu.memory_space<vmem>>) offsets(%dma_start3A_59 : memref<80xi32, #tpu.memory_space<vmem>>) semaphore(%arg11 : memref<!tpu.dma_semaphore, #tpu.memory_space<semaphore_mem>>)
      } else {
      }
      "tpu.region"() ({
        %run_scoped3A = tpu.sem_alloc : memref<!tpu.dma_semaphore, #tpu.memory_space<semaphore_mem>>
        %dma_start3A_50 = arith.constant 0 : i32
        %dma_start3A_51 = arith.constant 0 : i32
        %dma_start3A_52 = tpu.memref_slice %arg9[%rem3A_37, %dma_start3A_50, %dma_start3A_51] : memref<2x80x128xf32, #tpu.memory_space<vmem>> -> memref<1x80x128xf32, #tpu.memory_space<vmem>>
        %dma_start3A_53 = tpu.memref_squeeze %dma_start3A_52 : memref<1x80x128xf32, #tpu.memory_space<vmem>> -> memref<80x128xf32, #tpu.memory_space<vmem>>
        %dma_start3A_54 = arith.constant 0 : i32
        %dma_start3A_55 = tpu.memref_slice %arg8[%scan3A_36, %dma_start3A_54] : memref<64x80xi32, #tpu.memory_space<vmem>> -> memref<1x80xi32, #tpu.memory_space<vmem>>
        %dma_start3A_56 = tpu.memref_squeeze %dma_start3A_55 : memref<1x80xi32, #tpu.memory_space<vmem>> -> memref<80xi32, #tpu.memory_space<vmem>>
        %dma_start3A_57 = arith.constant 0 : i32
        %dma_start3A_58 = arith.constant 0 : i32
        %dma_start3A_59 = tpu.memref_slice %arg10[%dma_start3A_57, %dma_start3A_58] : memref<10112x128xf32, #tpu.memory_space<vmem_shared>> -> memref<10112x128xf32, #tpu.memory_space<vmem_shared>>
        tpu.enqueue_indirect_dma source(%dma_start3A_53 : memref<80x128xf32, #tpu.memory_space<vmem>>) target(%dma_start3A_59 : memref<10112x128xf32, #tpu.memory_space<vmem_shared>>) offsets(%dma_start3A_56 : memref<80xi32, #tpu.memory_space<vmem>>) semaphore(%run_scoped3A : memref<!tpu.dma_semaphore, #tpu.memory_space<semaphore_mem>>) {add = true}
        %dma_wait3A_60 = arith.constant 0 : i32
        %dma_wait3A_61 = arith.constant 0 : i32
        %dma_wait3A_62 = tpu.memref_slice %arg9[%rem3A_37, %dma_wait3A_60, %dma_wait3A_61] : memref<2x80x128xf32, #tpu.memory_space<vmem>> -> memref<1x80x128xf32, #tpu.memory_space<vmem>>
        %dma_wait3A_63 = tpu.memref_squeeze %dma_wait3A_62 : memref<1x80x128xf32, #tpu.memory_space<vmem>> -> memref<80x128xf32, #tpu.memory_space<vmem>>
        %dma_wait3A_64 = arith.constant 0 : i32
        %dma_wait3A_65 = tpu.memref_slice %arg8[%scan3A_36, %dma_wait3A_64] : memref<64x80xi32, #tpu.memory_space<vmem>> -> memref<1x80xi32, #tpu.memory_space<vmem>>
        %dma_wait3A_66 = tpu.memref_squeeze %dma_wait3A_65 : memref<1x80xi32, #tpu.memory_space<vmem>> -> memref<80xi32, #tpu.memory_space<vmem>>
        %dma_wait3A_67 = arith.constant 0 : i32
        %dma_wait3A_68 = arith.constant 0 : i32
        %dma_wait3A_69 = tpu.memref_slice %arg10[%dma_wait3A_67, %dma_wait3A_68] : memref<10112x128xf32, #tpu.memory_space<vmem_shared>> -> memref<10112x128xf32, #tpu.memory_space<vmem_shared>>
        tpu.wait_indirect_dma semaphore(%run_scoped3A : memref<!tpu.dma_semaphore, #tpu.memory_space<semaphore_mem>>) src(%dma_wait3A_63 : memref<80x128xf32, #tpu.memory_space<vmem>>) dst(%dma_wait3A_69 : memref<10112x128xf32, #tpu.memory_space<vmem_shared>>)
        tpu.yield
      }) : () -> ()
    }
    %scan3A_16 = arith.constant 64 : i32
    "tpu.region"() ({
      %run_scoped3A = tpu.sem_alloc : memref<!tpu.dma_semaphore, #tpu.memory_space<semaphore_mem>>
      %dma_start3A_36 = arith.constant 0 : i32
      %dma_start3A_37 = arith.constant 0 : i32
      %dma_start3A_38 = tpu.memref_slice %arg7[%dma_start3A_36, %dma_start3A_37] : memref<64x80xi32, #tpu.memory_space<vmem>> -> memref<61x80xi32, #tpu.memory_space<vmem>>
      %dma_start3A_39 = arith.constant 64 : i32
      %dma_start3A_40 = arith.constant 0 : i32
      %dma_start3A_41 = tpu.memref_slice %arg3[%arg0, %arg1, %dma_start3A_39, %dma_start3A_40] : memref<2x16x125x80xi32, #tpu.memory_space<hbm>> -> memref<1x1x61x80xi32, #tpu.memory_space<hbm>>
      %dma_start3A_42 = tpu.memref_squeeze %dma_start3A_41 : memref<1x1x61x80xi32, #tpu.memory_space<hbm>> -> memref<61x80xi32, #tpu.memory_space<hbm>>
      %dma_start3A_43 = arith.constant 0 : i32
      %dma_start3A_44 = arith.constant 0 : i32
      %dma_start3A_45 = tpu.memref_slice %arg7[%dma_start3A_43, %dma_start3A_44] : memref<64x80xi32, #tpu.memory_space<vmem>> -> memref<61x80xi32, #tpu.memory_space<vmem>>
      %dma_start3A_46 = arith.constant 64 : i32
      %dma_start3A_47 = arith.constant 0 : i32
      %dma_start3A_48 = tpu.memref_slice %arg3[%arg0, %arg1, %dma_start3A_46, %dma_start3A_47] : memref<2x16x125x80xi32, #tpu.memory_space<hbm>> -> memref<1x1x61x80xi32, #tpu.memory_space<hbm>>
      %dma_start3A_49 = tpu.memref_squeeze %dma_start3A_48 : memref<1x1x61x80xi32, #tpu.memory_space<hbm>> -> memref<61x80xi32, #tpu.memory_space<hbm>>
      tpu.enqueue_dma source(%dma_start3A_49 : memref<61x80xi32, #tpu.memory_space<hbm>>) target(%dma_start3A_45 : memref<61x80xi32, #tpu.memory_space<vmem>>) target_semaphore(%run_scoped3A : memref<!tpu.dma_semaphore, #tpu.memory_space<semaphore_mem>>)
      %dma_wait3A = arith.constant 0 : i32
      %dma_wait3A_50 = arith.constant 0 : i32
      %dma_wait3A_51 = tpu.memref_slice %arg7[%dma_wait3A, %dma_wait3A_50] : memref<64x80xi32, #tpu.memory_space<vmem>> -> memref<61x80xi32, #tpu.memory_space<vmem>>
      %dma_wait3A_52 = arith.constant 64 : i32
      %dma_wait3A_53 = arith.constant 0 : i32
      %dma_wait3A_54 = tpu.memref_slice %arg3[%arg0, %arg1, %dma_wait3A_52, %dma_wait3A_53] : memref<2x16x125x80xi32, #tpu.memory_space<hbm>> -> memref<1x1x61x80xi32, #tpu.memory_space<hbm>>
      %dma_wait3A_55 = tpu.memref_squeeze %dma_wait3A_54 : memref<1x1x61x80xi32, #tpu.memory_space<hbm>> -> memref<61x80xi32, #tpu.memory_space<hbm>>
      %dma_wait3A_56 = arith.constant 0 : i32
      %dma_wait3A_57 = arith.constant 0 : i32
      %dma_wait3A_58 = tpu.memref_slice %arg7[%dma_wait3A_56, %dma_wait3A_57] : memref<64x80xi32, #tpu.memory_space<vmem>> -> memref<61x80xi32, #tpu.memory_space<vmem>>
      %dma_wait3A_59 = arith.constant 64 : i32
      %dma_wait3A_60 = arith.constant 0 : i32
      %dma_wait3A_61 = tpu.memref_slice %arg3[%arg0, %arg1, %dma_wait3A_59, %dma_wait3A_60] : memref<2x16x125x80xi32, #tpu.memory_space<hbm>> -> memref<1x1x61x80xi32, #tpu.memory_space<hbm>>
      %dma_wait3A_62 = tpu.memref_squeeze %dma_wait3A_61 : memref<1x1x61x80xi32, #tpu.memory_space<hbm>> -> memref<61x80xi32, #tpu.memory_space<hbm>>
      tpu.wait_dma2 semaphore(%run_scoped3A : memref<!tpu.dma_semaphore, #tpu.memory_space<semaphore_mem>>) src(%dma_wait3A_62 : memref<61x80xi32, #tpu.memory_space<hbm>>) dst(%dma_wait3A_58 : memref<61x80xi32, #tpu.memory_space<vmem>>)
      tpu.yield
    }) : () -> ()
    "tpu.region"() ({
      %run_scoped3A = tpu.sem_alloc : memref<!tpu.dma_semaphore, #tpu.memory_space<semaphore_mem>>
      %dma_start3A_36 = arith.constant 0 : i32
      %dma_start3A_37 = arith.constant 0 : i32
      %dma_start3A_38 = tpu.memref_slice %arg8[%dma_start3A_36, %dma_start3A_37] : memref<64x80xi32, #tpu.memory_space<vmem>> -> memref<61x80xi32, #tpu.memory_space<vmem>>
      %dma_start3A_39 = arith.constant 64 : i32
      %dma_start3A_40 = arith.constant 0 : i32
      %dma_start3A_41 = tpu.memref_slice %arg4[%arg0, %arg1, %dma_start3A_39, %dma_start3A_40] : memref<2x16x125x80xi32, #tpu.memory_space<hbm>> -> memref<1x1x61x80xi32, #tpu.memory_space<hbm>>
      %dma_start3A_42 = tpu.memref_squeeze %dma_start3A_41 : memref<1x1x61x80xi32, #tpu.memory_space<hbm>> -> memref<61x80xi32, #tpu.memory_space<hbm>>
      %dma_start3A_43 = arith.constant 0 : i32
      %dma_start3A_44 = arith.constant 0 : i32
      %dma_start3A_45 = tpu.memref_slice %arg8[%dma_start3A_43, %dma_start3A_44] : memref<64x80xi32, #tpu.memory_space<vmem>> -> memref<61x80xi32, #tpu.memory_space<vmem>>
      %dma_start3A_46 = arith.constant 64 : i32
      %dma_start3A_47 = arith.constant 0 : i32
      %dma_start3A_48 = tpu.memref_slice %arg4[%arg0, %arg1, %dma_start3A_46, %dma_start3A_47] : memref<2x16x125x80xi32, #tpu.memory_space<hbm>> -> memref<1x1x61x80xi32, #tpu.memory_space<hbm>>
      %dma_start3A_49 = tpu.memref_squeeze %dma_start3A_48 : memref<1x1x61x80xi32, #tpu.memory_space<hbm>> -> memref<61x80xi32, #tpu.memory_space<hbm>>
      tpu.enqueue_dma source(%dma_start3A_49 : memref<61x80xi32, #tpu.memory_space<hbm>>) target(%dma_start3A_45 : memref<61x80xi32, #tpu.memory_space<vmem>>) target_semaphore(%run_scoped3A : memref<!tpu.dma_semaphore, #tpu.memory_space<semaphore_mem>>)
      %dma_wait3A = arith.constant 0 : i32
      %dma_wait3A_50 = arith.constant 0 : i32
      %dma_wait3A_51 = tpu.memref_slice %arg8[%dma_wait3A, %dma_wait3A_50] : memref<64x80xi32, #tpu.memory_space<vmem>> -> memref<61x80xi32, #tpu.memory_space<vmem>>
      %dma_wait3A_52 = arith.constant 64 : i32
      %dma_wait3A_53 = arith.constant 0 : i32
      %dma_wait3A_54 = tpu.memref_slice %arg4[%arg0, %arg1, %dma_wait3A_52, %dma_wait3A_53] : memref<2x16x125x80xi32, #tpu.memory_space<hbm>> -> memref<1x1x61x80xi32, #tpu.memory_space<hbm>>
      %dma_wait3A_55 = tpu.memref_squeeze %dma_wait3A_54 : memref<1x1x61x80xi32, #tpu.memory_space<hbm>> -> memref<61x80xi32, #tpu.memory_space<hbm>>
      %dma_wait3A_56 = arith.constant 0 : i32
      %dma_wait3A_57 = arith.constant 0 : i32
      %dma_wait3A_58 = tpu.memref_slice %arg8[%dma_wait3A_56, %dma_wait3A_57] : memref<64x80xi32, #tpu.memory_space<vmem>> -> memref<61x80xi32, #tpu.memory_space<vmem>>
      %dma_wait3A_59 = arith.constant 64 : i32
      %dma_wait3A_60 = arith.constant 0 : i32
      %dma_wait3A_61 = tpu.memref_slice %arg4[%arg0, %arg1, %dma_wait3A_59, %dma_wait3A_60] : memref<2x16x125x80xi32, #tpu.memory_space<hbm>> -> memref<1x1x61x80xi32, #tpu.memory_space<hbm>>
      %dma_wait3A_62 = tpu.memref_squeeze %dma_wait3A_61 : memref<1x1x61x80xi32, #tpu.memory_space<hbm>> -> memref<61x80xi32, #tpu.memory_space<hbm>>
      tpu.wait_dma2 semaphore(%run_scoped3A : memref<!tpu.dma_semaphore, #tpu.memory_space<semaphore_mem>>) src(%dma_wait3A_62 : memref<61x80xi32, #tpu.memory_space<hbm>>) dst(%dma_wait3A_58 : memref<61x80xi32, #tpu.memory_space<vmem>>)
      tpu.yield
    }) : () -> ()
    %dma_start3A_17 = arith.constant 0 : i32
    %dma_start3A_18 = arith.constant 0 : i32
    %dma_start3A_19 = arith.constant 0 : i32
    %dma_start3A_20 = arith.constant 0 : i32
    %dma_start3A_21 = tpu.memref_slice %arg9[%dma_start3A_18, %dma_start3A_19, %dma_start3A_20] : memref<2x80x128xf32, #tpu.memory_space<vmem>> -> memref<1x80x128xf32, #tpu.memory_space<vmem>>
    %dma_start3A_22 = tpu.memref_squeeze %dma_start3A_21 : memref<1x80x128xf32, #tpu.memory_space<vmem>> -> memref<80x128xf32, #tpu.memory_space<vmem>>
    %dma_start3A_23 = arith.constant 0 : i32
    %dma_start3A_24 = tpu.memref_slice %arg7[%dma_start3A_17, %dma_start3A_23] : memref<64x80xi32, #tpu.memory_space<vmem>> -> memref<1x80xi32, #tpu.memory_space<vmem>>
    %dma_start3A_25 = tpu.memref_squeeze %dma_start3A_24 : memref<1x80xi32, #tpu.memory_space<vmem>> -> memref<80xi32, #tpu.memory_space<vmem>>
    %dma_start3A_26 = arith.constant 0 : i32
    %dma_start3A_27 = arith.constant 0 : i32
    %dma_start3A_28 = tpu.memref_slice %arg2[%dma_start3A_26, %dma_start3A_27] : memref<20000x128xf32, #tpu.memory_space<hbm>> -> memref<20000x128xf32, #tpu.memory_space<hbm>>
    tpu.enqueue_indirect_dma source(%dma_start3A_28 : memref<20000x128xf32, #tpu.memory_space<hbm>>) target(%dma_start3A_22 : memref<80x128xf32, #tpu.memory_space<vmem>>) offsets(%dma_start3A_25 : memref<80xi32, #tpu.memory_space<vmem>>) semaphore(%arg11 : memref<!tpu.dma_semaphore, #tpu.memory_space<semaphore_mem>>)
    %scan3A_29 = arith.constant 0 : i32
    %scan3A_30 = arith.constant 0 : i32
    %scan3A_31 = arith.constant 61 : i32
    %scan3A_32 = arith.addi %scan3A_30, %scan3A_31 : i32
    %scan3A_33 = arith.constant 1 : i32
    scf.for %scan3A_36 = %scan3A_30 to %scan3A_32 step %scan3A_33  : i32 {
      %rem3A = arith.constant 2 : i32
      %rem3A_37 = arith.remsi %scan3A_36, %rem3A : i32
      %dma_wait3A = arith.constant 0 : i32
      %dma_wait3A_38 = arith.constant 0 : i32
      %dma_wait3A_39 = tpu.memref_slice %arg9[%rem3A_37, %dma_wait3A, %dma_wait3A_38] : memref<2x80x128xf32, #tpu.memory_space<vmem>> -> memref<1x80x128xf32, #tpu.memory_space<vmem>>
      %dma_wait3A_40 = tpu.memref_squeeze %dma_wait3A_39 : memref<1x80x128xf32, #tpu.memory_space<vmem>> -> memref<80x128xf32, #tpu.memory_space<vmem>>
      %dma_wait3A_41 = arith.constant 0 : i32
      %dma_wait3A_42 = tpu.memref_slice %arg7[%scan3A_36, %dma_wait3A_41] : memref<64x80xi32, #tpu.memory_space<vmem>> -> memref<1x80xi32, #tpu.memory_space<vmem>>
      %dma_wait3A_43 = tpu.memref_squeeze %dma_wait3A_42 : memref<1x80xi32, #tpu.memory_space<vmem>> -> memref<80xi32, #tpu.memory_space<vmem>>
      %dma_wait3A_44 = arith.constant 0 : i32
      %dma_wait3A_45 = arith.constant 0 : i32
      %dma_wait3A_46 = tpu.memref_slice %arg2[%dma_wait3A_44, %dma_wait3A_45] : memref<20000x128xf32, #tpu.memory_space<hbm>> -> memref<20000x128xf32, #tpu.memory_space<hbm>>
      tpu.wait_indirect_dma semaphore(%arg11 : memref<!tpu.dma_semaphore, #tpu.memory_space<semaphore_mem>>) src(%dma_wait3A_46 : memref<20000x128xf32, #tpu.memory_space<hbm>>) dst(%dma_wait3A_40 : memref<80x128xf32, #tpu.memory_space<vmem>>)
      %add3A = arith.constant 1 : i32
      %add3A_47 = arith.addi %scan3A_36, %add3A : i32
      %lt3A = arith.constant 61 : i32
      %lt3A_48 = arith.cmpi slt, %add3A_47, %lt3A : i32
      %convert_element_type3A = arith.extui %lt3A_48 : i1 to i32
      %cond3A = arith.constant 0 : i32
      %cond3A_49 = arith.cmpi ne, %convert_element_type3A, %cond3A : i32
      scf.if %cond3A_49 {
        %add3A_50 = arith.constant 1 : i32
        %add3A_51 = arith.addi %scan3A_36, %add3A_50 : i32
        %sub3A = arith.constant 1 : i32
        %sub3A_52 = arith.subi %sub3A, %rem3A_37 : i32
        %dma_start3A_53 = arith.constant 0 : i32
        %dma_start3A_54 = arith.constant 0 : i32
        %dma_start3A_55 = tpu.memref_slice %arg9[%sub3A_52, %dma_start3A_53, %dma_start3A_54] : memref<2x80x128xf32, #tpu.memory_space<vmem>> -> memref<1x80x128xf32, #tpu.memory_space<vmem>>
        %dma_start3A_56 = tpu.memref_squeeze %dma_start3A_55 : memref<1x80x128xf32, #tpu.memory_space<vmem>> -> memref<80x128xf32, #tpu.memory_space<vmem>>
        %dma_start3A_57 = arith.constant 0 : i32
        %dma_start3A_58 = tpu.memref_slice %arg7[%add3A_51, %dma_start3A_57] : memref<64x80xi32, #tpu.memory_space<vmem>> -> memref<1x80xi32, #tpu.memory_space<vmem>>
        %dma_start3A_59 = tpu.memref_squeeze %dma_start3A_58 : memref<1x80xi32, #tpu.memory_space<vmem>> -> memref<80xi32, #tpu.memory_space<vmem>>
        %dma_start3A_60 = arith.constant 0 : i32
        %dma_start3A_61 = arith.constant 0 : i32
        %dma_start3A_62 = tpu.memref_slice %arg2[%dma_start3A_60, %dma_start3A_61] : memref<20000x128xf32, #tpu.memory_space<hbm>> -> memref<20000x128xf32, #tpu.memory_space<hbm>>
        tpu.enqueue_indirect_dma source(%dma_start3A_62 : memref<20000x128xf32, #tpu.memory_space<hbm>>) target(%dma_start3A_56 : memref<80x128xf32, #tpu.memory_space<vmem>>) offsets(%dma_start3A_59 : memref<80xi32, #tpu.memory_space<vmem>>) semaphore(%arg11 : memref<!tpu.dma_semaphore, #tpu.memory_space<semaphore_mem>>)
      } else {
      }
      "tpu.region"() ({
        %run_scoped3A = tpu.sem_alloc : memref<!tpu.dma_semaphore, #tpu.memory_space<semaphore_mem>>
        %dma_start3A_50 = arith.constant 0 : i32
        %dma_start3A_51 = arith.constant 0 : i32
        %dma_start3A_52 = tpu.memref_slice %arg9[%rem3A_37, %dma_start3A_50, %dma_start3A_51] : memref<2x80x128xf32, #tpu.memory_space<vmem>> -> memref<1x80x128xf32, #tpu.memory_space<vmem>>
        %dma_start3A_53 = tpu.memref_squeeze %dma_start3A_52 : memref<1x80x128xf32, #tpu.memory_space<vmem>> -> memref<80x128xf32, #tpu.memory_space<vmem>>
        %dma_start3A_54 = arith.constant 0 : i32
        %dma_start3A_55 = tpu.memref_slice %arg8[%scan3A_36, %dma_start3A_54] : memref<64x80xi32, #tpu.memory_space<vmem>> -> memref<1x80xi32, #tpu.memory_space<vmem>>
        %dma_start3A_56 = tpu.memref_squeeze %dma_start3A_55 : memref<1x80xi32, #tpu.memory_space<vmem>> -> memref<80xi32, #tpu.memory_space<vmem>>
        %dma_start3A_57 = arith.constant 0 : i32
        %dma_start3A_58 = arith.constant 0 : i32
        %dma_start3A_59 = tpu.memref_slice %arg10[%dma_start3A_57, %dma_start3A_58] : memref<10112x128xf32, #tpu.memory_space<vmem_shared>> -> memref<10112x128xf32, #tpu.memory_space<vmem_shared>>
        tpu.enqueue_indirect_dma source(%dma_start3A_53 : memref<80x128xf32, #tpu.memory_space<vmem>>) target(%dma_start3A_59 : memref<10112x128xf32, #tpu.memory_space<vmem_shared>>) offsets(%dma_start3A_56 : memref<80xi32, #tpu.memory_space<vmem>>) semaphore(%run_scoped3A : memref<!tpu.dma_semaphore, #tpu.memory_space<semaphore_mem>>) {add = true}
        %dma_wait3A_60 = arith.constant 0 : i32
        %dma_wait3A_61 = arith.constant 0 : i32
        %dma_wait3A_62 = tpu.memref_slice %arg9[%rem3A_37, %dma_wait3A_60, %dma_wait3A_61] : memref<2x80x128xf32, #tpu.memory_space<vmem>> -> memref<1x80x128xf32, #tpu.memory_space<vmem>>
        %dma_wait3A_63 = tpu.memref_squeeze %dma_wait3A_62 : memref<1x80x128xf32, #tpu.memory_space<vmem>> -> memref<80x128xf32, #tpu.memory_space<vmem>>
        %dma_wait3A_64 = arith.constant 0 : i32
        %dma_wait3A_65 = tpu.memref_slice %arg8[%scan3A_36, %dma_wait3A_64] : memref<64x80xi32, #tpu.memory_space<vmem>> -> memref<1x80xi32, #tpu.memory_space<vmem>>
        %dma_wait3A_66 = tpu.memref_squeeze %dma_wait3A_65 : memref<1x80xi32, #tpu.memory_space<vmem>> -> memref<80xi32, #tpu.memory_space<vmem>>
        %dma_wait3A_67 = arith.constant 0 : i32
        %dma_wait3A_68 = arith.constant 0 : i32
        %dma_wait3A_69 = tpu.memref_slice %arg10[%dma_wait3A_67, %dma_wait3A_68] : memref<10112x128xf32, #tpu.memory_space<vmem_shared>> -> memref<10112x128xf32, #tpu.memory_space<vmem_shared>>
        tpu.wait_indirect_dma semaphore(%run_scoped3A : memref<!tpu.dma_semaphore, #tpu.memory_space<semaphore_mem>>) src(%dma_wait3A_63 : memref<80x128xf32, #tpu.memory_space<vmem>>) dst(%dma_wait3A_69 : memref<10112x128xf32, #tpu.memory_space<vmem_shared>>)
        tpu.yield
      }) : () -> ()
    }
    %scan3A_34 = arith.constant 61 : i32
    %barrier3A_35 = arith.constant 0 : index
    tpu.barrier barrier_id(%barrier3A_35)
    "tpu.region"() ({
      %run_scoped3A = tpu.sem_alloc : memref<!tpu.dma_semaphore, #tpu.memory_space<semaphore_mem>>
      %dma_start3A_36 = arith.constant 0 : i32
      %dma_start3A_37 = tpu.memref_slice %arg6[%arg0, %mul3A_0, %dma_start3A_36] : memref<2x10112x128xf32, #tpu.memory_space<hbm>> -> memref<1x632x128xf32, #tpu.memory_space<hbm>>
      %dma_start3A_38 = tpu.memref_squeeze %dma_start3A_37 : memref<1x632x128xf32, #tpu.memory_space<hbm>> -> memref<632x128xf32, #tpu.memory_space<hbm>>
      %dma_start3A_39 = arith.constant 0 : i32
      %dma_start3A_40 = tpu.memref_slice %arg10[%mul3A_0, %dma_start3A_39] : memref<10112x128xf32, #tpu.memory_space<vmem_shared>> -> memref<632x128xf32, #tpu.memory_space<vmem_shared>>
      tpu.enqueue_dma source(%dma_start3A_40 : memref<632x128xf32, #tpu.memory_space<vmem_shared>>) target(%dma_start3A_38 : memref<632x128xf32, #tpu.memory_space<hbm>>) target_semaphore(%run_scoped3A : memref<!tpu.dma_semaphore, #tpu.memory_space<semaphore_mem>>)
      %dma_wait3A = arith.constant 0 : i32
      %dma_wait3A_41 = tpu.memref_slice %arg6[%arg0, %mul3A_0, %dma_wait3A] : memref<2x10112x128xf32, #tpu.memory_space<hbm>> -> memref<1x632x128xf32, #tpu.memory_space<hbm>>
      %dma_wait3A_42 = tpu.memref_squeeze %dma_wait3A_41 : memref<1x632x128xf32, #tpu.memory_space<hbm>> -> memref<632x128xf32, #tpu.memory_space<hbm>>
      %dma_wait3A_43 = arith.constant 0 : i32
      %dma_wait3A_44 = tpu.memref_slice %arg10[%mul3A_0, %dma_wait3A_43] : memref<10112x128xf32, #tpu.memory_space<vmem_shared>> -> memref<632x128xf32, #tpu.memory_space<vmem_shared>>
      tpu.wait_dma2 semaphore(%run_scoped3A : memref<!tpu.dma_semaphore, #tpu.memory_space<semaphore_mem>>) src(%dma_wait3A_44 : memref<632x128xf32, #tpu.memory_space<vmem_shared>>) dst(%dma_wait3A_42 : memref<632x128xf32, #tpu.memory_space<hbm>>)
      tpu.yield
    }) : () -> ()
    return
  }
}

module attributes {stable_mosaic.version = 14 : i64} {
  func.func @body(%arg0: i32, %arg1: memref<2x1000x128xf32, #tpu.memory_space<vmem>>, %arg2: memref<1000x128xf32, #tpu.memory_space<vmem>>, %arg3: memref<1000x1xf32, #tpu.memory_space<vmem>>, %arg4: memref<2x1000x128xf32, #tpu.memory_space<vmem>>) attributes {dimension_semantics = [#tpu.dimension_semantics<arbitrary>], iteration_bounds = array<i64: 10>, scalar_prefetch = 0 : i64, scratch_operands = 0 : i64, tpu.core_type = #tpu.core_type<tc>, window_params = [{transform_indices = @transform_0, window_bounds = array<i64: 2, 1000, 128>}, {transform_indices = @transform_1, window_bounds = array<i64: 1000, 128>}, {transform_indices = @transform_2, window_bounds = array<i64: 1000, 1>}, {transform_indices = @transform_3, window_bounds = array<i64: 2, 1000, 128>}]} {
    %get3A = arith.constant 0 : index
    %get3A_0 = arith.constant 0 : index
    %get3A_1 = arith.constant 0 : index
    %get3A_2 = vector.load %arg1[%get3A, %get3A_0, %get3A_1] : memref<2x1000x128xf32, #tpu.memory_space<vmem>>, vector<1x1000x128xf32>
    %get3A_3 = vector.shape_cast %get3A_2 : vector<1x1000x128xf32> to vector<1000x128xf32>
    %slice3A = vector.extract_strided_slice %get3A_3 {offsets = [0, 0], sizes = [1000, 1], strides = [1, 1]} : vector<1000x128xf32> to vector<1000x1xf32>
    %get3A_4 = arith.constant 1 : index
    %get3A_5 = arith.constant 0 : index
    %get3A_6 = arith.constant 0 : index
    %get3A_7 = vector.load %arg1[%get3A_4, %get3A_5, %get3A_6] : memref<2x1000x128xf32, #tpu.memory_space<vmem>>, vector<1x1000x128xf32>
    %get3A_8 = vector.shape_cast %get3A_7 : vector<1x1000x128xf32> to vector<1000x128xf32>
    %slice3A_9 = vector.extract_strided_slice %get3A_8 {offsets = [0, 0], sizes = [1000, 1], strides = [1, 1]} : vector<1000x128xf32> to vector<1000x1xf32>
    %add3A = arith.addf %slice3A, %slice3A_9 : vector<1000x1xf32>
    %add3A_10 = arith.constant 1.000000e+00 : f32
    %add3A_11 = vector.broadcast %add3A_10 : f32 to vector<1000x1xf32>
    %add3A_12 = arith.addf %add3A, %add3A_11 : vector<1000x1xf32>
    %rsqrt3A = math.rsqrt %add3A_12 : vector<1000x1xf32>
    %swap3A = arith.constant 0 : index
    %swap3A_13 = arith.constant 0 : index
    %swap3A_14 = vector.load %arg3[%swap3A, %swap3A_13] : memref<1000x1xf32, #tpu.memory_space<vmem>>, vector<1000x1xf32>
    tpu.vector_store %arg3[%swap3A, %swap3A_13], %rsqrt3A {strides = array<i32>} : memref<1000x1xf32, #tpu.memory_space<vmem>>, vector<1000x1xf32>,
    %get3A_15 = arith.constant 0 : index
    %get3A_16 = arith.constant 0 : index
    %get3A_17 = vector.load %arg2[%get3A_15, %get3A_16] : memref<1000x128xf32, #tpu.memory_space<vmem>>, vector<1000x128xf32>
    %mul3A = vector.broadcast %rsqrt3A : vector<1000x1xf32> to vector<1000x128xf32>
    %mul3A_18 = arith.mulf %get3A_17, %mul3A : vector<1000x128xf32>
    %swap3A_19 = arith.constant 0 : index
    %swap3A_20 = arith.constant 0 : index
    %swap3A_21 = arith.constant 0 : index
    %swap3A_22 = vector.load %arg4[%swap3A_19, %swap3A_20, %swap3A_21] : memref<2x1000x128xf32, #tpu.memory_space<vmem>>, vector<1x1000x128xf32>
    %swap3A_23 = vector.shape_cast %swap3A_22 : vector<1x1000x128xf32> to vector<1000x128xf32>
    %swap3A_24 = vector.shape_cast %mul3A_18 : vector<1000x128xf32> to vector<1x1000x128xf32>
    tpu.vector_store %arg4[%swap3A_19, %swap3A_20, %swap3A_21], %swap3A_24 {strides = array<i32>} : memref<2x1000x128xf32, #tpu.memory_space<vmem>>, vector<1x1000x128xf32>,
    %swap3A_25 = arith.constant 1 : index
    %swap3A_26 = arith.constant 0 : index
    %swap3A_27 = arith.constant 0 : index
    %swap3A_28 = vector.load %arg4[%swap3A_25, %swap3A_26, %swap3A_27] : memref<2x1000x128xf32, #tpu.memory_space<vmem>>, vector<1x1000x128xf32>
    %swap3A_29 = vector.shape_cast %swap3A_28 : vector<1x1000x128xf32> to vector<1000x128xf32>
    %swap3A_30 = vector.shape_cast %mul3A_18 : vector<1000x128xf32> to vector<1x1000x128xf32>
    tpu.vector_store %arg4[%swap3A_25, %swap3A_26, %swap3A_27], %swap3A_30 {strides = array<i32>} : memref<2x1000x128xf32, #tpu.memory_space<vmem>>, vector<1x1000x128xf32>,
    return
  }
  func.func @transform_0(%arg0: i32) -> (i32, i32, i32) {
    %c0_i32 = arith.constant 0 : i32
    %c0_i32_0 = arith.constant 0 : i32
    %c0_i32_1 = arith.constant 0 : i32
    return %c0_i32, %arg0, %c0_i32_0 : i32, i32, i32
  }
  func.func @transform_1(%arg0: i32) -> (i32, i32) {
    %c0_i32 = arith.constant 0 : i32
    %c0_i32_0 = arith.constant 0 : i32
    return %arg0, %c0_i32 : i32, i32
  }
  func.func @transform_2(%arg0: i32) -> (i32, i32) {
    %c0_i32 = arith.constant 0 : i32
    %c0_i32_0 = arith.constant 0 : i32
    return %arg0, %c0_i32 : i32, i32
  }
  func.func @transform_3(%arg0: i32) -> (i32, i32, i32) {
    %c0_i32 = arith.constant 0 : i32
    %c0_i32_0 = arith.constant 0 : i32
    %c0_i32_1 = arith.constant 0 : i32
    return %c0_i32, %arg0, %c0_i32_0 : i32, i32, i32
  }
}

module attributes {stable_mosaic.version = 14 : i64} {
  func.func @body(%arg0: i32, %arg1: memref<2x1000x128xf32, #tpu.memory_space<vmem>>, %arg2: memref<1x1000x128xf32, #tpu.memory_space<vmem>>, %arg3: memref<1000x1xf32, #tpu.memory_space<vmem>>, %arg4: memref<128x256xf32, #tpu.memory_space<vmem>>, %arg5: memref<1x256xf32, #tpu.memory_space<vmem>>, %arg6: memref<2x1000x128xf32, #tpu.memory_space<vmem>>) attributes {dimension_semantics = [#tpu.dimension_semantics<arbitrary>], iteration_bounds = array<i64: 10>, scalar_prefetch = 0 : i64, scratch_operands = 0 : i64, tpu.core_type = #tpu.core_type<tc>, window_params = [{transform_indices = @transform_0, window_bounds = array<i64: 2, 1000, 128>}, {transform_indices = @transform_1, window_bounds = array<i64: 1, 1000, 128>}, {transform_indices = @transform_2, window_bounds = array<i64: 1000, 1>}, {pipeline_mode = #tpu.pipeline_mode<synchronous>, transform_indices = @transform_3, window_bounds = array<i64: 128, 256>}, {pipeline_mode = #tpu.pipeline_mode<synchronous>, transform_indices = @transform_4, window_bounds = array<i64: 1, 256>}, {transform_indices = @transform_5, window_bounds = array<i64: 2, 1000, 128>}]} {
    %get3A = arith.constant 0 : index
    %get3A_0 = arith.constant 0 : index
    %get3A_1 = vector.load %arg3[%get3A, %get3A_0] : memref<1000x1xf32, #tpu.memory_space<vmem>>, vector<1000x1xf32>
    %get3A_2 = arith.constant 0 : index
    %get3A_3 = arith.constant 0 : index
    %get3A_4 = arith.constant 0 : index
    %get3A_5 = vector.load %arg1[%get3A_2, %get3A_3, %get3A_4] : memref<2x1000x128xf32, #tpu.memory_space<vmem>>, vector<1x1000x128xf32>
    %get3A_6 = vector.shape_cast %get3A_5 : vector<1x1000x128xf32> to vector<1000x128xf32>
    %get3A_7 = arith.constant 1 : index
    %get3A_8 = arith.constant 0 : index
    %get3A_9 = arith.constant 0 : index
    %get3A_10 = vector.load %arg1[%get3A_7, %get3A_8, %get3A_9] : memref<2x1000x128xf32, #tpu.memory_space<vmem>>, vector<1x1000x128xf32>
    %get3A_11 = vector.shape_cast %get3A_10 : vector<1x1000x128xf32> to vector<1000x128xf32>
    %add3A = arith.addf %get3A_6, %get3A_11 : vector<1000x128xf32>
    %get3A_12 = arith.constant 0 : index
    %get3A_13 = arith.constant 0 : index
    %get3A_14 = arith.constant 0 : index
    %get3A_15 = vector.load %arg2[%get3A_12, %get3A_13, %get3A_14] : memref<1x1000x128xf32, #tpu.memory_space<vmem>>, vector<1x1000x128xf32>
    %get3A_16 = vector.shape_cast %get3A_15 : vector<1x1000x128xf32> to vector<1000x128xf32>
    %add3A_17 = arith.addf %add3A, %get3A_16 : vector<1000x128xf32>
    %mul3A = vector.broadcast %get3A_1 : vector<1000x1xf32> to vector<1000x128xf32>
    %mul3A_18 = arith.mulf %add3A_17, %mul3A : vector<1000x128xf32>
    %get3A_19 = arith.constant 0 : index
    %get3A_20 = arith.constant 0 : index
    %get3A_21 = vector.load %arg4[%get3A_19, %get3A_20] : memref<128x256xf32, #tpu.memory_space<vmem>>, vector<128x256xf32>
    %dot_general3A = arith.constant dense<0.000000e+00> : vector<1000x256xf32>
    %dot_general3A_22 = tpu.matmul %mul3A_18, %get3A_21, %dot_general3A {dimension_numbers = #tpu.dot_dimension_numbers<[1], [0], [0], [1], [0, 0, 1, 1], [], []>, transpose_lhs_hint = false} : vector<1000x128xf32>, vector<128x256xf32>, vector<1000x256xf32> -> vector<1000x256xf32>
    %get3A_23 = arith.constant 0 : index
    %get3A_24 = arith.constant 0 : index
    %get3A_25 = vector.load %arg5[%get3A_23, %get3A_24] : memref<1x256xf32, #tpu.memory_space<vmem>>, vector<1x256xf32>
    %add3A_26 = vector.broadcast %get3A_25 : vector<1x256xf32> to vector<1000x256xf32>
    %add3A_27 = arith.addf %dot_general3A_22, %add3A_26 : vector<1000x256xf32>
    %max3A = arith.constant 0.000000e+00 : f32
    %max3A_28 = vector.broadcast %max3A : f32 to vector<1000x256xf32>
    %max3A_29 = arith.maximumf %add3A_27, %max3A_28 : vector<1000x256xf32>
    %mul3A_30 = vector.broadcast %get3A_1 : vector<1000x1xf32> to vector<1000x256xf32>
    %mul3A_31 = arith.mulf %max3A_29, %mul3A_30 : vector<1000x256xf32>
    %slice3A = vector.extract_strided_slice %mul3A_31 {offsets = [0, 0], sizes = [1000, 128], strides = [1, 1]} : vector<1000x256xf32> to vector<1000x128xf32>
    %swap3A = arith.constant 0 : index
    %swap3A_32 = arith.constant 0 : index
    %swap3A_33 = arith.constant 0 : index
    %swap3A_34 = vector.load %arg6[%swap3A, %swap3A_32, %swap3A_33] : memref<2x1000x128xf32, #tpu.memory_space<vmem>>, vector<1x1000x128xf32>
    %swap3A_35 = vector.shape_cast %swap3A_34 : vector<1x1000x128xf32> to vector<1000x128xf32>
    %swap3A_36 = vector.shape_cast %slice3A : vector<1000x128xf32> to vector<1x1000x128xf32>
    tpu.vector_store %arg6[%swap3A, %swap3A_32, %swap3A_33], %swap3A_36 {strides = array<i32>} : memref<2x1000x128xf32, #tpu.memory_space<vmem>>, vector<1x1000x128xf32>,
    %slice3A_37 = vector.extract_strided_slice %mul3A_31 {offsets = [0, 128], sizes = [1000, 128], strides = [1, 1]} : vector<1000x256xf32> to vector<1000x128xf32>
    %swap3A_38 = arith.constant 1 : index
    %swap3A_39 = arith.constant 0 : index
    %swap3A_40 = arith.constant 0 : index
    %swap3A_41 = vector.load %arg6[%swap3A_38, %swap3A_39, %swap3A_40] : memref<2x1000x128xf32, #tpu.memory_space<vmem>>, vector<1x1000x128xf32>
    %swap3A_42 = vector.shape_cast %swap3A_41 : vector<1x1000x128xf32> to vector<1000x128xf32>
    %swap3A_43 = vector.shape_cast %slice3A_37 : vector<1000x128xf32> to vector<1x1000x128xf32>
    tpu.vector_store %arg6[%swap3A_38, %swap3A_39, %swap3A_40], %swap3A_43 {strides = array<i32>} : memref<2x1000x128xf32, #tpu.memory_space<vmem>>, vector<1x1000x128xf32>,
    return
  }
  func.func @transform_0(%arg0: i32) -> (i32, i32, i32) {
    %c0_i32 = arith.constant 0 : i32
    %c0_i32_0 = arith.constant 0 : i32
    %c0_i32_1 = arith.constant 0 : i32
    return %c0_i32, %arg0, %c0_i32_0 : i32, i32, i32
  }
  func.func @transform_1(%arg0: i32) -> (i32, i32, i32) {
    %c0_i32 = arith.constant 0 : i32
    %c0_i32_0 = arith.constant 0 : i32
    %c0_i32_1 = arith.constant 0 : i32
    return %c0_i32, %arg0, %c0_i32_0 : i32, i32, i32
  }
  func.func @transform_2(%arg0: i32) -> (i32, i32) {
    %c0_i32 = arith.constant 0 : i32
    %c0_i32_0 = arith.constant 0 : i32
    return %arg0, %c0_i32 : i32, i32
  }
  func.func @transform_3(%arg0: i32) -> (i32, i32) {
    %c0_i32 = arith.constant 0 : i32
    %c0_i32_0 = arith.constant 0 : i32
    %c0_i32_1 = arith.constant 0 : i32
    return %c0_i32, %c0_i32_0 : i32, i32
  }
  func.func @transform_4(%arg0: i32) -> (i32, i32) {
    %c0_i32 = arith.constant 0 : i32
    %c0_i32_0 = arith.constant 0 : i32
    %c0_i32_1 = arith.constant 0 : i32
    return %c0_i32, %c0_i32_0 : i32, i32
  }
  func.func @transform_5(%arg0: i32) -> (i32, i32, i32) {
    %c0_i32 = arith.constant 0 : i32
    %c0_i32_0 = arith.constant 0 : i32
    %c0_i32_1 = arith.constant 0 : i32
    return %c0_i32, %arg0, %c0_i32_0 : i32, i32, i32
  }
}

module attributes {stable_mosaic.version = 14 : i64} {
  func.func @body(%arg0: i32, %arg1: memref<2x1000x128xf32, #tpu.memory_space<vmem>>, %arg2: memref<2x1000x128xf32, #tpu.memory_space<vmem>>, %arg3: memref<2x1000x128xf32, #tpu.memory_space<vmem>>, %arg4: memref<1000x1xf32, #tpu.memory_space<vmem>>, %arg5: memref<128x128xf32, #tpu.memory_space<vmem>>, %arg6: memref<128x128xf32, #tpu.memory_space<vmem>>, %arg7: memref<128x128xf32, #tpu.memory_space<vmem>>, %arg8: memref<128x128xf32, #tpu.memory_space<vmem>>, %arg9: memref<1x128xf32, #tpu.memory_space<vmem>>, %arg10: memref<1x128xf32, #tpu.memory_space<vmem>>, %arg11: memref<1000x128xf32, #tpu.memory_space<vmem>>, %arg12: memref<1000x128xf32, #tpu.memory_space<vmem>>) attributes {dimension_semantics = [#tpu.dimension_semantics<arbitrary>], iteration_bounds = array<i64: 10>, scalar_prefetch = 0 : i64, scratch_operands = 0 : i64, tpu.core_type = #tpu.core_type<tc>, window_params = [{transform_indices = @transform_0, window_bounds = array<i64: 2, 1000, 128>}, {transform_indices = @transform_1, window_bounds = array<i64: 2, 1000, 128>}, {transform_indices = @transform_2, window_bounds = array<i64: 2, 1000, 128>}, {transform_indices = @transform_3, window_bounds = array<i64: 1000, 1>}, {pipeline_mode = #tpu.pipeline_mode<synchronous>, transform_indices = @transform_4, window_bounds = array<i64: 128, 128>}, {pipeline_mode = #tpu.pipeline_mode<synchronous>, transform_indices = @transform_5, window_bounds = array<i64: 128, 128>}, {pipeline_mode = #tpu.pipeline_mode<synchronous>, transform_indices = @transform_6, window_bounds = array<i64: 128, 128>}, {pipeline_mode = #tpu.pipeline_mode<synchronous>, transform_indices = @transform_7, window_bounds = array<i64: 128, 128>}, {pipeline_mode = #tpu.pipeline_mode<synchronous>, transform_indices = @transform_8, window_bounds = array<i64: 1, 128>}, {pipeline_mode = #tpu.pipeline_mode<synchronous>, transform_indices = @transform_9, window_bounds = array<i64: 1, 128>}, {transform_indices = @transform_10, window_bounds = array<i64: 1000, 128>}, {transform_indices = @transform_11, window_bounds = array<i64: 1000, 128>}]} {
    %get3A = arith.constant 0 : index
    %get3A_0 = arith.constant 0 : index
    %get3A_1 = vector.load %arg4[%get3A, %get3A_0] : memref<1000x1xf32, #tpu.memory_space<vmem>>, vector<1000x1xf32>
    %get3A_2 = arith.constant 0 : index
    %get3A_3 = arith.constant 0 : index
    %get3A_4 = arith.constant 0 : index
    %get3A_5 = vector.load %arg1[%get3A_2, %get3A_3, %get3A_4] : memref<2x1000x128xf32, #tpu.memory_space<vmem>>, vector<1x1000x128xf32>
    %get3A_6 = vector.shape_cast %get3A_5 : vector<1x1000x128xf32> to vector<1000x128xf32>
    %get3A_7 = arith.constant 0 : index
    %get3A_8 = arith.constant 0 : index
    %get3A_9 = arith.constant 0 : index
    %get3A_10 = vector.load %arg2[%get3A_7, %get3A_8, %get3A_9] : memref<2x1000x128xf32, #tpu.memory_space<vmem>>, vector<1x1000x128xf32>
    %get3A_11 = vector.shape_cast %get3A_10 : vector<1x1000x128xf32> to vector<1000x128xf32>
    %add3A = arith.addf %get3A_6, %get3A_11 : vector<1000x128xf32>
    %get3A_12 = arith.constant 0 : index
    %get3A_13 = arith.constant 0 : index
    %get3A_14 = arith.constant 0 : index
    %get3A_15 = vector.load %arg3[%get3A_12, %get3A_13, %get3A_14] : memref<2x1000x128xf32, #tpu.memory_space<vmem>>, vector<1x1000x128xf32>
    %get3A_16 = vector.shape_cast %get3A_15 : vector<1x1000x128xf32> to vector<1000x128xf32>
    %add3A_17 = arith.addf %add3A, %get3A_16 : vector<1000x128xf32>
    %mul3A = vector.broadcast %get3A_1 : vector<1000x1xf32> to vector<1000x128xf32>
    %mul3A_18 = arith.mulf %add3A_17, %mul3A : vector<1000x128xf32>
    %get3A_19 = arith.constant 1 : index
    %get3A_20 = arith.constant 0 : index
    %get3A_21 = arith.constant 0 : index
    %get3A_22 = vector.load %arg1[%get3A_19, %get3A_20, %get3A_21] : memref<2x1000x128xf32, #tpu.memory_space<vmem>>, vector<1x1000x128xf32>
    %get3A_23 = vector.shape_cast %get3A_22 : vector<1x1000x128xf32> to vector<1000x128xf32>
    %get3A_24 = arith.constant 1 : index
    %get3A_25 = arith.constant 0 : index
    %get3A_26 = arith.constant 0 : index
    %get3A_27 = vector.load %arg2[%get3A_24, %get3A_25, %get3A_26] : memref<2x1000x128xf32, #tpu.memory_space<vmem>>, vector<1x1000x128xf32>
    %get3A_28 = vector.shape_cast %get3A_27 : vector<1x1000x128xf32> to vector<1000x128xf32>
    %add3A_29 = arith.addf %get3A_23, %get3A_28 : vector<1000x128xf32>
    %get3A_30 = arith.constant 1 : index
    %get3A_31 = arith.constant 0 : index
    %get3A_32 = arith.constant 0 : index
    %get3A_33 = vector.load %arg3[%get3A_30, %get3A_31, %get3A_32] : memref<2x1000x128xf32, #tpu.memory_space<vmem>>, vector<1x1000x128xf32>
    %get3A_34 = vector.shape_cast %get3A_33 : vector<1x1000x128xf32> to vector<1000x128xf32>
    %add3A_35 = arith.addf %add3A_29, %get3A_34 : vector<1000x128xf32>
    %mul3A_36 = vector.broadcast %get3A_1 : vector<1000x1xf32> to vector<1000x128xf32>
    %mul3A_37 = arith.mulf %add3A_35, %mul3A_36 : vector<1000x128xf32>
    %get3A_38 = arith.constant 0 : index
    %get3A_39 = arith.constant 0 : index
    %get3A_40 = vector.load %arg5[%get3A_38, %get3A_39] : memref<128x128xf32, #tpu.memory_space<vmem>>, vector<128x128xf32>
    %dot_general3A = arith.constant dense<0.000000e+00> : vector<1000x128xf32>
    %dot_general3A_41 = tpu.matmul %mul3A_18, %get3A_40, %dot_general3A {dimension_numbers = #tpu.dot_dimension_numbers<[1], [0], [0], [1], [0, 0, 1, 1], [], []>, transpose_lhs_hint = false} : vector<1000x128xf32>, vector<128x128xf32>, vector<1000x128xf32> -> vector<1000x128xf32>
    %get3A_42 = arith.constant 0 : index
    %get3A_43 = arith.constant 0 : index
    %get3A_44 = vector.load %arg6[%get3A_42, %get3A_43] : memref<128x128xf32, #tpu.memory_space<vmem>>, vector<128x128xf32>
    %dot_general3A_45 = arith.constant dense<0.000000e+00> : vector<1000x128xf32>
    %dot_general3A_46 = tpu.matmul %mul3A_37, %get3A_44, %dot_general3A_45 {dimension_numbers = #tpu.dot_dimension_numbers<[1], [0], [0], [1], [0, 0, 1, 1], [], []>, transpose_lhs_hint = false} : vector<1000x128xf32>, vector<128x128xf32>, vector<1000x128xf32> -> vector<1000x128xf32>
    %add3A_47 = arith.addf %dot_general3A_41, %dot_general3A_46 : vector<1000x128xf32>
    %get3A_48 = arith.constant 0 : index
    %get3A_49 = arith.constant 0 : index
    %get3A_50 = vector.load %arg9[%get3A_48, %get3A_49] : memref<1x128xf32, #tpu.memory_space<vmem>>, vector<1x128xf32>
    %add3A_51 = vector.broadcast %get3A_50 : vector<1x128xf32> to vector<1000x128xf32>
    %add3A_52 = arith.addf %add3A_47, %add3A_51 : vector<1000x128xf32>
    %get3A_53 = arith.constant 0 : index
    %get3A_54 = arith.constant 0 : index
    %get3A_55 = vector.load %arg7[%get3A_53, %get3A_54] : memref<128x128xf32, #tpu.memory_space<vmem>>, vector<128x128xf32>
    %dot_general3A_56 = arith.constant dense<0.000000e+00> : vector<1000x128xf32>
    %dot_general3A_57 = tpu.matmul %mul3A_18, %get3A_55, %dot_general3A_56 {dimension_numbers = #tpu.dot_dimension_numbers<[1], [0], [0], [1], [0, 0, 1, 1], [], []>, transpose_lhs_hint = false} : vector<1000x128xf32>, vector<128x128xf32>, vector<1000x128xf32> -> vector<1000x128xf32>
    %get3A_58 = arith.constant 0 : index
    %get3A_59 = arith.constant 0 : index
    %get3A_60 = vector.load %arg8[%get3A_58, %get3A_59] : memref<128x128xf32, #tpu.memory_space<vmem>>, vector<128x128xf32>
    %dot_general3A_61 = arith.constant dense<0.000000e+00> : vector<1000x128xf32>
    %dot_general3A_62 = tpu.matmul %mul3A_37, %get3A_60, %dot_general3A_61 {dimension_numbers = #tpu.dot_dimension_numbers<[1], [0], [0], [1], [0, 0, 1, 1], [], []>, transpose_lhs_hint = false} : vector<1000x128xf32>, vector<128x128xf32>, vector<1000x128xf32> -> vector<1000x128xf32>
    %add3A_63 = arith.addf %dot_general3A_57, %dot_general3A_62 : vector<1000x128xf32>
    %get3A_64 = arith.constant 0 : index
    %get3A_65 = arith.constant 0 : index
    %get3A_66 = vector.load %arg10[%get3A_64, %get3A_65] : memref<1x128xf32, #tpu.memory_space<vmem>>, vector<1x128xf32>
    %add3A_67 = vector.broadcast %get3A_66 : vector<1x128xf32> to vector<1000x128xf32>
    %add3A_68 = arith.addf %add3A_63, %add3A_67 : vector<1000x128xf32>
    %swap3A = arith.constant 0 : index
    %swap3A_69 = arith.constant 0 : index
    %swap3A_70 = vector.load %arg11[%swap3A, %swap3A_69] : memref<1000x128xf32, #tpu.memory_space<vmem>>, vector<1000x128xf32>
    tpu.vector_store %arg11[%swap3A, %swap3A_69], %add3A_52 {strides = array<i32>} : memref<1000x128xf32, #tpu.memory_space<vmem>>, vector<1000x128xf32>,
    %min3A = arith.constant 1.000000e+01 : f32
    %min3A_71 = vector.broadcast %min3A : f32 to vector<1000x128xf32>
    %min3A_72 = arith.minimumf %add3A_68, %min3A_71 : vector<1000x128xf32>
    %swap3A_73 = arith.constant 0 : index
    %swap3A_74 = arith.constant 0 : index
    %swap3A_75 = vector.load %arg12[%swap3A_73, %swap3A_74] : memref<1000x128xf32, #tpu.memory_space<vmem>>, vector<1000x128xf32>
    tpu.vector_store %arg12[%swap3A_73, %swap3A_74], %min3A_72 {strides = array<i32>} : memref<1000x128xf32, #tpu.memory_space<vmem>>, vector<1000x128xf32>,
    return
  }
  func.func @transform_0(%arg0: i32) -> (i32, i32, i32) {
    %c0_i32 = arith.constant 0 : i32
    %c0_i32_0 = arith.constant 0 : i32
    %c0_i32_1 = arith.constant 0 : i32
    return %c0_i32, %arg0, %c0_i32_0 : i32, i32, i32
  }
  func.func @transform_1(%arg0: i32) -> (i32, i32, i32) {
    %c0_i32 = arith.constant 0 : i32
    %c0_i32_0 = arith.constant 0 : i32
    %c0_i32_1 = arith.constant 0 : i32
    return %c0_i32, %arg0, %c0_i32_0 : i32, i32, i32
  }
  func.func @transform_2(%arg0: i32) -> (i32, i32, i32) {
    %c0_i32 = arith.constant 0 : i32
    %c0_i32_0 = arith.constant 0 : i32
    %c0_i32_1 = arith.constant 0 : i32
    return %c0_i32, %arg0, %c0_i32_0 : i32, i32, i32
  }
  func.func @transform_3(%arg0: i32) -> (i32, i32) {
    %c0_i32 = arith.constant 0 : i32
    %c0_i32_0 = arith.constant 0 : i32
    return %arg0, %c0_i32 : i32, i32
  }
  func.func @transform_4(%arg0: i32) -> (i32, i32) {
    %c0_i32 = arith.constant 0 : i32
    %c0_i32_0 = arith.constant 0 : i32
    %c0_i32_1 = arith.constant 0 : i32
    return %c0_i32, %c0_i32_0 : i32, i32
  }
  func.func @transform_5(%arg0: i32) -> (i32, i32) {
    %c0_i32 = arith.constant 0 : i32
    %c0_i32_0 = arith.constant 0 : i32
    %c0_i32_1 = arith.constant 0 : i32
    return %c0_i32, %c0_i32_0 : i32, i32
  }
  func.func @transform_6(%arg0: i32) -> (i32, i32) {
    %c0_i32 = arith.constant 0 : i32
    %c0_i32_0 = arith.constant 0 : i32
    %c0_i32_1 = arith.constant 0 : i32
    return %c0_i32, %c0_i32_0 : i32, i32
  }
  func.func @transform_7(%arg0: i32) -> (i32, i32) {
    %c0_i32 = arith.constant 0 : i32
    %c0_i32_0 = arith.constant 0 : i32
    %c0_i32_1 = arith.constant 0 : i32
    return %c0_i32, %c0_i32_0 : i32, i32
  }
  func.func @transform_8(%arg0: i32) -> (i32, i32) {
    %c0_i32 = arith.constant 0 : i32
    %c0_i32_0 = arith.constant 0 : i32
    %c0_i32_1 = arith.constant 0 : i32
    return %c0_i32, %c0_i32_0 : i32, i32
  }
  func.func @transform_9(%arg0: i32) -> (i32, i32) {
    %c0_i32 = arith.constant 0 : i32
    %c0_i32_0 = arith.constant 0 : i32
    %c0_i32_1 = arith.constant 0 : i32
    return %c0_i32, %c0_i32_0 : i32, i32
  }
  func.func @transform_10(%arg0: i32) -> (i32, i32) {
    %c0_i32 = arith.constant 0 : i32
    %c0_i32_0 = arith.constant 0 : i32
    return %arg0, %c0_i32 : i32, i32
  }
  func.func @transform_11(%arg0: i32) -> (i32, i32) {
    %c0_i32 = arith.constant 0 : i32
    %c0_i32_0 = arith.constant 0 : i32
    return %arg0, %c0_i32 : i32, i32
  }
}

</mosaic_0001>

<sc_bundles>
// kernel: kernel.12.cloned.1.call-start
scs
__scs_entry_jumppad:
0x0: {  	(pc) =	sbr.rel $0x88, $3  }
0x1: {  	(tag) =	ssettag $0x0;
	lr =	simm.s32 $0x1  }
0x2: {  	[smem:$0x3F99] =	sst lr;
	_ =	strace $0xD0000000  }
0x3: {  	_ = 	snop  }
0x4: {  	_ = 	snop  }
0x5: {  	_ = 	snop  }
0x6: {  	_ = 	snop  }
0x7: {  	_ = 	snop  }
__scs_overlays_trampoline_lowered:
0x8: {  	[smem:$0x3FA8] =	sst s0  }
0x9: {  	[smem:$0x3FA9] =	sst s1  }
0xa: {  	[smem:$0x3FAA] =	sst s2  }
0xb: {  	[smem:$0x3FAB] =	sst s3  }
0xc: {  	[smem:$0x3FAC] =	sst s4  }
0xd: {  	[smem:$0x3FAD] =	sst s5  }
0xe: {  	[smem:$0x3FAE] =	sst s6  }
0xf: {  	[smem:$0x3FAF] =	sst s7  }
0x10: {  	[smem:$0x3FB0] =	sst s8  }
0x11: {  	[smem:$0x3FB1] =	sst s9;
	s0 =	simm.s32 @!p0 $0x0  }
0x12: {  	s1 =	sld [smem:$0x3F97];
	s0 =	simm.s32 @p0 $0x1  }
0x13: {  	[smem:$0x3FB2] =	sst s0;
	s0 =	simm.s32 @!p1 $0x0  }
0x14: {  	s2 =	sld [smem:$0x3F96];
	s0 =	simm.s32 @p1 $0x1  }
0x15: {  	[smem:$0x3FB3] =	sst s0;
	s0 =	simm.s32 @!p2 $0x0  }
0x16: {  	s3 =	sld [smem:$0x3FDB];
	s0 =	simm.s32 @p2 $0x1  }
0x17: {  	s4 =	simm.s32 $0x1BF5;
	[smem:$0x3FB5] =	sst s0  }
0x18: {  	s0 =	sld [smem:$0x3F98];
	_ =	swait.ge [sflag:s4], $0x0  }
0x19: {  	s7 =	sld [smem:$0x3F99]  }
0x1a: {  	s8 =	sadd.s32 $0xFFFFE003, lr  }
0x1b: {  	s9 =	sadd.s32 $0xFFFFFEF7, lr;
	s5 =	simm.s32 $0xFFFFFFFF;
	p2 =	slt.u32 s8, $0xFFFFF086  }
0x1c: {  	p1 =	slt.u32 s9, $0xF7A;
	s5 =	simm.s32 @!p2 $0x0  }
0x1d: {  	s5 =	simm.s32 @p1 $0x1;
	p0 =	seq.s32 s7, s2  }
0x1e: {  	s7 =	smul.u32 @!p0 $0xF7A, s2;
	p2 =	seq.s32 @!p0 s5, $0x0  }
0x1f: {  	s9 =	smul.u32 $0xF7A, s1;
	s8 =	simm.s32 @!p0 $0x1BF5;
	p2 =	por !p2, p0  }
0x20: {  	[sflag:s8] =	ssyncset.s32 @!p0 $0xFFFFF086;
	s6 =	sadd.s32 @!p0 s3, s7;
	s7 =	simm.s32 @!p0 $0x108  }
0x21: {  	s3 =	sadd.s32 s3, s9;
	s6 =	sadd.s32 @!p0 $0x88, s6;
	s7 =	simm.s32 @p2 $0x1082  }
0x22: {  	[simem:s7], [sflag:s8] =	dma.local @!p0 [hbm:s6], $0xF7A  }
0x23: {  	s9 =	sor.u32 $0xD0000000, s2;
	s6 =	simm.s32 $0x108;
	_ =	swait.ge @!p0 [sflag:s8], $0x0  }
0x24: {  	s3 =	sadd.s32 $0x88, s3;
	s6 =	simm.s32 @!p1 $0x1082;
	[sflag:s4] =	ssyncset.s32 $0xFFFFF086  }
0x25: {  	[simem:s6], [sflag:s4] =	dma.local [hbm:s3], $0xF7A  }
0x26: {  	[smem:$0x3F99] =	sst s1;
	(tag) =	ssettag s2;
	_ =	strace s9  }
0x27: {  	s1 =	sld [smem:$0x3FA9]  }
0x28: {  	s2 =	sld [smem:$0x3FAA]  }
0x29: {  	s4 =	sld [smem:$0x3FAC]  }
0x2a: {  	p0 =	seq.s32 s5, $0x0;
	s5 =	sld [smem:$0x3FAD]  }
0x2b: {  	s6 =	sld [smem:$0x3FAE]  }
0x2c: {  	s7 =	sld [smem:$0x3FAF]  }
0x2d: {  	s3 =	simm.s32 $0x108;
	s8 =	sld [smem:$0x3FB0]  }
0x2e: {  	s3 =	simm.s32 @!p0 $0x1082;
	s9 =	sld [smem:$0x3FB1]  }
0x2f: {  	lr =	sadd.s32 s0, s3;
	s0 =	sld [smem:$0x3FA8]  }
0x30: {  	s3 =	sld [smem:$0x3FAB]  }
0x31: {  	[smem:$0x3FB4] =	sst s10  }
0x32: {  	s10 =	sld [smem:$0x3FB2];
	_ =	sdelay $0x3  }
0x33: {  	p0 =	seq.s32 s10, $0x1;
	s10 =	sld [smem:$0x3FB4];
	_ =	sdelay $0x3  }
0x34: {  	[smem:$0x3FB4] =	sst s10  }
0x35: {  	s10 =	sld [smem:$0x3FB3];
	_ =	sdelay $0x3  }
0x36: {  	p1 =	seq.s32 s10, $0x1;
	s10 =	sld [smem:$0x3FB4];
	_ =	sdelay $0x3  }
0x37: {  	[smem:$0x3FB4] =	sst s10  }
0x38: {  	s10 =	sld [smem:$0x3FB5]  }
0x39: {  	_ = 	snop;
	(pc) =	sbr.ind lr, $3  }
0x3a: {  	_ = 	snop  }
0x3b: {  	_ = 	snop  }
0x3c: {  	p2 =	seq.s32 s10, $0x1;
	s10 =	sld [smem:$0x3FB4]  }
0x3d: {  	_ =	shalt  }
0x3e: {  	_ =	shalt  }
0x3f: {  	_ =	shalt  }
0x40: {  	_ =	shalt  }
0x41: {  	_ =	shalt  }
0x42: {  	_ =	shalt  }
0x43: {  	_ =	shalt  }
0x44: {  	_ =	shalt  }
0x45: {  	_ =	shalt  }
0x46: {  	_ =	shalt  }
0x47: {  	_ =	shalt  }
0x48: {  	_ =	shalt  }
0x49: {  	_ =	shalt  }
0x4a: {  	_ =	shalt  }
0x4b: {  	_ =	shalt  }
0x4c: {  	_ =	shalt  }
0x4d: {  	_ =	shalt  }
0x4e: {  	_ =	shalt  }
0x4f: {  	_ =	shalt  }
0x50: {  	_ =	shalt  }
0x51: {  	_ =	shalt  }
0x52: {  	_ =	shalt  }
0x53: {  	_ =	shalt  }
0x54: {  	_ =	shalt  }
0x55: {  	_ =	shalt  }
0x56: {  	_ =	shalt  }
0x57: {  	_ =	shalt  }
0x58: {  	_ =	shalt  }
0x59: {  	_ =	shalt  }
0x5a: {  	_ =	shalt  }
0x5b: {  	_ =	shalt  }
0x5c: {  	_ =	shalt  }
0x5d: {  	_ =	shalt  }
0x5e: {  	_ =	shalt  }
0x5f: {  	_ =	shalt  }
0x60: {  	_ =	shalt  }
0x61: {  	_ =	shalt  }
0x62: {  	_ =	shalt  }
0x63: {  	_ =	shalt  }
0x64: {  	_ =	shalt  }
0x65: {  	_ =	shalt  }
0x66: {  	_ =	shalt  }
0x67: {  	_ =	shalt  }
0x68: {  	_ =	shalt  }
0x69: {  	_ =	shalt  }
0x6a: {  	_ =	shalt  }
0x6b: {  	_ =	shalt  }
0x6c: {  	_ =	shalt  }
0x6d: {  	_ =	shalt  }
0x6e: {  	_ =	shalt  }
0x6f: {  	_ =	shalt  }
0x70: {  	_ =	shalt  }
0x71: {  	_ =	shalt  }
0x72: {  	_ =	shalt  }
0x73: {  	_ =	shalt  }
0x74: {  	_ =	shalt  }
0x75: {  	_ =	shalt  }
0x76: {  	_ =	shalt  }
0x77: {  	_ =	shalt  }
0x78: {  	_ =	shalt  }
0x79: {  	_ =	shalt  }
0x7a: {  	_ =	shalt  }
0x7b: {  	_ =	shalt  }
0x7c: {  	_ =	shalt  }
0x7d: {  	_ =	shalt  }
0x7e: {  	_ =	shalt  }
0x7f: {  	_ =	shalt  }
0x80: {  	_ =	shalt  }
0x81: {  	_ =	shalt  }
0x82: {  	_ =	shalt  }
0x83: {  	_ =	shalt  }
0x84: {  	_ =	shalt  }
0x85: {  	_ =	shalt  }
0x86: {  	_ =	shalt  }
0x87: {  	_ =	shalt  }
.Lfunc_end0:
.L_simem_size_0:
called_computation.1_lowered:
.L_overlay_start_0:
0x88: {  	s2 =	sld [smem:$0x3FD9]  }
0x89: {  	s3 =	sld [smem:$0x3FFE];
	_ =	sdelay $0x1  }
0x8a: {  	s1 =	srdreg.scid  }
0x8b: {  	s0 =	sand.u32 $0x1, s1  }
0x8c: {  	s14 =	sshll.u32 s0, $0xA;
	s2 =	sadd.s32 s3, s2  }
0x8d: {  	s2 =	sadd.s32 s2, s14  }
0x8e: {  	[smem:$0x3FC0] =	sst s2  }
0x8f: {  	_ = 	snop  }
0x90: {  	s2 =	sld [smem:$0x3FD0];
	_ =	sdelay $0x2  }
0x91: {  	s15 =	simm.s32 $0xB;
	s4 =	simm.s32 $0x10  }
0x92: {  	[smem:s4], [sflag:s15] =	dma.local [hbm:s2], $0x1  }
0x93: {  	_ =	swait.eq [sflag:s15], $0x1  }
0x94: {  	[sflag:s15] =	ssyncset.done $0x0  }
0x95: {  	[sflag:s15] =	ssyncadd.s32 $0xFFFFFFFF  }
0x96: {  	s16 =	sld [smem:$0x10];
	(tm) =	ssettm $0x1  }
0x97: {  	s17 =	sld [smem:$0x3FFB];
	_ =	sdelay $0x3  }
0x98: {  	_ =	strace s17  }
0x99: {  	s3 =	sld [smem:$0x3FFC];
	_ =	sdelay $0x3  }
0x9a: {  	_ =	strace s3  }
0x9b: {  	s3 =	sld [smem:$0x3FFD];
	_ =	sdelay $0x3  }
0x9c: {  	_ =	strace s3  }
0x9d: {  	_ =	strace $0x8FFFFFFF  }
0x9e: {  	s18 =	sld [smem:$0x3FDB];
	_ =	sdelay $0x1  }
0x9f: {  	s19 =	simm.s32 $_scs_section_size  }
0xa0: {  	s5 =	simm.s32 $_size__tile_overlayer_lowered;
	s6 =	simm.s32 $_tile_overlayer_lowered  }
0xa1: {  	s22 =	simm.s32 $0x1BFF;
	s21 =	sshll.u32 s6, $0x1;
	s3 =	sadd.s32 s19, s18  }
0xa2: {  	s7 =	simm.s32 $0x0;
	s20 =	sshll.u32 s5, $0x1;
	s5 =	sadd.s32 s21, s3  }
0xa3: {  	[timem:s7], [sflag:s22] =	dma.local [hbm:s5], s20  }
0xa4: {  	_ =	swait.ge [sflag:s22], s20  }
0xa5: {  	s4 =	ssub.s32 $0x0, s20;
	[sflag:s22] =	ssyncset.done $0x0  }
0xa6: {  	[sflag:s22] =	ssyncadd.s32 s4;
	_ =	sdelay $0x1  }
0xa7: {  	s23 =	simm.s32 $0x1B8B  }
0xa8: {  	_ =	swait.ge [sflag:s23], $0x1  }
0xa9: {  	[sflag:s23] =	ssyncset.done $0x0  }
0xaa: {  	s25 =	simm.s32 $0x1B8E;
	s24 =	sld [smem:$0x3FFE];
	[sflag:s23] =	ssyncadd.s32 $0xFFFFFFFF  }
0xab: {  	s26 =	simm.s32 $execute0_lowered;
	[smem:$0x3FD2] =	sst s25  }
0xac: {  	s5 =	sshll.u32 s26, $0x1;
	_ =	strace $0x80000049;
	[dreg:$0x1] =	wrdreg $0xFFFFFFFF  }
0xad: {  	s28 =	simm.s32 $_size_execute0_lowered;
	s3 =	sadd.s32 s3, s5;
	[dreg:$0x0] =	wrdreg $0x0  }
0xae: {  	s5 =	sshll.u32 s28, $0x1;
	[dreg:$0x2] =	wrdreg s3  }
0xaf: {  	[dreg:$0x3] =	wrdreg s5  }
0xb0: {  	[dreg:$0x4] =	wrdreg $0xC0  }
0xb1: {  	_ =	task [dreg:s7], $0x5FFFF  }
0xb2: {  	[dreg:$0x1] =	wrdreg $0xFFFFFFFF  }
0xb3: {  	[dreg:$0x0] =	wrdreg $0x60  }
0xb4: {  	[dreg:$0x2] =	wrdreg s24  }
0xb5: {  	[dreg:$0x3] =	wrdreg s16  }
0xb6: {  	[dreg:$0x4] =	wrdreg $0x90000  }
0xb7: {  	[dreg:$0x5] =	wrdreg $0x9  }
0xb8: {  	_ =	task.clear_ibuf [dreg:s7], $0x6FFFF;
	_ =	strace $0x90000049  }
0xb9: {  	s29 =	simm.s32 $0x9;
	_ =	strace $0x8000004B  }
0xba: {  	_ =	swait.ge [sflag:s29], $0x1  }
0xbb: {  	[sflag:s29] =	ssyncadd.s32 $0xFFFFFFFF  }
0xbc: {  	_ =	strace $0x9000004B  }
0xbd: {  	_ =	sfence  }
0xbe: {  	s30 =	sld [smem:$0x0];
	_ =	sdelay $0x2  }
0xbf: {  	s31 =	sshll.u32 s1, $0xD;
	s1 =	sshrl.u32 s1, $0x2  }
0xc0: {  	s3 =	sand.u32 $0x4000, s31;
	s1 =	sadd.s32 s1, s30  }
0xc1: {  	s0 =	sor.u32 s3, s0;
	s1 =	sshll.u32 s1, $0x11  }
0xc2: {  	s0 =	sor.u32 s1, s0  }
0xc3: {  	s0 =	sadd.s32 $0x8F2B, s0  }
0xc4: {  	[sflag:s0] =	ssyncadd.remote.s32 $0x1  }
0xc5: {  	_ =	sfence.sel $0xFFFF  }
0xc6: {  	[dreg:$0x0] =	wrdreg $0xFFFFFFFF;
	(pc) =	sbr.abs _section_cstart, $3  }
0xc7: {  	[dreg:$0x1] =	wrdreg $0xFFFFFFFF  }
0xc8: {  	_ =	task.clear_ibuf [dreg:s7], $0x2FFFF;
	_ =	strace $0x9FFFFFFF  }
0xc9: {  	(tm) =	ssettm $0x7FFFFFFF  }
tec
execute0_lowered:
.L_overlay_start_1:
0x0: {  	(tag) =	ssettag $0x1  }
0x1: {  	s5 =	rddreg [dreg:$0x0]  }
0x2: {  	s10 =	rddreg [dreg:$0x1]  }
0x3: {  	s2 =	rddreg [dreg:$0x2]  }
0x4: {  	s0 =	rddreg [dreg:$0x3];
	s1 =	stileid.u32  }
0x5: {  	s4 =	srdreg.scid;
	s3 =	simm.s32 $0x0;
	s16 =	simm.s32 $0x4000  }
0x6: {  	s17 =	simm.s32 $0x1;
	s18 =	simm.s32 $0x3F80;
	s19 =	simm.s32 $0x6800  }
0x7: {  	s20 =	simm.s32 $0x3E00;
	s21 =	simm.s32 $0x0;
	s6 =	smul.u32 $0x13C00, s1  }
0x8: {  	s7 =	sand.u32 $0x1, s4;
	[smem:$0x7FF] =	sst s3;
	s4 =	sadd.s32 $0x2A200, s5  }
0x9: {  	s9 =	sadd.s32 $0xC7400, s5;
	s13 =	smul.u32 $0x4F000, s1;
	s29 =	sshll.u32 s1, $0xB  }
0xa: {  	s30 =	sshll.u32 s1, $0x6;
	s8 =	smul.u32 $0x13C000, s7;
	_ =	strace $0x8000004A  }
0xb: {  	s25 =	ssub.s32 $0x2, s7;
	s28 =	sshll.u32 s7, $0xF;
	s11 =	sshrl.u32 s6, $0x3  }
0xc: {  	s12 =	sshrl.u32 s25, $0x1;
	s26 =	sshrl.u32 s13, $0x2;
	s15 =	sor.u32 s29, s28  }
0xd: {  	s6 =	sadd.s32 s6, s8;
	s11 =	sadd.s32 s11, s5;
	s12 =	ssub.s32 s25, s12  }
0xe: {  	s13 =	sadd.s32 s26, s2;
	s31 =	sor.u32 $0x400, s15;
	s7 =	sadd.s32 s9, s15  }
0xf: {  	s8 =	sadd.s32 s10, s15;
	s15 =	simm.s32 $0x50;
	s6 =	sshrl.u32 s6, $0x3  }
0x10: {  	s9 =	sadd.s32 s9, s31;
	s10 =	sadd.s32 s10, s31;
	s12 =	smax.u32 s12, $0x1  }
0x11: {  	s13 =	sshrl.u32 s13, $0x3;
	s14 =	sadd.s32 s6, s5;
	s5 =	sadd.s32 $0x2A00, s11  }
0x12: {  	s6 =	sor.u32 $0x1C02, s30;
	s11 =	sadd.s32 $0x78400, s14;
	s14 =	simm.s32 $0x2  }
.LBB2_1:
0x13: {  	[spmem:s13], [sflag:s6] =	dma.local [hbm:s5], $0x2780  }
0x14: {  	_ =	swait.ge [sflag:s14], $0x2780  }
0x15: {  	[sflag:s14] =	ssyncset.done $0x0  }
0x16: {  	[sflag:s14] =	ssyncadd.s32 $0xFFFFD880  }
0x17: {  	[bflag:$0x0] =	sbarrier.arrive $0xFFFF  }
0x18: {  	[tilespmem:s3], [sflag:$0x2] =	stream.linear.gather [hbm4b:s7+s3], $0x2000, $0x38;
	[tilespmem:$0x1CC00] =	vst v63  }
0x19: {  	_ =	swait.ge [sflag:s14], $0x2000  }
0x1a: {  	[sflag:s14] =	ssyncset.done $0x0  }
0x1b: {  	s22 =	simm.s32 $0x2000;
	[sflag:s14] =	ssyncadd.s32 $0xFFFFE000  }
0x1c: {  	[tilespmem:s22], [sflag:$0x2] =	stream.linear.gather [hbm4b:s8+s3], $0x2000, $0x38;
	[tilespmem:$0x1CC00] =	vst v63  }
0x1d: {  	s23 =	sand.u32 $0x1, s3;
	_ =	swait.ge [sflag:s14], $0x2000  }
0x1e: {  	s24 =	sxor.u32 $0x1, s23;
	[sflag:s14] =	ssyncset.done $0x0  }
0x1f: {  	s24 =	smul.u32 $0xA000, s24;
	[sflag:s14] =	ssyncadd.s32 $0xFFFFE000  }
0x20: {  	[tilespmem:s16], [sflag:$0x1] =	stream.indirect.gather [hbm4b:s4+s15], $0x80, s3, s15, $0xb8;
	[tilespmem:$0x1CC00] =	vst v63  }
0x21: {  	s25 =	simm.s32 $0x80;
	s23 =	smul.u32 $0xA000, s23;
	_ =	swait.ge [sflag:s17], $0x2800  }
0x22: {  	s31 =	simm.s32 $0x1;
	s24 =	sshrl.u32 s24, $0x2;
	[sflag:s17] =	ssyncset.done $0x0  }
0x23: {  	s23 =	sshrl.u32 s23, $0x2;
	s24 =	sor.u32 $0x4000, s24;
	[sflag:s17] =	ssyncadd.s32 $0xFFFFD800  }
0x24: {  	[tilespmem:s24], [sflag:$0x1] =	stream.indirect.gather [hbm4b:s4+s15], $0x80, s25, s15, $0xb8;
	[tilespmem:$0x1CC00] =	vst v63  }
0x25: {  	s23 =	sor.u32 $0x4000, s23;
	s25 =	simm.s32 $0x2;
	s24 =	sand.u32 $0x1, s31  }
0x26: {  	[spmem:s2] =	stream.indirect.scatter.add.f32 [tilespmem:s23], [sflag:$0x2], $0x80, s22, s15, $0xb8;
	[tilespmem:$0x1CC00] =	vst v63  }
0x27: {  	s22 =	simm.s32 $0x100;
	s23 =	simm.s32 $0x2080;
	_ =	swait.ge [sflag:s14], $0x2800  }
.LBB2_2:
0x28: {  	s26 =	sxor.u32 $0x1, s24  }
0x29: {  	[sflag:s14] =	ssyncset.done $0x0;
	s28 =	smov.u32 s25;
	s29 =	sadd.s32 $0x1, s25  }
0x2a: {  	p0 =	sne.s32 s25, $0x3E;
	s25 =	smul.u32 $0xA000, s26;
	[sflag:s14] =	ssyncadd.s32 $0xFFFFD800  }
0x2b: {  	_ =	swait.ge [sflag:s17], $0x2800  }
0x2c: {  	s24 =	smul.u32 $0xA000, s24;
	[sflag:s17] =	ssyncset.done $0x0;
	s25 =	sshrl.u32 s25, $0x2  }
0x2d: {  	[sflag:s17] =	ssyncadd.s32 $0xFFFFD800;
	s25 =	sor.u32 $0x4000, s25  }
0x2e: {  	[tilespmem:s25], [sflag:$0x1] =	stream.indirect.gather [hbm4b:s4+s15], $0x80, s22, s15, $0xb8;
	[tilespmem:$0x1CC00] =	vst v63  }
.Ltmp0:
0x2f: {  	_ = 	snop;
	(pc) =	sbr.rel @p0 .LBB2_2-.Ltmp0, $4  }
0x30: {  	s24 =	sshrl.u32 s24, $0x2  }
0x31: {  	s24 =	sor.u32 $0x4000, s24;
	s22 =	sadd.s32 $0x80, s22;
	s25 =	smov.u32 s29  }
0x32: {  	[spmem:s2] =	stream.indirect.scatter.add.f32 [tilespmem:s24], [sflag:$0x2], $0x80, s23, s15, $0xb8;
	[tilespmem:$0x1CC00] =	vst v63  }
0x33: {  	s24 =	sand.u32 $0x1, s28;
	s23 =	sadd.s32 $0x80, s23;
	_ =	swait.ge [sflag:s14], $0x2800  }
0x34: {  	s25 =	sxor.u32 $0x1, s24;
	[sflag:s14] =	ssyncset.done $0x0  }
0x35: {  	s25 =	smul.u32 $0xA000, s25;
	[sflag:s14] =	ssyncadd.s32 $0xFFFFD800  }
0x36: {  	_ =	swait.ge [sflag:s17], $0x2800  }
0x37: {  	[sflag:s17] =	ssyncset.done $0x0;
	s25 =	sshrl.u32 s25, $0x2  }
0x38: {  	s31 =	smul.u32 $0xA000, s24;
	[sflag:s17] =	ssyncadd.s32 $0xFFFFD800;
	s25 =	sor.u32 $0x4000, s25  }
0x39: {  	[tilespmem:s25], [sflag:$0x1] =	stream.indirect.gather [hbm4b:s4+s15], $0x80, s22, s15, $0xb8;
	[tilespmem:$0x1CC00] =	vst v63  }
0x3a: {  	s25 =	sshrl.u32 s31, $0x2  }
0x3b: {  	s22 =	sor.u32 $0x4000, s25  }
0x3c: {  	[spmem:s2] =	stream.indirect.scatter.add.f32 [tilespmem:s22], [sflag:$0x2], $0x80, s23, s15, $0xb8;
	[tilespmem:$0x1CC00] =	vst v63  }
0x3d: {  	_ =	swait.ge [sflag:s14], $0x2800  }
0x3e: {  	[sflag:s14] =	ssyncset.done $0x0  }
0x3f: {  	[sflag:s14] =	ssyncadd.s32 $0xFFFFD800  }
0x40: {  	_ =	swait.ge [sflag:s17], $0x2800  }
0x41: {  	[sflag:s17] =	ssyncset.done $0x0  }
0x42: {  	[sflag:s17] =	ssyncadd.s32 $0xFFFFD800  }
0x43: {  	[spmem:s2] =	stream.indirect.scatter.add.f32 [tilespmem:s19], [sflag:$0x2], $0x80, s18, s15, $0xb8;
	[tilespmem:$0x1CC00] =	vst v63  }
0x44: {  	_ =	swait.ge [sflag:s14], $0x2800  }
0x45: {  	[sflag:s14] =	ssyncset.done $0x0  }
0x46: {  	s26 =	simm.s32 $0x0;
	[sflag:s14] =	ssyncadd.s32 $0xFFFFD800  }
0x47: {  	[tilespmem:s26], [sflag:$0x2] =	stream.linear.gather [hbm4b:s9+s26], $0x1E80, $0x38;
	[tilespmem:$0x1CC00] =	vst v63  }
0x48: {  	_ =	swait.ge [sflag:s14], $0x1E80  }
0x49: {  	[sflag:s14] =	ssyncset.done $0x0  }
0x4a: {  	s28 =	simm.s32 $0x2000;
	[sflag:s14] =	ssyncadd.s32 $0xFFFFE180  }
0x4b: {  	[tilespmem:s28], [sflag:$0x2] =	stream.linear.gather [hbm4b:s10+s26], $0x1E80, $0x38;
	[tilespmem:$0x1CC00] =	vst v63  }
0x4c: {  	s22 =	sand.u32 $0x1, s26;
	_ =	swait.ge [sflag:s14], $0x1E80  }
0x4d: {  	s29 =	sxor.u32 $0x1, s22;
	[sflag:s14] =	ssyncset.done $0x0  }
0x4e: {  	s24 =	smul.u32 $0xA000, s29;
	[sflag:s14] =	ssyncadd.s32 $0xFFFFE180  }
0x4f: {  	[tilespmem:s16], [sflag:$0x1] =	stream.indirect.gather [hbm4b:s4+s15], $0x80, s26, s15, $0xb8;
	[tilespmem:$0x1CC00] =	vst v63  }
0x50: {  	s30 =	simm.s32 $0x80;
	s22 =	smul.u32 $0xA000, s22;
	_ =	swait.ge [sflag:s17], $0x2800  }
0x51: {  	s31 =	simm.s32 $0x1;
	s24 =	sshrl.u32 s24, $0x2;
	[sflag:s17] =	ssyncset.done $0x0  }
0x52: {  	s22 =	sshrl.u32 s22, $0x2;
	s24 =	sor.u32 $0x4000, s24;
	[sflag:s17] =	ssyncadd.s32 $0xFFFFD800  }
0x53: {  	[tilespmem:s24], [sflag:$0x1] =	stream.indirect.gather [hbm4b:s4+s15], $0x80, s30, s15, $0xb8;
	[tilespmem:$0x1CC00] =	vst v63  }
0x54: {  	s25 =	simm.s32 $0x2;
	s23 =	simm.s32 $0x2080;
	s22 =	sor.u32 $0x4000, s22  }
0x55: {  	[spmem:s2] =	stream.indirect.scatter.add.f32 [tilespmem:s22], [sflag:$0x2], $0x80, s28, s15, $0xb8;
	[tilespmem:$0x1CC00] =	vst v63  }
0x56: {  	s24 =	sand.u32 $0x1, s31;
	s22 =	simm.s32 $0x100;
	_ =	swait.ge [sflag:s14], $0x2800  }
.LBB2_4:
0x57: {  	s26 =	sxor.u32 $0x1, s24  }
0x58: {  	[sflag:s14] =	ssyncset.done $0x0;
	s28 =	smov.u32 s25;
	s29 =	sadd.s32 $0x1, s25  }
0x59: {  	p0 =	sne.s32 s25, $0x3B;
	s25 =	smul.u32 $0xA000, s26;
	[sflag:s14] =	ssyncadd.s32 $0xFFFFD800  }
0x5a: {  	_ =	swait.ge [sflag:s17], $0x2800  }
0x5b: {  	s24 =	smul.u32 $0xA000, s24;
	[sflag:s17] =	ssyncset.done $0x0;
	s25 =	sshrl.u32 s25, $0x2  }
0x5c: {  	[sflag:s17] =	ssyncadd.s32 $0xFFFFD800;
	s25 =	sor.u32 $0x4000, s25  }
0x5d: {  	[tilespmem:s25], [sflag:$0x1] =	stream.indirect.gather [hbm4b:s4+s15], $0x80, s22, s15, $0xb8;
	[tilespmem:$0x1CC00] =	vst v63  }
.Ltmp1:
0x5e: {  	_ = 	snop;
	(pc) =	sbr.rel @p0 .LBB2_4-.Ltmp1, $4  }
0x5f: {  	s24 =	sshrl.u32 s24, $0x2  }
0x60: {  	s24 =	sor.u32 $0x4000, s24;
	s22 =	sadd.s32 $0x80, s22;
	s25 =	smov.u32 s29  }
0x61: {  	[spmem:s2] =	stream.indirect.scatter.add.f32 [tilespmem:s24], [sflag:$0x2], $0x80, s23, s15, $0xb8;
	[tilespmem:$0x1CC00] =	vst v63  }
0x62: {  	s24 =	sand.u32 $0x1, s28;
	s23 =	sadd.s32 $0x80, s23;
	_ =	swait.ge [sflag:s14], $0x2800  }
0x63: {  	s25 =	sxor.u32 $0x1, s24;
	[sflag:s14] =	ssyncset.done $0x0  }
0x64: {  	s25 =	smul.u32 $0xA000, s25;
	[sflag:s14] =	ssyncadd.s32 $0xFFFFD800  }
0x65: {  	s30 =	smul.u32 $0xA000, s24;
	_ =	swait.ge [sflag:s17], $0x2800  }
0x66: {  	[sflag:s17] =	ssyncset.done $0x0;
	s25 =	sshrl.u32 s25, $0x2  }
0x67: {  	s31 =	sshrl.u32 s30, $0x2;
	[sflag:s17] =	ssyncadd.s32 $0xFFFFD800;
	s25 =	sor.u32 $0x4000, s25  }
0x68: {  	[tilespmem:s25], [sflag:$0x1] =	stream.indirect.gather [hbm4b:s4+s15], $0x80, s22, s15, $0xb8;
	[tilespmem:$0x1CC00] =	vst v63  }
0x69: {  	s22 =	sor.u32 $0x4000, s31  }
0x6a: {  	[spmem:s2] =	stream.indirect.scatter.add.f32 [tilespmem:s22], [sflag:$0x2], $0x80, s23, s15, $0xb8;
	[tilespmem:$0x1CC00] =	vst v63  }
0x6b: {  	_ =	swait.ge [sflag:s14], $0x2800  }
0x6c: {  	[sflag:s14] =	ssyncset.done $0x0  }
0x6d: {  	[sflag:s14] =	ssyncadd.s32 $0xFFFFD800  }
0x6e: {  	_ =	swait.ge [sflag:s17], $0x2800  }
0x6f: {  	[sflag:s17] =	ssyncset.done $0x0  }
0x70: {  	[sflag:s17] =	ssyncadd.s32 $0xFFFFD800  }
0x71: {  	[spmem:s2] =	stream.indirect.scatter.add.f32 [tilespmem:s16], [sflag:$0x2], $0x80, s20, s15, $0xb8;
	[tilespmem:$0x1CC00] =	vst v63  }
0x72: {  	_ =	swait.ge [sflag:s14], $0x2800  }
0x73: {  	s21 =	sadd.s32 $0x1, s21;
	[sflag:s14] =	ssyncset.done $0x0  }
0x74: {  	p0 =	sne.s32 s21, s12;
	[sflag:s14] =	ssyncadd.s32 $0xFFFFD800  }
.Ltmp2:
0x75: {  	[bflag:$0x0] =	sbarrier.arrive $0xFFFF;
	(pc) =	sbr.rel @p0 .LBB2_1-.Ltmp2, $4  }
0x76: {  	[hbm:s11], [sflag:s6] =	dma.local [spmem:s13], $0x2780  }
0x77: {  	_ =	swait.ge [sflag:s14], $0x2780  }
0x78: {  	[sflag:s14] =	ssyncset.done $0x0  }
0x79: {  	[sflag:s14] =	ssyncadd.s32 $0xFFFFD880  }
0x7a: {  	_ =	sfence.sel $0x180000  }
0x7b: {  	[bflag:$0x0] =	sbarrier.arrive $0xFFFF  }
0x7c: {  	p0 =	sne.s32 s1, $0x0;
	_ =	strace $0x9000004A  }
0x7d: {  	s0 =	sadd.s32 @!p0 $0x100000, s0;
	[bflag:$0x2] =	sbarrier.arrive $0xFFFF  }
0x7e: {  	[sflag:s0] =	ssyncadd.tile.s32 @!p0 $0x1;
	_ =	shalt  }
.Lfunc_end2:
_tile_overlayer_lowered:
.L_overlay_start_2:
0x7f: {  	(tag) =	ssettag $0x2  }
0x80: {  	s0 =	rddreg [dreg:$0x0];
	s2 =	stileid.u32  }
0x81: {  	s1 =	rddreg [dreg:$0x1];
	p0 =	sne.s32 s2, $0x0  }
0x82: {  	s3 =	rddreg [dreg:$0x2];
	[bflag:$0x3] =	sbarrier.arrive $0xFFFF;
	s2 =	simm.s32 @!p0 $0x1C02  }
0x83: {  	[timem:s3], [sflag:s2] =	dma.local @!p0 [hbm:s0], s1  }
0x84: {  	s0 =	simm.s32 @!p0 $0x2  }
0x85: {  	_ =	swait.ge @!p0 [sflag:s0], s1  }
0x86: {  	s1 =	ssub.s32 @!p0 $0x0, s1;
	[sflag:s0] =	ssyncset.done @!p0 $0x0  }
0x87: {  	[sflag:s0] =	ssyncadd.s32 @!p0 s1  }
0x88: {  	[bflag:$0x3] =	sbarrier.arrive $0xFFFF  }
0x89: {  	_ =	shalt  }

// kernel: kernel.15.cloned.1.call-start
scs
__scs_entry_jumppad:
0x0: {  	(pc) =	sbr.rel $0x88, $3  }
0x1: {  	(tag) =	ssettag $0x0;
	lr =	simm.s32 $0x1  }
0x2: {  	[smem:$0x3F99] =	sst lr;
	_ =	strace $0xD0000000  }
0x3: {  	_ = 	snop  }
0x4: {  	_ = 	snop  }
0x5: {  	_ = 	snop  }
0x6: {  	_ = 	snop  }
0x7: {  	_ = 	snop  }
__scs_overlays_trampoline_lowered:
0x8: {  	[smem:$0x3FA8] =	sst s0  }
0x9: {  	[smem:$0x3FA9] =	sst s1  }
0xa: {  	[smem:$0x3FAA] =	sst s2  }
0xb: {  	[smem:$0x3FAB] =	sst s3  }
0xc: {  	[smem:$0x3FAC] =	sst s4  }
0xd: {  	[smem:$0x3FAD] =	sst s5  }
0xe: {  	[smem:$0x3FAE] =	sst s6  }
0xf: {  	[smem:$0x3FAF] =	sst s7  }
0x10: {  	[smem:$0x3FB0] =	sst s8  }
0x11: {  	[smem:$0x3FB1] =	sst s9;
	s0 =	simm.s32 @!p0 $0x0  }
0x12: {  	s1 =	sld [smem:$0x3F97];
	s0 =	simm.s32 @p0 $0x1  }
0x13: {  	[smem:$0x3FB2] =	sst s0;
	s0 =	simm.s32 @!p1 $0x0  }
0x14: {  	s2 =	sld [smem:$0x3F96];
	s0 =	simm.s32 @p1 $0x1  }
0x15: {  	[smem:$0x3FB3] =	sst s0;
	s0 =	simm.s32 @!p2 $0x0  }
0x16: {  	s3 =	sld [smem:$0x3FDB];
	s0 =	simm.s32 @p2 $0x1  }
0x17: {  	s4 =	simm.s32 $0x1BF5;
	[smem:$0x3FB5] =	sst s0  }
0x18: {  	s0 =	sld [smem:$0x3F98];
	_ =	swait.ge [sflag:s4], $0x0  }
0x19: {  	s7 =	sld [smem:$0x3F99]  }
0x1a: {  	s8 =	sadd.s32 $0xFFFFE003, lr  }
0x1b: {  	s9 =	sadd.s32 $0xFFFFFEF7, lr;
	s5 =	simm.s32 $0xFFFFFFFF;
	p2 =	slt.u32 s8, $0xFFFFF086  }
0x1c: {  	p1 =	slt.u32 s9, $0xF7A;
	s5 =	simm.s32 @!p2 $0x0  }
0x1d: {  	s5 =	simm.s32 @p1 $0x1;
	p0 =	seq.s32 s7, s2  }
0x1e: {  	s7 =	smul.u32 @!p0 $0xF7A, s2;
	p2 =	seq.s32 @!p0 s5, $0x0  }
0x1f: {  	s9 =	smul.u32 $0xF7A, s1;
	s8 =	simm.s32 @!p0 $0x1BF5;
	p2 =	por !p2, p0  }
0x20: {  	[sflag:s8] =	ssyncset.s32 @!p0 $0xFFFFF086;
	s6 =	sadd.s32 @!p0 s3, s7;
	s7 =	simm.s32 @!p0 $0x108  }
0x21: {  	s3 =	sadd.s32 s3, s9;
	s6 =	sadd.s32 @!p0 $0x88, s6;
	s7 =	simm.s32 @p2 $0x1082  }
0x22: {  	[simem:s7], [sflag:s8] =	dma.local @!p0 [hbm:s6], $0xF7A  }
0x23: {  	s9 =	sor.u32 $0xD0000000, s2;
	s6 =	simm.s32 $0x108;
	_ =	swait.ge @!p0 [sflag:s8], $0x0  }
0x24: {  	s3 =	sadd.s32 $0x88, s3;
	s6 =	simm.s32 @!p1 $0x1082;
	[sflag:s4] =	ssyncset.s32 $0xFFFFF086  }
0x25: {  	[simem:s6], [sflag:s4] =	dma.local [hbm:s3], $0xF7A  }
0x26: {  	[smem:$0x3F99] =	sst s1;
	(tag) =	ssettag s2;
	_ =	strace s9  }
0x27: {  	s1 =	sld [smem:$0x3FA9]  }
0x28: {  	s2 =	sld [smem:$0x3FAA]  }
0x29: {  	s4 =	sld [smem:$0x3FAC]  }
0x2a: {  	p0 =	seq.s32 s5, $0x0;
	s5 =	sld [smem:$0x3FAD]  }
0x2b: {  	s6 =	sld [smem:$0x3FAE]  }
0x2c: {  	s7 =	sld [smem:$0x3FAF]  }
0x2d: {  	s3 =	simm.s32 $0x108;
	s8 =	sld [smem:$0x3FB0]  }
0x2e: {  	s3 =	simm.s32 @!p0 $0x1082;
	s9 =	sld [smem:$0x3FB1]  }
0x2f: {  	lr =	sadd.s32 s0, s3;
	s0 =	sld [smem:$0x3FA8]  }
0x30: {  	s3 =	sld [smem:$0x3FAB]  }
0x31: {  	[smem:$0x3FB4] =	sst s10  }
0x32: {  	s10 =	sld [smem:$0x3FB2];
	_ =	sdelay $0x3  }
0x33: {  	p0 =	seq.s32 s10, $0x1;
	s10 =	sld [smem:$0x3FB4];
	_ =	sdelay $0x3  }
0x34: {  	[smem:$0x3FB4] =	sst s10  }
0x35: {  	s10 =	sld [smem:$0x3FB3];
	_ =	sdelay $0x3  }
0x36: {  	p1 =	seq.s32 s10, $0x1;
	s10 =	sld [smem:$0x3FB4];
	_ =	sdelay $0x3  }
0x37: {  	[smem:$0x3FB4] =	sst s10  }
0x38: {  	s10 =	sld [smem:$0x3FB5]  }
0x39: {  	_ = 	snop;
	(pc) =	sbr.ind lr, $3  }
0x3a: {  	_ = 	snop  }
0x3b: {  	_ = 	snop  }
0x3c: {  	p2 =	seq.s32 s10, $0x1;
	s10 =	sld [smem:$0x3FB4]  }
0x3d: {  	_ =	shalt  }
0x3e: {  	_ =	shalt  }
0x3f: {  	_ =	shalt  }
0x40: {  	_ =	shalt  }
0x41: {  	_ =	shalt  }
0x42: {  	_ =	shalt  }
0x43: {  	_ =	shalt  }
0x44: {  	_ =	shalt  }
0x45: {  	_ =	shalt  }
0x46: {  	_ =	shalt  }
0x47: {  	_ =	shalt  }
0x48: {  	_ =	shalt  }
0x49: {  	_ =	shalt  }
0x4a: {  	_ =	shalt  }
0x4b: {  	_ =	shalt  }
0x4c: {  	_ =	shalt  }
0x4d: {  	_ =	shalt  }
0x4e: {  	_ =	shalt  }
0x4f: {  	_ =	shalt  }
0x50: {  	_ =	shalt  }
0x51: {  	_ =	shalt  }
0x52: {  	_ =	shalt  }
0x53: {  	_ =	shalt  }
0x54: {  	_ =	shalt  }
0x55: {  	_ =	shalt  }
0x56: {  	_ =	shalt  }
0x57: {  	_ =	shalt  }
0x58: {  	_ =	shalt  }
0x59: {  	_ =	shalt  }
0x5a: {  	_ =	shalt  }
0x5b: {  	_ =	shalt  }
0x5c: {  	_ =	shalt  }
0x5d: {  	_ =	shalt  }
0x5e: {  	_ =	shalt  }
0x5f: {  	_ =	shalt  }
0x60: {  	_ =	shalt  }
0x61: {  	_ =	shalt  }
0x62: {  	_ =	shalt  }
0x63: {  	_ =	shalt  }
0x64: {  	_ =	shalt  }
0x65: {  	_ =	shalt  }
0x66: {  	_ =	shalt  }
0x67: {  	_ =	shalt  }
0x68: {  	_ =	shalt  }
0x69: {  	_ =	shalt  }
0x6a: {  	_ =	shalt  }
0x6b: {  	_ =	shalt  }
0x6c: {  	_ =	shalt  }
0x6d: {  	_ =	shalt  }
0x6e: {  	_ =	shalt  }
0x6f: {  	_ =	shalt  }
0x70: {  	_ =	shalt  }
0x71: {  	_ =	shalt  }
0x72: {  	_ =	shalt  }
0x73: {  	_ =	shalt  }
0x74: {  	_ =	shalt  }
0x75: {  	_ =	shalt  }
0x76: {  	_ =	shalt  }
0x77: {  	_ =	shalt  }
0x78: {  	_ =	shalt  }
0x79: {  	_ =	shalt  }
0x7a: {  	_ =	shalt  }
0x7b: {  	_ =	shalt  }
0x7c: {  	_ =	shalt  }
0x7d: {  	_ =	shalt  }
0x7e: {  	_ =	shalt  }
0x7f: {  	_ =	shalt  }
0x80: {  	_ =	shalt  }
0x81: {  	_ =	shalt  }
0x82: {  	_ =	shalt  }
0x83: {  	_ =	shalt  }
0x84: {  	_ =	shalt  }
0x85: {  	_ =	shalt  }
0x86: {  	_ =	shalt  }
0x87: {  	_ =	shalt  }
.Lfunc_end0:
.L_simem_size_0:
called_computation.2_lowered:
.L_overlay_start_0:
0x88: {  	s2 =	sld [smem:$0x3FD9]  }
0x89: {  	s3 =	sld [smem:$0x3FFE];
	_ =	sdelay $0x1  }
0x8a: {  	s1 =	srdreg.scid  }
0x8b: {  	s0 =	sand.u32 $0x1, s1  }
0x8c: {  	s15 =	sshll.u32 s0, $0xA;
	s2 =	sadd.s32 s3, s2  }
0x8d: {  	s2 =	sadd.s32 s2, s15  }
0x8e: {  	[smem:$0x3FC0] =	sst s2  }
0x8f: {  	_ = 	snop  }
0x90: {  	s2 =	sld [smem:$0x3FD0];
	_ =	sdelay $0x2  }
0x91: {  	s4 =	simm.s32 $0xB;
	s16 =	simm.s32 $0x10  }
0x92: {  	[smem:s16], [sflag:s4] =	dma.local [hbm:s2], $0x1  }
0x93: {  	_ =	swait.eq [sflag:s4], $0x1  }
0x94: {  	[sflag:s4] =	ssyncset.done $0x0  }
0x95: {  	s17 =	sld [smem:$0x10];
	[sflag:s4] =	ssyncadd.s32 $0xFFFFFFFF  }
0x96: {  	s18 =	sld [smem:$0x11];
	(tm) =	ssettm $0x1  }
0x97: {  	s19 =	sld [smem:$0x3FFB];
	_ =	sdelay $0x3  }
0x98: {  	_ =	strace s19  }
0x99: {  	s2 =	sld [smem:$0x3FFC];
	_ =	sdelay $0x3  }
0x9a: {  	_ =	strace s2  }
0x9b: {  	s2 =	sld [smem:$0x3FFD];
	_ =	sdelay $0x3  }
0x9c: {  	_ =	strace s2  }
0x9d: {  	_ =	strace $0x8FFFFFFF  }
0x9e: {  	s20 =	sld [smem:$0x3FDB];
	_ =	sdelay $0x1  }
0x9f: {  	s5 =	simm.s32 $_scs_section_size  }
0xa0: {  	s6 =	simm.s32 $_size__tile_overlayer_lowered;
	s7 =	simm.s32 $_tile_overlayer_lowered  }
0xa1: {  	s8 =	simm.s32 $0x1BFF;
	s21 =	sshll.u32 s7, $0x1;
	s5 =	sadd.s32 s5, s20  }
0xa2: {  	s22 =	simm.s32 $0x0;
	s6 =	sshll.u32 s6, $0x1;
	s7 =	sadd.s32 s21, s5  }
0xa3: {  	[timem:s22], [sflag:s8] =	dma.local [hbm:s7], s6  }
0xa4: {  	_ =	swait.ge [sflag:s8], s6  }
0xa5: {  	s6 =	ssub.s32 $0x0, s6;
	[sflag:s8] =	ssyncset.done $0x0  }
0xa6: {  	[sflag:s8] =	ssyncadd.s32 s6;
	_ =	sdelay $0x1  }
0xa7: {  	s23 =	simm.s32 $0x1B8B  }
0xa8: {  	_ =	swait.ge [sflag:s23], $0x1  }
0xa9: {  	[sflag:s23] =	ssyncset.done $0x0  }
0xaa: {  	[sflag:s23] =	ssyncadd.s32 $0xFFFFFFFF  }
0xab: {  	s6 =	sld [smem:$0x0]  }
0xac: {  	s7 =	sand.u32 $0xFFFFFFFE, s1  }
0xad: {  	p0 =	sne.s32 s1, s7  }
0xae: {  	s7 =	sshll.u32 @p0 s7, $0xE  }
0xaf: {  	s7 =	sadd.s32 @p0 $0x11B8D, s7;
	s8 =	sshll.u32 @p0 s6, $0x11  }
0xb0: {  	s7 =	sor.u32 @p0 s8, s7  }
0xb1: {  	[sflag:s7] =	ssyncadd.remote.s32 @p0 $0x1;
	_ =	sdelay $0x1  }
0xb2: {  	s7 =	simm.s32 @p0 $0x1B8D  }
0xb3: {  	_ =	swait.eq @p0 [sflag:s7], $0x1  }
0xb4: {  	[sflag:s7] =	ssyncadd.s32 @p0 $0xFFFFFFFF  }
0xb5: {  	s8 =	sshll.u32 @!p0 s1, $0xE  }
0xb6: {  	s8 =	sor.u32 @!p0 $0x4000, s8;
	s7 =	simm.s32 @!p0 $0x1B8D  }
0xb7: {  	s6 =	sshll.u32 @!p0 s6, $0x11;
	s8 =	sadd.s32 @!p0 $0x11B8D, s8;
	_ =	swait.eq @!p0 [sflag:s7], $0x1  }
0xb8: {  	s6 =	sor.u32 @!p0 s6, s8;
	[sflag:s7] =	ssyncadd.s32 @!p0 $0xFFFFFFFF  }
0xb9: {  	s25 =	simm.s32 $0x1B8E;
	s24 =	sld [smem:$0x3FFE];
	[sflag:s6] =	ssyncadd.remote.s32 @!p0 $0x1  }
0xba: {  	s26 =	simm.s32 $execute0_lowered;
	[smem:$0x3FD2] =	sst s25  }
0xbb: {  	s7 =	sshll.u32 s26, $0x1;
	_ =	strace $0x8000004F;
	[dreg:$0x1] =	wrdreg $0xFFFFFFFF  }
0xbc: {  	s28 =	simm.s32 $_size_execute0_lowered;
	s5 =	sadd.s32 s5, s7;
	[dreg:$0x0] =	wrdreg $0x0  }
0xbd: {  	s7 =	sshll.u32 s28, $0x1;
	[dreg:$0x2] =	wrdreg s5  }
0xbe: {  	[dreg:$0x3] =	wrdreg s7  }
0xbf: {  	[dreg:$0x4] =	wrdreg $0xC0  }
0xc0: {  	_ =	task [dreg:s22], $0x5FFFF  }
0xc1: {  	[dreg:$0x1] =	wrdreg $0xFFFFFFFF  }
0xc2: {  	[dreg:$0x0] =	wrdreg $0x60  }
0xc3: {  	[dreg:$0x2] =	wrdreg s24  }
0xc4: {  	[dreg:$0x3] =	wrdreg s18  }
0xc5: {  	[dreg:$0x4] =	wrdreg s17  }
0xc6: {  	[dreg:$0x5] =	wrdreg $0x90000  }
0xc7: {  	[dreg:$0x6] =	wrdreg $0x9  }
0xc8: {  	_ =	task.clear_ibuf [dreg:s22], $0x7FFFF;
	_ =	strace $0x9000004F  }
0xc9: {  	s29 =	simm.s32 $0x9;
	_ =	strace $0x80000051  }
0xca: {  	_ =	swait.ge [sflag:s29], $0x1  }
0xcb: {  	[sflag:s29] =	ssyncadd.s32 $0xFFFFFFFF  }
0xcc: {  	_ =	strace $0x90000051  }
0xcd: {  	_ =	sfence  }
0xce: {  	s30 =	sld [smem:$0x0];
	_ =	sdelay $0x2  }
0xcf: {  	s31 =	sshll.u32 s1, $0xD;
	s1 =	sshrl.u32 s1, $0x2  }
0xd0: {  	s4 =	sand.u32 $0x4000, s31;
	s1 =	sadd.s32 s1, s30  }
0xd1: {  	s0 =	sor.u32 s4, s0;
	s1 =	sshll.u32 s1, $0x11  }
0xd2: {  	s0 =	sor.u32 s1, s0  }
0xd3: {  	s0 =	sadd.s32 $0x8F2B, s0  }
0xd4: {  	[sflag:s0] =	ssyncadd.remote.s32 $0x1  }
0xd5: {  	_ =	sfence.sel $0xFFFF  }
0xd6: {  	[dreg:$0x0] =	wrdreg $0xFFFFFFFF;
	(pc) =	sbr.abs _section_cstart, $3  }
0xd7: {  	[dreg:$0x1] =	wrdreg $0xFFFFFFFF  }
0xd8: {  	_ =	task.clear_ibuf [dreg:s22], $0x2FFFF;
	_ =	strace $0x9FFFFFFF  }
0xd9: {  	(tm) =	ssettm $0x7FFFFFFF  }
tec
execute0_lowered:
.L_overlay_start_1:
0x0: {  	(tag) =	ssettag $0x1  }
0x1: {  	s5 =	rddreg [dreg:$0x0]  }
0x2: {  	s9 =	rddreg [dreg:$0x1]  }
0x3: {  	s10 =	rddreg [dreg:$0x2]  }
0x4: {  	s2 =	rddreg [dreg:$0x3]  }
0x5: {  	s0 =	rddreg [dreg:$0x4]  }
0x6: {  	s1 =	stileid.u32;
	s4 =	srdreg.scid;
	s3 =	simm.s32 $0x0  }
0x7: {  	s16 =	simm.s32 $0x4000;
	s17 =	simm.s32 $0x1;
	s18 =	simm.s32 $0x3F80  }
0x8: {  	s19 =	simm.s32 $0x6800;
	s20 =	simm.s32 $0x3E00;
	s21 =	simm.s32 $0x0  }
0x9: {  	s6 =	smul.u32 $0x13C00, s1;
	s7 =	sand.u32 $0x1, s4;
	[smem:$0x7FF] =	sst s3  }
0xa: {  	s4 =	sadd.s32 $0x2A200, s5;
	s13 =	smul.u32 $0x4F000, s1;
	s29 =	sshll.u32 s1, $0xB  }
0xb: {  	s30 =	sshll.u32 s1, $0x6;
	s8 =	smul.u32 $0x13C000, s7;
	_ =	strace $0x80000050  }
0xc: {  	s25 =	ssub.s32 $0x2, s7;
	s28 =	sshll.u32 s7, $0xF;
	s11 =	sshrl.u32 s6, $0x3  }
0xd: {  	s12 =	sshrl.u32 s25, $0x1;
	s26 =	sshrl.u32 s13, $0x2;
	s15 =	sor.u32 s29, s28  }
0xe: {  	s6 =	sadd.s32 s6, s8;
	s11 =	sadd.s32 s11, s5;
	s12 =	ssub.s32 s25, s12  }
0xf: {  	s13 =	sadd.s32 s26, s2;
	s31 =	sor.u32 $0x400, s15;
	s7 =	sadd.s32 s9, s15  }
0x10: {  	s8 =	sadd.s32 s10, s15;
	s15 =	simm.s32 $0x50;
	s6 =	sshrl.u32 s6, $0x3  }
0x11: {  	s9 =	sadd.s32 s9, s31;
	s10 =	sadd.s32 s10, s31;
	s12 =	smax.u32 s12, $0x1  }
0x12: {  	s13 =	sshrl.u32 s13, $0x3;
	s14 =	sadd.s32 s6, s5;
	s5 =	sadd.s32 $0x2A00, s11  }
0x13: {  	s6 =	sor.u32 $0x1C02, s30;
	s11 =	sadd.s32 $0xF7400, s14;
	s14 =	simm.s32 $0x2  }
.LBB2_1:
0x14: {  	[spmem:s13], [sflag:s6] =	dma.local [hbm:s5], $0x2780  }
0x15: {  	_ =	swait.ge [sflag:s14], $0x2780  }
0x16: {  	[sflag:s14] =	ssyncset.done $0x0  }
0x17: {  	[sflag:s14] =	ssyncadd.s32 $0xFFFFD880  }
0x18: {  	[bflag:$0x0] =	sbarrier.arrive $0xFFFF  }
0x19: {  	[tilespmem:s3], [sflag:$0x2] =	stream.linear.gather [hbm4b:s7+s3], $0x2000, $0x38;
	[tilespmem:$0x1CC00] =	vst v63  }
0x1a: {  	_ =	swait.ge [sflag:s14], $0x2000  }
0x1b: {  	[sflag:s14] =	ssyncset.done $0x0  }
0x1c: {  	s22 =	simm.s32 $0x2000;
	[sflag:s14] =	ssyncadd.s32 $0xFFFFE000  }
0x1d: {  	[tilespmem:s22], [sflag:$0x2] =	stream.linear.gather [hbm4b:s8+s3], $0x2000, $0x38;
	[tilespmem:$0x1CC00] =	vst v63  }
0x1e: {  	s23 =	sand.u32 $0x1, s3;
	_ =	swait.ge [sflag:s14], $0x2000  }
0x1f: {  	s24 =	sxor.u32 $0x1, s23;
	[sflag:s14] =	ssyncset.done $0x0  }
0x20: {  	s24 =	smul.u32 $0xA000, s24;
	[sflag:s14] =	ssyncadd.s32 $0xFFFFE000  }
0x21: {  	[tilespmem:s16], [sflag:$0x1] =	stream.indirect.gather [hbm4b:s4+s15], $0x80, s3, s15, $0xb8;
	[tilespmem:$0x1CC00] =	vst v63  }
0x22: {  	s25 =	simm.s32 $0x80;
	s23 =	smul.u32 $0xA000, s23;
	_ =	swait.ge [sflag:s17], $0x2800  }
0x23: {  	s31 =	simm.s32 $0x1;
	s24 =	sshrl.u32 s24, $0x2;
	[sflag:s17] =	ssyncset.done $0x0  }
0x24: {  	s23 =	sshrl.u32 s23, $0x2;
	s24 =	sor.u32 $0x4000, s24;
	[sflag:s17] =	ssyncadd.s32 $0xFFFFD800  }
0x25: {  	[tilespmem:s24], [sflag:$0x1] =	stream.indirect.gather [hbm4b:s4+s15], $0x80, s25, s15, $0xb8;
	[tilespmem:$0x1CC00] =	vst v63  }
0x26: {  	s23 =	sor.u32 $0x4000, s23;
	s25 =	simm.s32 $0x2;
	s24 =	sand.u32 $0x1, s31  }
0x27: {  	[spmem:s2] =	stream.indirect.scatter.add.f32 [tilespmem:s23], [sflag:$0x2], $0x80, s22, s15, $0xb8;
	[tilespmem:$0x1CC00] =	vst v63  }
0x28: {  	s22 =	simm.s32 $0x100;
	s23 =	simm.s32 $0x2080;
	_ =	swait.ge [sflag:s14], $0x2800  }
.LBB2_2:
0x29: {  	s26 =	sxor.u32 $0x1, s24  }
0x2a: {  	[sflag:s14] =	ssyncset.done $0x0;
	s28 =	smov.u32 s25;
	s29 =	sadd.s32 $0x1, s25  }
0x2b: {  	p0 =	sne.s32 s25, $0x3E;
	s25 =	smul.u32 $0xA000, s26;
	[sflag:s14] =	ssyncadd.s32 $0xFFFFD800  }
0x2c: {  	_ =	swait.ge [sflag:s17], $0x2800  }
0x2d: {  	s24 =	smul.u32 $0xA000, s24;
	[sflag:s17] =	ssyncset.done $0x0;
	s25 =	sshrl.u32 s25, $0x2  }
0x2e: {  	[sflag:s17] =	ssyncadd.s32 $0xFFFFD800;
	s25 =	sor.u32 $0x4000, s25  }
0x2f: {  	[tilespmem:s25], [sflag:$0x1] =	stream.indirect.gather [hbm4b:s4+s15], $0x80, s22, s15, $0xb8;
	[tilespmem:$0x1CC00] =	vst v63  }
.Ltmp0:
0x30: {  	_ = 	snop;
	(pc) =	sbr.rel @p0 .LBB2_2-.Ltmp0, $4  }
0x31: {  	s24 =	sshrl.u32 s24, $0x2  }
0x32: {  	s24 =	sor.u32 $0x4000, s24;
	s22 =	sadd.s32 $0x80, s22;
	s25 =	smov.u32 s29  }
0x33: {  	[spmem:s2] =	stream.indirect.scatter.add.f32 [tilespmem:s24], [sflag:$0x2], $0x80, s23, s15, $0xb8;
	[tilespmem:$0x1CC00] =	vst v63  }
0x34: {  	s24 =	sand.u32 $0x1, s28;
	s23 =	sadd.s32 $0x80, s23;
	_ =	swait.ge [sflag:s14], $0x2800  }
0x35: {  	s25 =	sxor.u32 $0x1, s24;
	[sflag:s14] =	ssyncset.done $0x0  }
0x36: {  	s25 =	smul.u32 $0xA000, s25;
	[sflag:s14] =	ssyncadd.s32 $0xFFFFD800  }
0x37: {  	_ =	swait.ge [sflag:s17], $0x2800  }
0x38: {  	[sflag:s17] =	ssyncset.done $0x0;
	s25 =	sshrl.u32 s25, $0x2  }
0x39: {  	s31 =	smul.u32 $0xA000, s24;
	[sflag:s17] =	ssyncadd.s32 $0xFFFFD800;
	s25 =	sor.u32 $0x4000, s25  }
0x3a: {  	[tilespmem:s25], [sflag:$0x1] =	stream.indirect.gather [hbm4b:s4+s15], $0x80, s22, s15, $0xb8;
	[tilespmem:$0x1CC00] =	vst v63  }
0x3b: {  	s25 =	sshrl.u32 s31, $0x2  }
0x3c: {  	s22 =	sor.u32 $0x4000, s25  }
0x3d: {  	[spmem:s2] =	stream.indirect.scatter.add.f32 [tilespmem:s22], [sflag:$0x2], $0x80, s23, s15, $0xb8;
	[tilespmem:$0x1CC00] =	vst v63  }
0x3e: {  	_ =	swait.ge [sflag:s14], $0x2800  }
0x3f: {  	[sflag:s14] =	ssyncset.done $0x0  }
0x40: {  	[sflag:s14] =	ssyncadd.s32 $0xFFFFD800  }
0x41: {  	_ =	swait.ge [sflag:s17], $0x2800  }
0x42: {  	[sflag:s17] =	ssyncset.done $0x0  }
0x43: {  	[sflag:s17] =	ssyncadd.s32 $0xFFFFD800  }
0x44: {  	[spmem:s2] =	stream.indirect.scatter.add.f32 [tilespmem:s19], [sflag:$0x2], $0x80, s18, s15, $0xb8;
	[tilespmem:$0x1CC00] =	vst v63  }
0x45: {  	_ =	swait.ge [sflag:s14], $0x2800  }
0x46: {  	[sflag:s14] =	ssyncset.done $0x0  }
0x47: {  	s26 =	simm.s32 $0x0;
	[sflag:s14] =	ssyncadd.s32 $0xFFFFD800  }
0x48: {  	[tilespmem:s26], [sflag:$0x2] =	stream.linear.gather [hbm4b:s9+s26], $0x1E80, $0x38;
	[tilespmem:$0x1CC00] =	vst v63  }
0x49: {  	_ =	swait.ge [sflag:s14], $0x1E80  }
0x4a: {  	[sflag:s14] =	ssyncset.done $0x0  }
0x4b: {  	s28 =	simm.s32 $0x2000;
	[sflag:s14] =	ssyncadd.s32 $0xFFFFE180  }
0x4c: {  	[tilespmem:s28], [sflag:$0x2] =	stream.linear.gather [hbm4b:s10+s26], $0x1E80, $0x38;
	[tilespmem:$0x1CC00] =	vst v63  }
0x4d: {  	s22 =	sand.u32 $0x1, s26;
	_ =	swait.ge [sflag:s14], $0x1E80  }
0x4e: {  	s29 =	sxor.u32 $0x1, s22;
	[sflag:s14] =	ssyncset.done $0x0  }
0x4f: {  	s24 =	smul.u32 $0xA000, s29;
	[sflag:s14] =	ssyncadd.s32 $0xFFFFE180  }
0x50: {  	[tilespmem:s16], [sflag:$0x1] =	stream.indirect.gather [hbm4b:s4+s15], $0x80, s26, s15, $0xb8;
	[tilespmem:$0x1CC00] =	vst v63  }
0x51: {  	s30 =	simm.s32 $0x80;
	s22 =	smul.u32 $0xA000, s22;
	_ =	swait.ge [sflag:s17], $0x2800  }
0x52: {  	s31 =	simm.s32 $0x1;
	s24 =	sshrl.u32 s24, $0x2;
	[sflag:s17] =	ssyncset.done $0x0  }
0x53: {  	s22 =	sshrl.u32 s22, $0x2;
	s24 =	sor.u32 $0x4000, s24;
	[sflag:s17] =	ssyncadd.s32 $0xFFFFD800  }
0x54: {  	[tilespmem:s24], [sflag:$0x1] =	stream.indirect.gather [hbm4b:s4+s15], $0x80, s30, s15, $0xb8;
	[tilespmem:$0x1CC00] =	vst v63  }
0x55: {  	s25 =	simm.s32 $0x2;
	s23 =	simm.s32 $0x2080;
	s22 =	sor.u32 $0x4000, s22  }
0x56: {  	[spmem:s2] =	stream.indirect.scatter.add.f32 [tilespmem:s22], [sflag:$0x2], $0x80, s28, s15, $0xb8;
	[tilespmem:$0x1CC00] =	vst v63  }
0x57: {  	s24 =	sand.u32 $0x1, s31;
	s22 =	simm.s32 $0x100;
	_ =	swait.ge [sflag:s14], $0x2800  }
.LBB2_4:
0x58: {  	s26 =	sxor.u32 $0x1, s24  }
0x59: {  	[sflag:s14] =	ssyncset.done $0x0;
	s28 =	smov.u32 s25;
	s29 =	sadd.s32 $0x1, s25  }
0x5a: {  	p0 =	sne.s32 s25, $0x3B;
	s25 =	smul.u32 $0xA000, s26;
	[sflag:s14] =	ssyncadd.s32 $0xFFFFD800  }
0x5b: {  	_ =	swait.ge [sflag:s17], $0x2800  }
0x5c: {  	s24 =	smul.u32 $0xA000, s24;
	[sflag:s17] =	ssyncset.done $0x0;
	s25 =	sshrl.u32 s25, $0x2  }
0x5d: {  	[sflag:s17] =	ssyncadd.s32 $0xFFFFD800;
	s25 =	sor.u32 $0x4000, s25  }
0x5e: {  	[tilespmem:s25], [sflag:$0x1] =	stream.indirect.gather [hbm4b:s4+s15], $0x80, s22, s15, $0xb8;
	[tilespmem:$0x1CC00] =	vst v63  }
.Ltmp1:
0x5f: {  	_ = 	snop;
	(pc) =	sbr.rel @p0 .LBB2_4-.Ltmp1, $4  }
0x60: {  	s24 =	sshrl.u32 s24, $0x2  }
0x61: {  	s24 =	sor.u32 $0x4000, s24;
	s22 =	sadd.s32 $0x80, s22;
	s25 =	smov.u32 s29  }
0x62: {  	[spmem:s2] =	stream.indirect.scatter.add.f32 [tilespmem:s24], [sflag:$0x2], $0x80, s23, s15, $0xb8;
	[tilespmem:$0x1CC00] =	vst v63  }
0x63: {  	s24 =	sand.u32 $0x1, s28;
	s23 =	sadd.s32 $0x80, s23;
	_ =	swait.ge [sflag:s14], $0x2800  }
0x64: {  	s25 =	sxor.u32 $0x1, s24;
	[sflag:s14] =	ssyncset.done $0x0  }
0x65: {  	s25 =	smul.u32 $0xA000, s25;
	[sflag:s14] =	ssyncadd.s32 $0xFFFFD800  }
0x66: {  	s30 =	smul.u32 $0xA000, s24;
	_ =	swait.ge [sflag:s17], $0x2800  }
0x67: {  	[sflag:s17] =	ssyncset.done $0x0;
	s25 =	sshrl.u32 s25, $0x2  }
0x68: {  	s31 =	sshrl.u32 s30, $0x2;
	[sflag:s17] =	ssyncadd.s32 $0xFFFFD800;
	s25 =	sor.u32 $0x4000, s25  }
0x69: {  	[tilespmem:s25], [sflag:$0x1] =	stream.indirect.gather [hbm4b:s4+s15], $0x80, s22, s15, $0xb8;
	[tilespmem:$0x1CC00] =	vst v63  }
0x6a: {  	s22 =	sor.u32 $0x4000, s31  }
0x6b: {  	[spmem:s2] =	stream.indirect.scatter.add.f32 [tilespmem:s22], [sflag:$0x2], $0x80, s23, s15, $0xb8;
	[tilespmem:$0x1CC00] =	vst v63  }
0x6c: {  	_ =	swait.ge [sflag:s14], $0x2800  }
0x6d: {  	[sflag:s14] =	ssyncset.done $0x0  }
0x6e: {  	[sflag:s14] =	ssyncadd.s32 $0xFFFFD800  }
0x6f: {  	_ =	swait.ge [sflag:s17], $0x2800  }
0x70: {  	[sflag:s17] =	ssyncset.done $0x0  }
0x71: {  	[sflag:s17] =	ssyncadd.s32 $0xFFFFD800  }
0x72: {  	[spmem:s2] =	stream.indirect.scatter.add.f32 [tilespmem:s16], [sflag:$0x2], $0x80, s20, s15, $0xb8;
	[tilespmem:$0x1CC00] =	vst v63  }
0x73: {  	_ =	swait.ge [sflag:s14], $0x2800  }
0x74: {  	s21 =	sadd.s32 $0x1, s21;
	[sflag:s14] =	ssyncset.done $0x0  }
0x75: {  	p0 =	sne.s32 s21, s12;
	[sflag:s14] =	ssyncadd.s32 $0xFFFFD800  }
.Ltmp2:
0x76: {  	[bflag:$0x0] =	sbarrier.arrive $0xFFFF;
	(pc) =	sbr.rel @p0 .LBB2_1-.Ltmp2, $4  }
0x77: {  	[hbm:s11], [sflag:s6] =	dma.local [spmem:s13], $0x2780  }
0x78: {  	_ =	swait.ge [sflag:s14], $0x2780  }
0x79: {  	[sflag:s14] =	ssyncset.done $0x0  }
0x7a: {  	[sflag:s14] =	ssyncadd.s32 $0xFFFFD880  }
0x7b: {  	_ =	sfence.sel $0x180000  }
0x7c: {  	[bflag:$0x0] =	sbarrier.arrive $0xFFFF  }
0x7d: {  	p0 =	sne.s32 s1, $0x0;
	_ =	strace $0x90000050  }
0x7e: {  	s0 =	sadd.s32 @!p0 $0x100000, s0;
	[bflag:$0x2] =	sbarrier.arrive $0xFFFF  }
0x7f: {  	[sflag:s0] =	ssyncadd.tile.s32 @!p0 $0x1;
	_ =	shalt  }
.Lfunc_end2:
_tile_overlayer_lowered:
.L_overlay_start_2:
0x80: {  	(tag) =	ssettag $0x2  }
0x81: {  	s0 =	rddreg [dreg:$0x0];
	s2 =	stileid.u32  }
0x82: {  	s1 =	rddreg [dreg:$0x1];
	p0 =	sne.s32 s2, $0x0  }
0x83: {  	s3 =	rddreg [dreg:$0x2];
	[bflag:$0x3] =	sbarrier.arrive $0xFFFF;
	s2 =	simm.s32 @!p0 $0x1C02  }
0x84: {  	[timem:s3], [sflag:s2] =	dma.local @!p0 [hbm:s0], s1  }
0x85: {  	s0 =	simm.s32 @!p0 $0x2  }
0x86: {  	_ =	swait.ge @!p0 [sflag:s0], s1  }
0x87: {  	s1 =	ssub.s32 @!p0 $0x0, s1;
	[sflag:s0] =	ssyncset.done @!p0 $0x0  }
0x88: {  	[sflag:s0] =	ssyncadd.s32 @!p0 s1  }
0x89: {  	[bflag:$0x3] =	sbarrier.arrive $0xFFFF  }
0x8a: {  	_ =	shalt  }

// kernel: kernel.18.cloned.1.call-start
scs
__scs_entry_jumppad:
0x0: {  	(pc) =	sbr.rel $0x88, $3  }
0x1: {  	(tag) =	ssettag $0x0;
	lr =	simm.s32 $0x1  }
0x2: {  	[smem:$0x3F99] =	sst lr;
	_ =	strace $0xD0000000  }
0x3: {  	_ = 	snop  }
0x4: {  	_ = 	snop  }
0x5: {  	_ = 	snop  }
0x6: {  	_ = 	snop  }
0x7: {  	_ = 	snop  }
__scs_overlays_trampoline_lowered:
0x8: {  	[smem:$0x3FA8] =	sst s0  }
0x9: {  	[smem:$0x3FA9] =	sst s1  }
0xa: {  	[smem:$0x3FAA] =	sst s2  }
0xb: {  	[smem:$0x3FAB] =	sst s3  }
0xc: {  	[smem:$0x3FAC] =	sst s4  }
0xd: {  	[smem:$0x3FAD] =	sst s5  }
0xe: {  	[smem:$0x3FAE] =	sst s6  }
0xf: {  	[smem:$0x3FAF] =	sst s7  }
0x10: {  	[smem:$0x3FB0] =	sst s8  }
0x11: {  	[smem:$0x3FB1] =	sst s9;
	s0 =	simm.s32 @!p0 $0x0  }
0x12: {  	s1 =	sld [smem:$0x3F97];
	s0 =	simm.s32 @p0 $0x1  }
0x13: {  	[smem:$0x3FB2] =	sst s0;
	s0 =	simm.s32 @!p1 $0x0  }
0x14: {  	s2 =	sld [smem:$0x3F96];
	s0 =	simm.s32 @p1 $0x1  }
0x15: {  	[smem:$0x3FB3] =	sst s0;
	s0 =	simm.s32 @!p2 $0x0  }
0x16: {  	s3 =	sld [smem:$0x3FDB];
	s0 =	simm.s32 @p2 $0x1  }
0x17: {  	s4 =	simm.s32 $0x1BF5;
	[smem:$0x3FB5] =	sst s0  }
0x18: {  	s0 =	sld [smem:$0x3F98];
	_ =	swait.ge [sflag:s4], $0x0  }
0x19: {  	s7 =	sld [smem:$0x3F99]  }
0x1a: {  	s8 =	sadd.s32 $0xFFFFE003, lr  }
0x1b: {  	s9 =	sadd.s32 $0xFFFFFEF7, lr;
	s5 =	simm.s32 $0xFFFFFFFF;
	p2 =	slt.u32 s8, $0xFFFFF086  }
0x1c: {  	p1 =	slt.u32 s9, $0xF7A;
	s5 =	simm.s32 @!p2 $0x0  }
0x1d: {  	s5 =	simm.s32 @p1 $0x1;
	p0 =	seq.s32 s7, s2  }
0x1e: {  	s7 =	smul.u32 @!p0 $0xF7A, s2;
	p2 =	seq.s32 @!p0 s5, $0x0  }
0x1f: {  	s9 =	smul.u32 $0xF7A, s1;
	s8 =	simm.s32 @!p0 $0x1BF5;
	p2 =	por !p2, p0  }
0x20: {  	[sflag:s8] =	ssyncset.s32 @!p0 $0xFFFFF086;
	s6 =	sadd.s32 @!p0 s3, s7;
	s7 =	simm.s32 @!p0 $0x108  }
0x21: {  	s3 =	sadd.s32 s3, s9;
	s6 =	sadd.s32 @!p0 $0x88, s6;
	s7 =	simm.s32 @p2 $0x1082  }
0x22: {  	[simem:s7], [sflag:s8] =	dma.local @!p0 [hbm:s6], $0xF7A  }
0x23: {  	s9 =	sor.u32 $0xD0000000, s2;
	s6 =	simm.s32 $0x108;
	_ =	swait.ge @!p0 [sflag:s8], $0x0  }
0x24: {  	s3 =	sadd.s32 $0x88, s3;
	s6 =	simm.s32 @!p1 $0x1082;
	[sflag:s4] =	ssyncset.s32 $0xFFFFF086  }
0x25: {  	[simem:s6], [sflag:s4] =	dma.local [hbm:s3], $0xF7A  }
0x26: {  	[smem:$0x3F99] =	sst s1;
	(tag) =	ssettag s2;
	_ =	strace s9  }
0x27: {  	s1 =	sld [smem:$0x3FA9]  }
0x28: {  	s2 =	sld [smem:$0x3FAA]  }
0x29: {  	s4 =	sld [smem:$0x3FAC]  }
0x2a: {  	p0 =	seq.s32 s5, $0x0;
	s5 =	sld [smem:$0x3FAD]  }
0x2b: {  	s6 =	sld [smem:$0x3FAE]  }
0x2c: {  	s7 =	sld [smem:$0x3FAF]  }
0x2d: {  	s3 =	simm.s32 $0x108;
	s8 =	sld [smem:$0x3FB0]  }
0x2e: {  	s3 =	simm.s32 @!p0 $0x1082;
	s9 =	sld [smem:$0x3FB1]  }
0x2f: {  	lr =	sadd.s32 s0, s3;
	s0 =	sld [smem:$0x3FA8]  }
0x30: {  	s3 =	sld [smem:$0x3FAB]  }
0x31: {  	[smem:$0x3FB4] =	sst s10  }
0x32: {  	s10 =	sld [smem:$0x3FB2];
	_ =	sdelay $0x3  }
0x33: {  	p0 =	seq.s32 s10, $0x1;
	s10 =	sld [smem:$0x3FB4];
	_ =	sdelay $0x3  }
0x34: {  	[smem:$0x3FB4] =	sst s10  }
0x35: {  	s10 =	sld [smem:$0x3FB3];
	_ =	sdelay $0x3  }
0x36: {  	p1 =	seq.s32 s10, $0x1;
	s10 =	sld [smem:$0x3FB4];
	_ =	sdelay $0x3  }
0x37: {  	[smem:$0x3FB4] =	sst s10  }
0x38: {  	s10 =	sld [smem:$0x3FB5]  }
0x39: {  	_ = 	snop;
	(pc) =	sbr.ind lr, $3  }
0x3a: {  	_ = 	snop  }
0x3b: {  	_ = 	snop  }
0x3c: {  	p2 =	seq.s32 s10, $0x1;
	s10 =	sld [smem:$0x3FB4]  }
0x3d: {  	_ =	shalt  }
0x3e: {  	_ =	shalt  }
0x3f: {  	_ =	shalt  }
0x40: {  	_ =	shalt  }
0x41: {  	_ =	shalt  }
0x42: {  	_ =	shalt  }
0x43: {  	_ =	shalt  }
0x44: {  	_ =	shalt  }
0x45: {  	_ =	shalt  }
0x46: {  	_ =	shalt  }
0x47: {  	_ =	shalt  }
0x48: {  	_ =	shalt  }
0x49: {  	_ =	shalt  }
0x4a: {  	_ =	shalt  }
0x4b: {  	_ =	shalt  }
0x4c: {  	_ =	shalt  }
0x4d: {  	_ =	shalt  }
0x4e: {  	_ =	shalt  }
0x4f: {  	_ =	shalt  }
0x50: {  	_ =	shalt  }
0x51: {  	_ =	shalt  }
0x52: {  	_ =	shalt  }
0x53: {  	_ =	shalt  }
0x54: {  	_ =	shalt  }
0x55: {  	_ =	shalt  }
0x56: {  	_ =	shalt  }
0x57: {  	_ =	shalt  }
0x58: {  	_ =	shalt  }
0x59: {  	_ =	shalt  }
0x5a: {  	_ =	shalt  }
0x5b: {  	_ =	shalt  }
0x5c: {  	_ =	shalt  }
0x5d: {  	_ =	shalt  }
0x5e: {  	_ =	shalt  }
0x5f: {  	_ =	shalt  }
0x60: {  	_ =	shalt  }
0x61: {  	_ =	shalt  }
0x62: {  	_ =	shalt  }
0x63: {  	_ =	shalt  }
0x64: {  	_ =	shalt  }
0x65: {  	_ =	shalt  }
0x66: {  	_ =	shalt  }
0x67: {  	_ =	shalt  }
0x68: {  	_ =	shalt  }
0x69: {  	_ =	shalt  }
0x6a: {  	_ =	shalt  }
0x6b: {  	_ =	shalt  }
0x6c: {  	_ =	shalt  }
0x6d: {  	_ =	shalt  }
0x6e: {  	_ =	shalt  }
0x6f: {  	_ =	shalt  }
0x70: {  	_ =	shalt  }
0x71: {  	_ =	shalt  }
0x72: {  	_ =	shalt  }
0x73: {  	_ =	shalt  }
0x74: {  	_ =	shalt  }
0x75: {  	_ =	shalt  }
0x76: {  	_ =	shalt  }
0x77: {  	_ =	shalt  }
0x78: {  	_ =	shalt  }
0x79: {  	_ =	shalt  }
0x7a: {  	_ =	shalt  }
0x7b: {  	_ =	shalt  }
0x7c: {  	_ =	shalt  }
0x7d: {  	_ =	shalt  }
0x7e: {  	_ =	shalt  }
0x7f: {  	_ =	shalt  }
0x80: {  	_ =	shalt  }
0x81: {  	_ =	shalt  }
0x82: {  	_ =	shalt  }
0x83: {  	_ =	shalt  }
0x84: {  	_ =	shalt  }
0x85: {  	_ =	shalt  }
0x86: {  	_ =	shalt  }
0x87: {  	_ =	shalt  }
.Lfunc_end0:
.L_simem_size_0:
called_computation.3_lowered:
.L_overlay_start_0:
0x88: {  	s2 =	sld [smem:$0x3FD9]  }
0x89: {  	s3 =	sld [smem:$0x3FFE];
	_ =	sdelay $0x1  }
0x8a: {  	s1 =	srdreg.scid  }
0x8b: {  	s0 =	sand.u32 $0x1, s1  }
0x8c: {  	s16 =	sshll.u32 s0, $0xA;
	s2 =	sadd.s32 s3, s2  }
0x8d: {  	s2 =	sadd.s32 s2, s16  }
0x8e: {  	[smem:$0x3FC0] =	sst s2  }
0x8f: {  	_ = 	snop  }
0x90: {  	(tm) =	ssettm $0x1  }
0x91: {  	s17 =	sld [smem:$0x3FFB];
	_ =	sdelay $0x3  }
0x92: {  	_ =	strace s17  }
0x93: {  	s2 =	sld [smem:$0x3FFC];
	_ =	sdelay $0x3  }
0x94: {  	_ =	strace s2  }
0x95: {  	s2 =	sld [smem:$0x3FFD];
	_ =	sdelay $0x3  }
0x96: {  	_ =	strace s2  }
0x97: {  	_ =	strace $0x8FFFFFFF  }
0x98: {  	s18 =	sld [smem:$0x3FDB];
	_ =	sdelay $0x1  }
0x99: {  	s19 =	simm.s32 $_scs_section_size  }
0x9a: {  	s4 =	simm.s32 $_size__tile_overlayer_lowered;
	s5 =	simm.s32 $_tile_overlayer_lowered  }
0x9b: {  	s22 =	simm.s32 $0x1BFF;
	s21 =	sshll.u32 s5, $0x1;
	s2 =	sadd.s32 s19, s18  }
0x9c: {  	s6 =	simm.s32 $0x0;
	s20 =	sshll.u32 s4, $0x1;
	s4 =	sadd.s32 s21, s2  }
0x9d: {  	[timem:s6], [sflag:s22] =	dma.local [hbm:s4], s20  }
0x9e: {  	_ =	swait.ge [sflag:s22], s20  }
0x9f: {  	s3 =	ssub.s32 $0x0, s20;
	[sflag:s22] =	ssyncset.done $0x0  }
0xa0: {  	[sflag:s22] =	ssyncadd.s32 s3;
	_ =	sdelay $0x1  }
0xa1: {  	s23 =	simm.s32 $0x1B8B  }
0xa2: {  	_ =	swait.ge [sflag:s23], $0x1  }
0xa3: {  	[sflag:s23] =	ssyncset.done $0x0  }
0xa4: {  	s25 =	simm.s32 $0x1B8E;
	s24 =	sld [smem:$0x3FFE];
	[sflag:s23] =	ssyncadd.s32 $0xFFFFFFFF  }
0xa5: {  	s26 =	simm.s32 $execute0_lowered;
	[smem:$0x3FD2] =	sst s25  }
0xa6: {  	s4 =	sshll.u32 s26, $0x1;
	_ =	strace $0x8000004C;
	[dreg:$0x1] =	wrdreg $0xFFFFFFFF  }
0xa7: {  	s28 =	simm.s32 $_size_execute0_lowered;
	s2 =	sadd.s32 s2, s4;
	[dreg:$0x0] =	wrdreg $0x0  }
0xa8: {  	s4 =	sshll.u32 s28, $0x1;
	[dreg:$0x2] =	wrdreg s2  }
0xa9: {  	[dreg:$0x3] =	wrdreg s4  }
0xaa: {  	[dreg:$0x4] =	wrdreg $0xC0  }
0xab: {  	_ =	task [dreg:s6], $0x5FFFF  }
0xac: {  	[dreg:$0x1] =	wrdreg $0xFFFFFFFF  }
0xad: {  	[dreg:$0x0] =	wrdreg $0x60  }
0xae: {  	[dreg:$0x2] =	wrdreg s24  }
0xaf: {  	[dreg:$0x3] =	wrdreg $0x90000  }
0xb0: {  	[dreg:$0x4] =	wrdreg $0xA  }
0xb1: {  	_ =	task.clear_ibuf [dreg:s6], $0x5FFFF;
	_ =	strace $0x9000004C  }
0xb2: {  	s29 =	simm.s32 $0xA;
	_ =	strace $0x8000004E  }
0xb3: {  	_ =	swait.ge [sflag:s29], $0x1  }
0xb4: {  	[sflag:s29] =	ssyncadd.s32 $0xFFFFFFFF  }
0xb5: {  	_ =	strace $0x9000004E  }
0xb6: {  	_ =	sfence  }
0xb7: {  	s30 =	sld [smem:$0x0];
	_ =	sdelay $0x2  }
0xb8: {  	s31 =	sshll.u32 s1, $0xD;
	s1 =	sshrl.u32 s1, $0x2  }
0xb9: {  	s3 =	sand.u32 $0x4000, s31;
	s1 =	sadd.s32 s1, s30  }
0xba: {  	s0 =	sor.u32 s3, s0;
	s1 =	sshll.u32 s1, $0x11  }
0xbb: {  	s0 =	sor.u32 s1, s0  }
0xbc: {  	s0 =	sadd.s32 $0x8F2B, s0  }
0xbd: {  	[sflag:s0] =	ssyncadd.remote.s32 $0x1  }
0xbe: {  	_ =	sfence.sel $0xFFFF  }
0xbf: {  	[dreg:$0x0] =	wrdreg $0xFFFFFFFF;
	(pc) =	sbr.abs _section_cstart, $3  }
0xc0: {  	[dreg:$0x1] =	wrdreg $0xFFFFFFFF  }
0xc1: {  	_ =	task.clear_ibuf [dreg:s6], $0x2FFFF;
	_ =	strace $0x9FFFFFFF  }
0xc2: {  	(tm) =	ssettm $0x7FFFFFFF  }
0xc3: {  	_ =	shalt  }
tec
execute0_lowered:
.L_overlay_start_1:
0x0: {  	(tag) =	ssettag $0x1  }
0x1: {  	s5 =	rddreg [dreg:$0x0]  }
0x2: {  	s2 =	rddreg [dreg:$0x1]  }
0x3: {  	s0 =	rddreg [dreg:$0x2];
	s3 =	simm.s32 $0x0;
	s1 =	stileid.u32  }
0x4: {  	s4 =	srdreg.scid;
	s16 =	simm.s32 $0x4000;
	s17 =	simm.s32 $0x1  }
0x5: {  	s18 =	simm.s32 $0x3F80;
	s19 =	simm.s32 $0x6800;
	s20 =	simm.s32 $0x3E00  }
0x6: {  	s21 =	simm.s32 $0x0;
	[smem:$0x7FF] =	sst s3;
	s6 =	smul.u32 $0x13C00, s1  }
0x7: {  	s7 =	sand.u32 $0x1, s4;
	s4 =	sadd.s32 $0x2A200, s5;
	s9 =	sadd.s32 $0xE7400, s5  }
0x8: {  	s10 =	sadd.s32 $0xD7400, s5;
	s13 =	smul.u32 $0x4F000, s1;
	s29 =	sshll.u32 s1, $0xB  }
0x9: {  	s30 =	sshll.u32 s1, $0x6;
	_ =	strace $0x8000004D;
	s8 =	smul.u32 $0x13C000, s7  }
0xa: {  	s25 =	ssub.s32 $0x2, s7;
	s28 =	sshll.u32 s7, $0xF;
	s11 =	sshrl.u32 s6, $0x3  }
0xb: {  	s12 =	sshrl.u32 s25, $0x1;
	s26 =	sshrl.u32 s13, $0x2;
	s15 =	sor.u32 s29, s28  }
0xc: {  	s6 =	sadd.s32 s6, s8;
	s11 =	sadd.s32 s11, s5;
	s12 =	ssub.s32 s25, s12  }
0xd: {  	s13 =	sadd.s32 s26, s2;
	s31 =	sor.u32 $0x400, s15;
	s7 =	sadd.s32 s9, s15  }
0xe: {  	s8 =	sadd.s32 s10, s15;
	s15 =	simm.s32 $0x50;
	s6 =	sshrl.u32 s6, $0x3  }
0xf: {  	s9 =	sadd.s32 s9, s31;
	s10 =	sadd.s32 s10, s31;
	s12 =	smax.u32 s12, $0x1  }
0x10: {  	s13 =	sshrl.u32 s13, $0x3;
	s14 =	sadd.s32 s6, s5;
	s5 =	sadd.s32 $0x2A00, s11  }
0x11: {  	s6 =	sor.u32 $0x1C02, s30;
	s11 =	sadd.s32 $0x78400, s14;
	s14 =	simm.s32 $0x2  }
.LBB2_1:
0x12: {  	[spmem:s13], [sflag:s6] =	dma.local [hbm:s5], $0x2780  }
0x13: {  	_ =	swait.ge [sflag:s14], $0x2780  }
0x14: {  	[sflag:s14] =	ssyncset.done $0x0  }
0x15: {  	[sflag:s14] =	ssyncadd.s32 $0xFFFFD880  }
0x16: {  	[bflag:$0x0] =	sbarrier.arrive $0xFFFF  }
0x17: {  	[tilespmem:s3], [sflag:$0x2] =	stream.linear.gather [hbm4b:s7+s3], $0x2000, $0x38;
	[tilespmem:$0x1CC00] =	vst v63  }
0x18: {  	_ =	swait.ge [sflag:s14], $0x2000  }
0x19: {  	[sflag:s14] =	ssyncset.done $0x0  }
0x1a: {  	s22 =	simm.s32 $0x2000;
	[sflag:s14] =	ssyncadd.s32 $0xFFFFE000  }
0x1b: {  	[tilespmem:s22], [sflag:$0x2] =	stream.linear.gather [hbm4b:s8+s3], $0x2000, $0x38;
	[tilespmem:$0x1CC00] =	vst v63  }
0x1c: {  	s23 =	sand.u32 $0x1, s3;
	_ =	swait.ge [sflag:s14], $0x2000  }
0x1d: {  	s24 =	sxor.u32 $0x1, s23;
	[sflag:s14] =	ssyncset.done $0x0  }
0x1e: {  	s24 =	smul.u32 $0xA000, s24;
	[sflag:s14] =	ssyncadd.s32 $0xFFFFE000  }
0x1f: {  	[tilespmem:s16], [sflag:$0x1] =	stream.indirect.gather [hbm4b:s4+s15], $0x80, s3, s15, $0xb8;
	[tilespmem:$0x1CC00] =	vst v63  }
0x20: {  	s25 =	simm.s32 $0x80;
	s23 =	smul.u32 $0xA000, s23;
	_ =	swait.ge [sflag:s17], $0x2800  }
0x21: {  	s31 =	simm.s32 $0x1;
	s24 =	sshrl.u32 s24, $0x2;
	[sflag:s17] =	ssyncset.done $0x0  }
0x22: {  	s23 =	sshrl.u32 s23, $0x2;
	s24 =	sor.u32 $0x4000, s24;
	[sflag:s17] =	ssyncadd.s32 $0xFFFFD800  }
0x23: {  	[tilespmem:s24], [sflag:$0x1] =	stream.indirect.gather [hbm4b:s4+s15], $0x80, s25, s15, $0xb8;
	[tilespmem:$0x1CC00] =	vst v63  }
0x24: {  	s23 =	sor.u32 $0x4000, s23;
	s25 =	simm.s32 $0x2;
	s24 =	sand.u32 $0x1, s31  }
0x25: {  	[spmem:s2] =	stream.indirect.scatter.add.f32 [tilespmem:s23], [sflag:$0x2], $0x80, s22, s15, $0xb8;
	[tilespmem:$0x1CC00] =	vst v63  }
0x26: {  	s22 =	simm.s32 $0x100;
	s23 =	simm.s32 $0x2080;
	_ =	swait.ge [sflag:s14], $0x2800  }
.LBB2_2:
0x27: {  	s26 =	sxor.u32 $0x1, s24  }
0x28: {  	[sflag:s14] =	ssyncset.done $0x0;
	s28 =	smov.u32 s25;
	s29 =	sadd.s32 $0x1, s25  }
0x29: {  	p0 =	sne.s32 s25, $0x3E;
	s25 =	smul.u32 $0xA000, s26;
	[sflag:s14] =	ssyncadd.s32 $0xFFFFD800  }
0x2a: {  	_ =	swait.ge [sflag:s17], $0x2800  }
0x2b: {  	s24 =	smul.u32 $0xA000, s24;
	[sflag:s17] =	ssyncset.done $0x0;
	s25 =	sshrl.u32 s25, $0x2  }
0x2c: {  	[sflag:s17] =	ssyncadd.s32 $0xFFFFD800;
	s25 =	sor.u32 $0x4000, s25  }
0x2d: {  	[tilespmem:s25], [sflag:$0x1] =	stream.indirect.gather [hbm4b:s4+s15], $0x80, s22, s15, $0xb8;
	[tilespmem:$0x1CC00] =	vst v63  }
.Ltmp0:
0x2e: {  	_ = 	snop;
	(pc) =	sbr.rel @p0 .LBB2_2-.Ltmp0, $4  }
0x2f: {  	s24 =	sshrl.u32 s24, $0x2  }
0x30: {  	s24 =	sor.u32 $0x4000, s24;
	s22 =	sadd.s32 $0x80, s22;
	s25 =	smov.u32 s29  }
0x31: {  	[spmem:s2] =	stream.indirect.scatter.add.f32 [tilespmem:s24], [sflag:$0x2], $0x80, s23, s15, $0xb8;
	[tilespmem:$0x1CC00] =	vst v63  }
0x32: {  	s24 =	sand.u32 $0x1, s28;
	s23 =	sadd.s32 $0x80, s23;
	_ =	swait.ge [sflag:s14], $0x2800  }
0x33: {  	s25 =	sxor.u32 $0x1, s24;
	[sflag:s14] =	ssyncset.done $0x0  }
0x34: {  	s25 =	smul.u32 $0xA000, s25;
	[sflag:s14] =	ssyncadd.s32 $0xFFFFD800  }
0x35: {  	_ =	swait.ge [sflag:s17], $0x2800  }
0x36: {  	[sflag:s17] =	ssyncset.done $0x0;
	s25 =	sshrl.u32 s25, $0x2  }
0x37: {  	s31 =	smul.u32 $0xA000, s24;
	[sflag:s17] =	ssyncadd.s32 $0xFFFFD800;
	s25 =	sor.u32 $0x4000, s25  }
0x38: {  	[tilespmem:s25], [sflag:$0x1] =	stream.indirect.gather [hbm4b:s4+s15], $0x80, s22, s15, $0xb8;
	[tilespmem:$0x1CC00] =	vst v63  }
0x39: {  	s25 =	sshrl.u32 s31, $0x2  }
0x3a: {  	s22 =	sor.u32 $0x4000, s25  }
0x3b: {  	[spmem:s2] =	stream.indirect.scatter.add.f32 [tilespmem:s22], [sflag:$0x2], $0x80, s23, s15, $0xb8;
	[tilespmem:$0x1CC00] =	vst v63  }
0x3c: {  	_ =	swait.ge [sflag:s14], $0x2800  }
0x3d: {  	[sflag:s14] =	ssyncset.done $0x0  }
0x3e: {  	[sflag:s14] =	ssyncadd.s32 $0xFFFFD800  }
0x3f: {  	_ =	swait.ge [sflag:s17], $0x2800  }
0x40: {  	[sflag:s17] =	ssyncset.done $0x0  }
0x41: {  	[sflag:s17] =	ssyncadd.s32 $0xFFFFD800  }
0x42: {  	[spmem:s2] =	stream.indirect.scatter.add.f32 [tilespmem:s19], [sflag:$0x2], $0x80, s18, s15, $0xb8;
	[tilespmem:$0x1CC00] =	vst v63  }
0x43: {  	_ =	swait.ge [sflag:s14], $0x2800  }
0x44: {  	[sflag:s14] =	ssyncset.done $0x0  }
0x45: {  	s26 =	simm.s32 $0x0;
	[sflag:s14] =	ssyncadd.s32 $0xFFFFD800  }
0x46: {  	[tilespmem:s26], [sflag:$0x2] =	stream.linear.gather [hbm4b:s9+s26], $0x1E80, $0x38;
	[tilespmem:$0x1CC00] =	vst v63  }
0x47: {  	_ =	swait.ge [sflag:s14], $0x1E80  }
0x48: {  	[sflag:s14] =	ssyncset.done $0x0  }
0x49: {  	s28 =	simm.s32 $0x2000;
	[sflag:s14] =	ssyncadd.s32 $0xFFFFE180  }
0x4a: {  	[tilespmem:s28], [sflag:$0x2] =	stream.linear.gather [hbm4b:s10+s26], $0x1E80, $0x38;
	[tilespmem:$0x1CC00] =	vst v63  }
0x4b: {  	s22 =	sand.u32 $0x1, s26;
	_ =	swait.ge [sflag:s14], $0x1E80  }
0x4c: {  	s29 =	sxor.u32 $0x1, s22;
	[sflag:s14] =	ssyncset.done $0x0  }
0x4d: {  	s24 =	smul.u32 $0xA000, s29;
	[sflag:s14] =	ssyncadd.s32 $0xFFFFE180  }
0x4e: {  	[tilespmem:s16], [sflag:$0x1] =	stream.indirect.gather [hbm4b:s4+s15], $0x80, s26, s15, $0xb8;
	[tilespmem:$0x1CC00] =	vst v63  }
0x4f: {  	s30 =	simm.s32 $0x80;
	s22 =	smul.u32 $0xA000, s22;
	_ =	swait.ge [sflag:s17], $0x2800  }
0x50: {  	s31 =	simm.s32 $0x1;
	s24 =	sshrl.u32 s24, $0x2;
	[sflag:s17] =	ssyncset.done $0x0  }
0x51: {  	s22 =	sshrl.u32 s22, $0x2;
	s24 =	sor.u32 $0x4000, s24;
	[sflag:s17] =	ssyncadd.s32 $0xFFFFD800  }
0x52: {  	[tilespmem:s24], [sflag:$0x1] =	stream.indirect.gather [hbm4b:s4+s15], $0x80, s30, s15, $0xb8;
	[tilespmem:$0x1CC00] =	vst v63  }
0x53: {  	s25 =	simm.s32 $0x2;
	s23 =	simm.s32 $0x2080;
	s22 =	sor.u32 $0x4000, s22  }
0x54: {  	[spmem:s2] =	stream.indirect.scatter.add.f32 [tilespmem:s22], [sflag:$0x2], $0x80, s28, s15, $0xb8;
	[tilespmem:$0x1CC00] =	vst v63  }
0x55: {  	s24 =	sand.u32 $0x1, s31;
	s22 =	simm.s32 $0x100;
	_ =	swait.ge [sflag:s14], $0x2800  }
.LBB2_4:
0x56: {  	s26 =	sxor.u32 $0x1, s24  }
0x57: {  	[sflag:s14] =	ssyncset.done $0x0;
	s28 =	smov.u32 s25;
	s29 =	sadd.s32 $0x1, s25  }
0x58: {  	p0 =	sne.s32 s25, $0x3B;
	s25 =	smul.u32 $0xA000, s26;
	[sflag:s14] =	ssyncadd.s32 $0xFFFFD800  }
0x59: {  	_ =	swait.ge [sflag:s17], $0x2800  }
0x5a: {  	s24 =	smul.u32 $0xA000, s24;
	[sflag:s17] =	ssyncset.done $0x0;
	s25 =	sshrl.u32 s25, $0x2  }
0x5b: {  	[sflag:s17] =	ssyncadd.s32 $0xFFFFD800;
	s25 =	sor.u32 $0x4000, s25  }
0x5c: {  	[tilespmem:s25], [sflag:$0x1] =	stream.indirect.gather [hbm4b:s4+s15], $0x80, s22, s15, $0xb8;
	[tilespmem:$0x1CC00] =	vst v63  }
.Ltmp1:
0x5d: {  	_ = 	snop;
	(pc) =	sbr.rel @p0 .LBB2_4-.Ltmp1, $4  }
0x5e: {  	s24 =	sshrl.u32 s24, $0x2  }
0x5f: {  	s24 =	sor.u32 $0x4000, s24;
	s22 =	sadd.s32 $0x80, s22;
	s25 =	smov.u32 s29  }
0x60: {  	[spmem:s2] =	stream.indirect.scatter.add.f32 [tilespmem:s24], [sflag:$0x2], $0x80, s23, s15, $0xb8;
	[tilespmem:$0x1CC00] =	vst v63  }
0x61: {  	s24 =	sand.u32 $0x1, s28;
	s23 =	sadd.s32 $0x80, s23;
	_ =	swait.ge [sflag:s14], $0x2800  }
0x62: {  	s25 =	sxor.u32 $0x1, s24;
	[sflag:s14] =	ssyncset.done $0x0  }
0x63: {  	s25 =	smul.u32 $0xA000, s25;
	[sflag:s14] =	ssyncadd.s32 $0xFFFFD800  }
0x64: {  	s30 =	smul.u32 $0xA000, s24;
	_ =	swait.ge [sflag:s17], $0x2800  }
0x65: {  	[sflag:s17] =	ssyncset.done $0x0;
	s25 =	sshrl.u32 s25, $0x2  }
0x66: {  	s31 =	sshrl.u32 s30, $0x2;
	[sflag:s17] =	ssyncadd.s32 $0xFFFFD800;
	s25 =	sor.u32 $0x4000, s25  }
0x67: {  	[tilespmem:s25], [sflag:$0x1] =	stream.indirect.gather [hbm4b:s4+s15], $0x80, s22, s15, $0xb8;
	[tilespmem:$0x1CC00] =	vst v63  }
0x68: {  	s22 =	sor.u32 $0x4000, s31  }
0x69: {  	[spmem:s2] =	stream.indirect.scatter.add.f32 [tilespmem:s22], [sflag:$0x2], $0x80, s23, s15, $0xb8;
	[tilespmem:$0x1CC00] =	vst v63  }
0x6a: {  	_ =	swait.ge [sflag:s14], $0x2800  }
0x6b: {  	[sflag:s14] =	ssyncset.done $0x0  }
0x6c: {  	[sflag:s14] =	ssyncadd.s32 $0xFFFFD800  }
0x6d: {  	_ =	swait.ge [sflag:s17], $0x2800  }
0x6e: {  	[sflag:s17] =	ssyncset.done $0x0  }
0x6f: {  	[sflag:s17] =	ssyncadd.s32 $0xFFFFD800  }
0x70: {  	[spmem:s2] =	stream.indirect.scatter.add.f32 [tilespmem:s16], [sflag:$0x2], $0x80, s20, s15, $0xb8;
	[tilespmem:$0x1CC00] =	vst v63  }
0x71: {  	_ =	swait.ge [sflag:s14], $0x2800  }
0x72: {  	s21 =	sadd.s32 $0x1, s21;
	[sflag:s14] =	ssyncset.done $0x0  }
0x73: {  	p0 =	sne.s32 s21, s12;
	[sflag:s14] =	ssyncadd.s32 $0xFFFFD800  }
.Ltmp2:
0x74: {  	[bflag:$0x0] =	sbarrier.arrive $0xFFFF;
	(pc) =	sbr.rel @p0 .LBB2_1-.Ltmp2, $4  }
0x75: {  	[hbm:s11], [sflag:s6] =	dma.local [spmem:s13], $0x2780  }
0x76: {  	_ =	swait.ge [sflag:s14], $0x2780  }
0x77: {  	[sflag:s14] =	ssyncset.done $0x0  }
0x78: {  	[sflag:s14] =	ssyncadd.s32 $0xFFFFD880  }
0x79: {  	_ =	sfence.sel $0x180000  }
0x7a: {  	[bflag:$0x0] =	sbarrier.arrive $0xFFFF  }
0x7b: {  	p0 =	sne.s32 s1, $0x0;
	_ =	strace $0x9000004D  }
0x7c: {  	s0 =	sadd.s32 @!p0 $0x100000, s0;
	[bflag:$0x2] =	sbarrier.arrive $0xFFFF  }
0x7d: {  	[sflag:s0] =	ssyncadd.tile.s32 @!p0 $0x1;
	_ =	shalt  }
.Lfunc_end2:
_tile_overlayer_lowered:
.L_overlay_start_2:
0x7e: {  	(tag) =	ssettag $0x2  }
0x7f: {  	s0 =	rddreg [dreg:$0x0];
	s2 =	stileid.u32  }
0x80: {  	s1 =	rddreg [dreg:$0x1];
	p0 =	sne.s32 s2, $0x0  }
0x81: {  	s3 =	rddreg [dreg:$0x2];
	[bflag:$0x3] =	sbarrier.arrive $0xFFFF;
	s2 =	simm.s32 @!p0 $0x1C02  }
0x82: {  	[timem:s3], [sflag:s2] =	dma.local @!p0 [hbm:s0], s1  }
0x83: {  	s0 =	simm.s32 @!p0 $0x2  }
0x84: {  	_ =	swait.ge @!p0 [sflag:s0], s1  }
0x85: {  	s1 =	ssub.s32 @!p0 $0x0, s1;
	[sflag:s0] =	ssyncset.done @!p0 $0x0  }
0x86: {  	[sflag:s0] =	ssyncadd.s32 @!p0 s1  }
0x87: {  	[bflag:$0x3] =	sbarrier.arrive $0xFFFF  }
0x88: {  	_ =	shalt  }

// kernel: kernel.9.cloned.1.call-start
scs
__scs_entry_jumppad:
0x0: {  	(pc) =	sbr.rel $0x88, $3  }
0x1: {  	(tag) =	ssettag $0x0;
	lr =	simm.s32 $0x1  }
0x2: {  	[smem:$0x3F99] =	sst lr;
	_ =	strace $0xD0000000  }
0x3: {  	_ = 	snop  }
0x4: {  	_ = 	snop  }
0x5: {  	_ = 	snop  }
0x6: {  	_ = 	snop  }
0x7: {  	_ = 	snop  }
__scs_overlays_trampoline_lowered:
0x8: {  	[smem:$0x3FA8] =	sst s0  }
0x9: {  	[smem:$0x3FA9] =	sst s1  }
0xa: {  	[smem:$0x3FAA] =	sst s2  }
0xb: {  	[smem:$0x3FAB] =	sst s3  }
0xc: {  	[smem:$0x3FAC] =	sst s4  }
0xd: {  	[smem:$0x3FAD] =	sst s5  }
0xe: {  	[smem:$0x3FAE] =	sst s6  }
0xf: {  	[smem:$0x3FAF] =	sst s7  }
0x10: {  	[smem:$0x3FB0] =	sst s8  }
0x11: {  	[smem:$0x3FB1] =	sst s9;
	s0 =	simm.s32 @!p0 $0x0  }
0x12: {  	s1 =	sld [smem:$0x3F97];
	s0 =	simm.s32 @p0 $0x1  }
0x13: {  	[smem:$0x3FB2] =	sst s0;
	s0 =	simm.s32 @!p1 $0x0  }
0x14: {  	s2 =	sld [smem:$0x3F96];
	s0 =	simm.s32 @p1 $0x1  }
0x15: {  	[smem:$0x3FB3] =	sst s0;
	s0 =	simm.s32 @!p2 $0x0  }
0x16: {  	s3 =	sld [smem:$0x3FDB];
	s0 =	simm.s32 @p2 $0x1  }
0x17: {  	s4 =	simm.s32 $0x1BF5;
	[smem:$0x3FB5] =	sst s0  }
0x18: {  	s0 =	sld [smem:$0x3F98];
	_ =	swait.ge [sflag:s4], $0x0  }
0x19: {  	s7 =	sld [smem:$0x3F99]  }
0x1a: {  	s8 =	sadd.s32 $0xFFFFE003, lr  }
0x1b: {  	s9 =	sadd.s32 $0xFFFFFEF7, lr;
	s5 =	simm.s32 $0xFFFFFFFF;
	p2 =	slt.u32 s8, $0xFFFFF086  }
0x1c: {  	p1 =	slt.u32 s9, $0xF7A;
	s5 =	simm.s32 @!p2 $0x0  }
0x1d: {  	s5 =	simm.s32 @p1 $0x1;
	p0 =	seq.s32 s7, s2  }
0x1e: {  	s7 =	smul.u32 @!p0 $0xF7A, s2;
	p2 =	seq.s32 @!p0 s5, $0x0  }
0x1f: {  	s9 =	smul.u32 $0xF7A, s1;
	s8 =	simm.s32 @!p0 $0x1BF5;
	p2 =	por !p2, p0  }
0x20: {  	[sflag:s8] =	ssyncset.s32 @!p0 $0xFFFFF086;
	s6 =	sadd.s32 @!p0 s3, s7;
	s7 =	simm.s32 @!p0 $0x108  }
0x21: {  	s3 =	sadd.s32 s3, s9;
	s6 =	sadd.s32 @!p0 $0x88, s6;
	s7 =	simm.s32 @p2 $0x1082  }
0x22: {  	[simem:s7], [sflag:s8] =	dma.local @!p0 [hbm:s6], $0xF7A  }
0x23: {  	s9 =	sor.u32 $0xD0000000, s2;
	s6 =	simm.s32 $0x108;
	_ =	swait.ge @!p0 [sflag:s8], $0x0  }
0x24: {  	s3 =	sadd.s32 $0x88, s3;
	s6 =	simm.s32 @!p1 $0x1082;
	[sflag:s4] =	ssyncset.s32 $0xFFFFF086  }
0x25: {  	[simem:s6], [sflag:s4] =	dma.local [hbm:s3], $0xF7A  }
0x26: {  	[smem:$0x3F99] =	sst s1;
	(tag) =	ssettag s2;
	_ =	strace s9  }
0x27: {  	s1 =	sld [smem:$0x3FA9]  }
0x28: {  	s2 =	sld [smem:$0x3FAA]  }
0x29: {  	s4 =	sld [smem:$0x3FAC]  }
0x2a: {  	p0 =	seq.s32 s5, $0x0;
	s5 =	sld [smem:$0x3FAD]  }
0x2b: {  	s6 =	sld [smem:$0x3FAE]  }
0x2c: {  	s7 =	sld [smem:$0x3FAF]  }
0x2d: {  	s3 =	simm.s32 $0x108;
	s8 =	sld [smem:$0x3FB0]  }
0x2e: {  	s3 =	simm.s32 @!p0 $0x1082;
	s9 =	sld [smem:$0x3FB1]  }
0x2f: {  	lr =	sadd.s32 s0, s3;
	s0 =	sld [smem:$0x3FA8]  }
0x30: {  	s3 =	sld [smem:$0x3FAB]  }
0x31: {  	[smem:$0x3FB4] =	sst s10  }
0x32: {  	s10 =	sld [smem:$0x3FB2];
	_ =	sdelay $0x3  }
0x33: {  	p0 =	seq.s32 s10, $0x1;
	s10 =	sld [smem:$0x3FB4];
	_ =	sdelay $0x3  }
0x34: {  	[smem:$0x3FB4] =	sst s10  }
0x35: {  	s10 =	sld [smem:$0x3FB3];
	_ =	sdelay $0x3  }
0x36: {  	p1 =	seq.s32 s10, $0x1;
	s10 =	sld [smem:$0x3FB4];
	_ =	sdelay $0x3  }
0x37: {  	[smem:$0x3FB4] =	sst s10  }
0x38: {  	s10 =	sld [smem:$0x3FB5]  }
0x39: {  	_ = 	snop;
	(pc) =	sbr.ind lr, $3  }
0x3a: {  	_ = 	snop  }
0x3b: {  	_ = 	snop  }
0x3c: {  	p2 =	seq.s32 s10, $0x1;
	s10 =	sld [smem:$0x3FB4]  }
0x3d: {  	_ =	shalt  }
0x3e: {  	_ =	shalt  }
0x3f: {  	_ =	shalt  }
0x40: {  	_ =	shalt  }
0x41: {  	_ =	shalt  }
0x42: {  	_ =	shalt  }
0x43: {  	_ =	shalt  }
0x44: {  	_ =	shalt  }
0x45: {  	_ =	shalt  }
0x46: {  	_ =	shalt  }
0x47: {  	_ =	shalt  }
0x48: {  	_ =	shalt  }
0x49: {  	_ =	shalt  }
0x4a: {  	_ =	shalt  }
0x4b: {  	_ =	shalt  }
0x4c: {  	_ =	shalt  }
0x4d: {  	_ =	shalt  }
0x4e: {  	_ =	shalt  }
0x4f: {  	_ =	shalt  }
0x50: {  	_ =	shalt  }
0x51: {  	_ =	shalt  }
0x52: {  	_ =	shalt  }
0x53: {  	_ =	shalt  }
0x54: {  	_ =	shalt  }
0x55: {  	_ =	shalt  }
0x56: {  	_ =	shalt  }
0x57: {  	_ =	shalt  }
0x58: {  	_ =	shalt  }
0x59: {  	_ =	shalt  }
0x5a: {  	_ =	shalt  }
0x5b: {  	_ =	shalt  }
0x5c: {  	_ =	shalt  }
0x5d: {  	_ =	shalt  }
0x5e: {  	_ =	shalt  }
0x5f: {  	_ =	shalt  }
0x60: {  	_ =	shalt  }
0x61: {  	_ =	shalt  }
0x62: {  	_ =	shalt  }
0x63: {  	_ =	shalt  }
0x64: {  	_ =	shalt  }
0x65: {  	_ =	shalt  }
0x66: {  	_ =	shalt  }
0x67: {  	_ =	shalt  }
0x68: {  	_ =	shalt  }
0x69: {  	_ =	shalt  }
0x6a: {  	_ =	shalt  }
0x6b: {  	_ =	shalt  }
0x6c: {  	_ =	shalt  }
0x6d: {  	_ =	shalt  }
0x6e: {  	_ =	shalt  }
0x6f: {  	_ =	shalt  }
0x70: {  	_ =	shalt  }
0x71: {  	_ =	shalt  }
0x72: {  	_ =	shalt  }
0x73: {  	_ =	shalt  }
0x74: {  	_ =	shalt  }
0x75: {  	_ =	shalt  }
0x76: {  	_ =	shalt  }
0x77: {  	_ =	shalt  }
0x78: {  	_ =	shalt  }
0x79: {  	_ =	shalt  }
0x7a: {  	_ =	shalt  }
0x7b: {  	_ =	shalt  }
0x7c: {  	_ =	shalt  }
0x7d: {  	_ =	shalt  }
0x7e: {  	_ =	shalt  }
0x7f: {  	_ =	shalt  }
0x80: {  	_ =	shalt  }
0x81: {  	_ =	shalt  }
0x82: {  	_ =	shalt  }
0x83: {  	_ =	shalt  }
0x84: {  	_ =	shalt  }
0x85: {  	_ =	shalt  }
0x86: {  	_ =	shalt  }
0x87: {  	_ =	shalt  }
.Lfunc_end0:
.L_simem_size_0:
called_computation_lowered:
.L_overlay_start_0:
0x88: {  	s2 =	sld [smem:$0x3FD9]  }
0x89: {  	s3 =	sld [smem:$0x3FFE];
	_ =	sdelay $0x1  }
0x8a: {  	s1 =	srdreg.scid  }
0x8b: {  	s0 =	sand.u32 $0x1, s1  }
0x8c: {  	s14 =	sshll.u32 s0, $0xA;
	s2 =	sadd.s32 s3, s2  }
0x8d: {  	s2 =	sadd.s32 s2, s14  }
0x8e: {  	[smem:$0x3FC0] =	sst s2  }
0x8f: {  	_ = 	snop  }
0x90: {  	s2 =	sld [smem:$0x3FD0];
	_ =	sdelay $0x2  }
0x91: {  	s15 =	simm.s32 $0xB;
	s4 =	simm.s32 $0x10  }
0x92: {  	[smem:s4], [sflag:s15] =	dma.local [hbm:s2], $0x1  }
0x93: {  	_ =	swait.eq [sflag:s15], $0x1  }
0x94: {  	[sflag:s15] =	ssyncset.done $0x0  }
0x95: {  	s16 =	sld [smem:$0x10];
	[sflag:s15] =	ssyncadd.s32 $0xFFFFFFFF  }
0x96: {  	s17 =	sld [smem:$0x11];
	(tm) =	ssettm $0x1  }
0x97: {  	s18 =	sld [smem:$0x3FFB];
	_ =	sdelay $0x3  }
0x98: {  	_ =	strace s18  }
0x99: {  	s4 =	sld [smem:$0x3FFC];
	_ =	sdelay $0x3  }
0x9a: {  	_ =	strace s4  }
0x9b: {  	s4 =	sld [smem:$0x3FFD];
	_ =	sdelay $0x3  }
0x9c: {  	_ =	strace s4  }
0x9d: {  	_ =	strace $0x8FFFFFFF  }
0x9e: {  	s19 =	sld [smem:$0x3FDB];
	_ =	sdelay $0x1  }
0x9f: {  	s5 =	simm.s32 $_scs_section_size  }
0xa0: {  	s6 =	simm.s32 $_size__tile_overlayer_lowered;
	s7 =	simm.s32 $_tile_overlayer_lowered  }
0xa1: {  	s22 =	simm.s32 $0x1BFF;
	s21 =	sshll.u32 s7, $0x1;
	s4 =	sadd.s32 s5, s19  }
0xa2: {  	s8 =	simm.s32 $0x0;
	s20 =	sshll.u32 s6, $0x1;
	s6 =	sadd.s32 s21, s4  }
0xa3: {  	[timem:s8], [sflag:s22] =	dma.local [hbm:s6], s20  }
0xa4: {  	_ =	swait.ge [sflag:s22], s20  }
0xa5: {  	s5 =	ssub.s32 $0x0, s20;
	[sflag:s22] =	ssyncset.done $0x0  }
0xa6: {  	[sflag:s22] =	ssyncadd.s32 s5;
	_ =	sdelay $0x1  }
0xa7: {  	s23 =	simm.s32 $0x1B8B  }
0xa8: {  	_ =	swait.ge [sflag:s23], $0x1  }
0xa9: {  	[sflag:s23] =	ssyncset.done $0x0  }
0xaa: {  	s25 =	simm.s32 $0x1B8E;
	s24 =	sld [smem:$0x3FFE];
	[sflag:s23] =	ssyncadd.s32 $0xFFFFFFFF  }
0xab: {  	s26 =	simm.s32 $execute0_lowered;
	[smem:$0x3FD2] =	sst s25  }
0xac: {  	s6 =	sshll.u32 s26, $0x1;
	_ =	strace $0x80000046;
	[dreg:$0x1] =	wrdreg $0xFFFFFFFF  }
0xad: {  	s28 =	simm.s32 $_size_execute0_lowered;
	s4 =	sadd.s32 s4, s6;
	[dreg:$0x0] =	wrdreg $0x0  }
0xae: {  	s6 =	sshll.u32 s28, $0x1;
	[dreg:$0x2] =	wrdreg s4  }
0xaf: {  	[dreg:$0x3] =	wrdreg s6  }
0xb0: {  	[dreg:$0x4] =	wrdreg $0xC0  }
0xb1: {  	_ =	task [dreg:s8], $0x5FFFF  }
0xb2: {  	[dreg:$0x1] =	wrdreg $0xFFFFFFFF  }
0xb3: {  	[dreg:$0x0] =	wrdreg $0x60  }
0xb4: {  	[dreg:$0x2] =	wrdreg s24  }
0xb5: {  	[dreg:$0x3] =	wrdreg s17  }
0xb6: {  	[dreg:$0x4] =	wrdreg s16  }
0xb7: {  	[dreg:$0x5] =	wrdreg $0x90000  }
0xb8: {  	[dreg:$0x6] =	wrdreg $0x9  }
0xb9: {  	_ =	task.clear_ibuf [dreg:s8], $0x7FFFF;
	_ =	strace $0x90000046  }
0xba: {  	s29 =	simm.s32 $0x9;
	_ =	strace $0x80000048  }
0xbb: {  	_ =	swait.ge [sflag:s29], $0x1  }
0xbc: {  	[sflag:s29] =	ssyncadd.s32 $0xFFFFFFFF  }
0xbd: {  	_ =	strace $0x90000048  }
0xbe: {  	_ =	sfence  }
0xbf: {  	s30 =	sld [smem:$0x0];
	_ =	sdelay $0x2  }
0xc0: {  	s31 =	sshll.u32 s1, $0xD;
	s1 =	sshrl.u32 s1, $0x2  }
0xc1: {  	s3 =	sand.u32 $0x4000, s31;
	s1 =	sadd.s32 s1, s30  }
0xc2: {  	s0 =	sor.u32 s3, s0;
	s1 =	sshll.u32 s1, $0x11  }
0xc3: {  	s0 =	sor.u32 s1, s0  }
0xc4: {  	s0 =	sadd.s32 $0x8F2B, s0  }
0xc5: {  	[sflag:s0] =	ssyncadd.remote.s32 $0x1  }
0xc6: {  	_ =	sfence.sel $0xFFFF  }
0xc7: {  	[dreg:$0x0] =	wrdreg $0xFFFFFFFF;
	(pc) =	sbr.abs _section_cstart, $3  }
0xc8: {  	[dreg:$0x1] =	wrdreg $0xFFFFFFFF  }
0xc9: {  	_ =	task.clear_ibuf [dreg:s8], $0x2FFFF;
	_ =	strace $0x9FFFFFFF  }
0xca: {  	(tm) =	ssettm $0x7FFFFFFF  }
0xcb: {  	_ =	shalt  }
tec
execute0_lowered:
.L_overlay_start_1:
0x0: {  	(tag) =	ssettag $0x1  }
0x1: {  	s5 =	rddreg [dreg:$0x0]  }
0x2: {  	s9 =	rddreg [dreg:$0x1]  }
0x3: {  	s10 =	rddreg [dreg:$0x2]  }
0x4: {  	s2 =	rddreg [dreg:$0x3]  }
0x5: {  	s0 =	rddreg [dreg:$0x4]  }
0x6: {  	s1 =	stileid.u32;
	s4 =	srdreg.scid;
	s3 =	simm.s32 $0x0  }
0x7: {  	s16 =	simm.s32 $0x4000;
	s17 =	simm.s32 $0x1;
	s18 =	simm.s32 $0x3F80  }
0x8: {  	s19 =	simm.s32 $0x6800;
	s20 =	simm.s32 $0x3E00;
	s21 =	simm.s32 $0x0  }
0x9: {  	s6 =	smul.u32 $0x13C00, s1;
	s7 =	sand.u32 $0x1, s4;
	[smem:$0x7FF] =	sst s3  }
0xa: {  	s4 =	sadd.s32 $0x2A200, s5;
	s13 =	smul.u32 $0x4F000, s1;
	s29 =	sshll.u32 s1, $0xB  }
0xb: {  	s30 =	sshll.u32 s1, $0x6;
	s8 =	smul.u32 $0x13C000, s7;
	_ =	strace $0x80000047  }
0xc: {  	s25 =	ssub.s32 $0x2, s7;
	s28 =	sshll.u32 s7, $0xF;
	s11 =	sshrl.u32 s6, $0x3  }
0xd: {  	s12 =	sshrl.u32 s25, $0x1;
	s26 =	sshrl.u32 s13, $0x2;
	s15 =	sor.u32 s29, s28  }
0xe: {  	s6 =	sadd.s32 s6, s8;
	s11 =	sadd.s32 s11, s5;
	s12 =	ssub.s32 s25, s12  }
0xf: {  	s13 =	sadd.s32 s26, s2;
	s31 =	sor.u32 $0x400, s15;
	s7 =	sadd.s32 s9, s15  }
0x10: {  	s8 =	sadd.s32 s10, s15;
	s15 =	simm.s32 $0x50;
	s6 =	sshrl.u32 s6, $0x3  }
0x11: {  	s9 =	sadd.s32 s9, s31;
	s10 =	sadd.s32 s10, s31;
	s12 =	smax.u32 s12, $0x1  }
0x12: {  	s13 =	sshrl.u32 s13, $0x3;
	s14 =	sadd.s32 s6, s5;
	s5 =	sadd.s32 $0x2A00, s11  }
0x13: {  	s6 =	sor.u32 $0x1C02, s30;
	s11 =	sadd.s32 $0x78400, s14;
	s14 =	simm.s32 $0x2  }
.LBB2_1:
0x14: {  	[spmem:s13], [sflag:s6] =	dma.local [hbm:s5], $0x2780  }
0x15: {  	_ =	swait.ge [sflag:s14], $0x2780  }
0x16: {  	[sflag:s14] =	ssyncset.done $0x0  }
0x17: {  	[sflag:s14] =	ssyncadd.s32 $0xFFFFD880  }
0x18: {  	[bflag:$0x0] =	sbarrier.arrive $0xFFFF  }
0x19: {  	[tilespmem:s3], [sflag:$0x2] =	stream.linear.gather [hbm4b:s7+s3], $0x2000, $0x38;
	[tilespmem:$0x1CC00] =	vst v63  }
0x1a: {  	_ =	swait.ge [sflag:s14], $0x2000  }
0x1b: {  	[sflag:s14] =	ssyncset.done $0x0  }
0x1c: {  	s22 =	simm.s32 $0x2000;
	[sflag:s14] =	ssyncadd.s32 $0xFFFFE000  }
0x1d: {  	[tilespmem:s22], [sflag:$0x2] =	stream.linear.gather [hbm4b:s8+s3], $0x2000, $0x38;
	[tilespmem:$0x1CC00] =	vst v63  }
0x1e: {  	s23 =	sand.u32 $0x1, s3;
	_ =	swait.ge [sflag:s14], $0x2000  }
0x1f: {  	s24 =	sxor.u32 $0x1, s23;
	[sflag:s14] =	ssyncset.done $0x0  }
0x20: {  	s24 =	smul.u32 $0xA000, s24;
	[sflag:s14] =	ssyncadd.s32 $0xFFFFE000  }
0x21: {  	[tilespmem:s16], [sflag:$0x1] =	stream.indirect.gather [hbm4b:s4+s15], $0x80, s3, s15, $0xb8;
	[tilespmem:$0x1CC00] =	vst v63  }
0x22: {  	s25 =	simm.s32 $0x80;
	s23 =	smul.u32 $0xA000, s23;
	_ =	swait.ge [sflag:s17], $0x2800  }
0x23: {  	s31 =	simm.s32 $0x1;
	s24 =	sshrl.u32 s24, $0x2;
	[sflag:s17] =	ssyncset.done $0x0  }
0x24: {  	s23 =	sshrl.u32 s23, $0x2;
	s24 =	sor.u32 $0x4000, s24;
	[sflag:s17] =	ssyncadd.s32 $0xFFFFD800  }
0x25: {  	[tilespmem:s24], [sflag:$0x1] =	stream.indirect.gather [hbm4b:s4+s15], $0x80, s25, s15, $0xb8;
	[tilespmem:$0x1CC00] =	vst v63  }
0x26: {  	s23 =	sor.u32 $0x4000, s23;
	s25 =	simm.s32 $0x2;
	s24 =	sand.u32 $0x1, s31  }
0x27: {  	[spmem:s2] =	stream.indirect.scatter.add.f32 [tilespmem:s23], [sflag:$0x2], $0x80, s22, s15, $0xb8;
	[tilespmem:$0x1CC00] =	vst v63  }
0x28: {  	s22 =	simm.s32 $0x100;
	s23 =	simm.s32 $0x2080;
	_ =	swait.ge [sflag:s14], $0x2800  }
.LBB2_2:
0x29: {  	s26 =	sxor.u32 $0x1, s24  }
0x2a: {  	[sflag:s14] =	ssyncset.done $0x0;
	s28 =	smov.u32 s25;
	s29 =	sadd.s32 $0x1, s25  }
0x2b: {  	p0 =	sne.s32 s25, $0x3E;
	s25 =	smul.u32 $0xA000, s26;
	[sflag:s14] =	ssyncadd.s32 $0xFFFFD800  }
0x2c: {  	_ =	swait.ge [sflag:s17], $0x2800  }
0x2d: {  	s24 =	smul.u32 $0xA000, s24;
	[sflag:s17] =	ssyncset.done $0x0;
	s25 =	sshrl.u32 s25, $0x2  }
0x2e: {  	[sflag:s17] =	ssyncadd.s32 $0xFFFFD800;
	s25 =	sor.u32 $0x4000, s25  }
0x2f: {  	[tilespmem:s25], [sflag:$0x1] =	stream.indirect.gather [hbm4b:s4+s15], $0x80, s22, s15, $0xb8;
	[tilespmem:$0x1CC00] =	vst v63  }
.Ltmp0:
0x30: {  	_ = 	snop;
	(pc) =	sbr.rel @p0 .LBB2_2-.Ltmp0, $4  }
0x31: {  	s24 =	sshrl.u32 s24, $0x2  }
0x32: {  	s24 =	sor.u32 $0x4000, s24;
	s22 =	sadd.s32 $0x80, s22;
	s25 =	smov.u32 s29  }
0x33: {  	[spmem:s2] =	stream.indirect.scatter.add.f32 [tilespmem:s24], [sflag:$0x2], $0x80, s23, s15, $0xb8;
	[tilespmem:$0x1CC00] =	vst v63  }
0x34: {  	s24 =	sand.u32 $0x1, s28;
	s23 =	sadd.s32 $0x80, s23;
	_ =	swait.ge [sflag:s14], $0x2800  }
0x35: {  	s25 =	sxor.u32 $0x1, s24;
	[sflag:s14] =	ssyncset.done $0x0  }
0x36: {  	s25 =	smul.u32 $0xA000, s25;
	[sflag:s14] =	ssyncadd.s32 $0xFFFFD800  }
0x37: {  	_ =	swait.ge [sflag:s17], $0x2800  }
0x38: {  	[sflag:s17] =	ssyncset.done $0x0;
	s25 =	sshrl.u32 s25, $0x2  }
0x39: {  	s31 =	smul.u32 $0xA000, s24;
	[sflag:s17] =	ssyncadd.s32 $0xFFFFD800;
	s25 =	sor.u32 $0x4000, s25  }
0x3a: {  	[tilespmem:s25], [sflag:$0x1] =	stream.indirect.gather [hbm4b:s4+s15], $0x80, s22, s15, $0xb8;
	[tilespmem:$0x1CC00] =	vst v63  }
0x3b: {  	s25 =	sshrl.u32 s31, $0x2  }
0x3c: {  	s22 =	sor.u32 $0x4000, s25  }
0x3d: {  	[spmem:s2] =	stream.indirect.scatter.add.f32 [tilespmem:s22], [sflag:$0x2], $0x80, s23, s15, $0xb8;
	[tilespmem:$0x1CC00] =	vst v63  }
0x3e: {  	_ =	swait.ge [sflag:s14], $0x2800  }
0x3f: {  	[sflag:s14] =	ssyncset.done $0x0  }
0x40: {  	[sflag:s14] =	ssyncadd.s32 $0xFFFFD800  }
0x41: {  	_ =	swait.ge [sflag:s17], $0x2800  }
0x42: {  	[sflag:s17] =	ssyncset.done $0x0  }
0x43: {  	[sflag:s17] =	ssyncadd.s32 $0xFFFFD800  }
0x44: {  	[spmem:s2] =	stream.indirect.scatter.add.f32 [tilespmem:s19], [sflag:$0x2], $0x80, s18, s15, $0xb8;
	[tilespmem:$0x1CC00] =	vst v63  }
0x45: {  	_ =	swait.ge [sflag:s14], $0x2800  }
0x46: {  	[sflag:s14] =	ssyncset.done $0x0  }
0x47: {  	s26 =	simm.s32 $0x0;
	[sflag:s14] =	ssyncadd.s32 $0xFFFFD800  }
0x48: {  	[tilespmem:s26], [sflag:$0x2] =	stream.linear.gather [hbm4b:s9+s26], $0x1E80, $0x38;
	[tilespmem:$0x1CC00] =	vst v63  }
0x49: {  	_ =	swait.ge [sflag:s14], $0x1E80  }
0x4a: {  	[sflag:s14] =	ssyncset.done $0x0  }
0x4b: {  	s28 =	simm.s32 $0x2000;
	[sflag:s14] =	ssyncadd.s32 $0xFFFFE180  }
0x4c: {  	[tilespmem:s28], [sflag:$0x2] =	stream.linear.gather [hbm4b:s10+s26], $0x1E80, $0x38;
	[tilespmem:$0x1CC00] =	vst v63  }
0x4d: {  	s22 =	sand.u32 $0x1, s26;
	_ =	swait.ge [sflag:s14], $0x1E80  }
0x4e: {  	s29 =	sxor.u32 $0x1, s22;
	[sflag:s14] =	ssyncset.done $0x0  }
0x4f: {  	s24 =	smul.u32 $0xA000, s29;
	[sflag:s14] =	ssyncadd.s32 $0xFFFFE180  }
0x50: {  	[tilespmem:s16], [sflag:$0x1] =	stream.indirect.gather [hbm4b:s4+s15], $0x80, s26, s15, $0xb8;
	[tilespmem:$0x1CC00] =	vst v63  }
0x51: {  	s30 =	simm.s32 $0x80;
	s22 =	smul.u32 $0xA000, s22;
	_ =	swait.ge [sflag:s17], $0x2800  }
0x52: {  	s31 =	simm.s32 $0x1;
	s24 =	sshrl.u32 s24, $0x2;
	[sflag:s17] =	ssyncset.done $0x0  }
0x53: {  	s22 =	sshrl.u32 s22, $0x2;
	s24 =	sor.u32 $0x4000, s24;
	[sflag:s17] =	ssyncadd.s32 $0xFFFFD800  }
0x54: {  	[tilespmem:s24], [sflag:$0x1] =	stream.indirect.gather [hbm4b:s4+s15], $0x80, s30, s15, $0xb8;
	[tilespmem:$0x1CC00] =	vst v63  }
0x55: {  	s25 =	simm.s32 $0x2;
	s23 =	simm.s32 $0x2080;
	s22 =	sor.u32 $0x4000, s22  }
0x56: {  	[spmem:s2] =	stream.indirect.scatter.add.f32 [tilespmem:s22], [sflag:$0x2], $0x80, s28, s15, $0xb8;
	[tilespmem:$0x1CC00] =	vst v63  }
0x57: {  	s24 =	sand.u32 $0x1, s31;
	s22 =	simm.s32 $0x100;
	_ =	swait.ge [sflag:s14], $0x2800  }
.LBB2_4:
0x58: {  	s26 =	sxor.u32 $0x1, s24  }
0x59: {  	[sflag:s14] =	ssyncset.done $0x0;
	s28 =	smov.u32 s25;
	s29 =	sadd.s32 $0x1, s25  }
0x5a: {  	p0 =	sne.s32 s25, $0x3B;
	s25 =	smul.u32 $0xA000, s26;
	[sflag:s14] =	ssyncadd.s32 $0xFFFFD800  }
0x5b: {  	_ =	swait.ge [sflag:s17], $0x2800  }
0x5c: {  	s24 =	smul.u32 $0xA000, s24;
	[sflag:s17] =	ssyncset.done $0x0;
	s25 =	sshrl.u32 s25, $0x2  }
0x5d: {  	[sflag:s17] =	ssyncadd.s32 $0xFFFFD800;
	s25 =	sor.u32 $0x4000, s25  }
0x5e: {  	[tilespmem:s25], [sflag:$0x1] =	stream.indirect.gather [hbm4b:s4+s15], $0x80, s22, s15, $0xb8;
	[tilespmem:$0x1CC00] =	vst v63  }
.Ltmp1:
0x5f: {  	_ = 	snop;
	(pc) =	sbr.rel @p0 .LBB2_4-.Ltmp1, $4  }
0x60: {  	s24 =	sshrl.u32 s24, $0x2  }
0x61: {  	s24 =	sor.u32 $0x4000, s24;
	s22 =	sadd.s32 $0x80, s22;
	s25 =	smov.u32 s29  }
0x62: {  	[spmem:s2] =	stream.indirect.scatter.add.f32 [tilespmem:s24], [sflag:$0x2], $0x80, s23, s15, $0xb8;
	[tilespmem:$0x1CC00] =	vst v63  }
0x63: {  	s24 =	sand.u32 $0x1, s28;
	s23 =	sadd.s32 $0x80, s23;
	_ =	swait.ge [sflag:s14], $0x2800  }
0x64: {  	s25 =	sxor.u32 $0x1, s24;
	[sflag:s14] =	ssyncset.done $0x0  }
0x65: {  	s25 =	smul.u32 $0xA000, s25;
	[sflag:s14] =	ssyncadd.s32 $0xFFFFD800  }
0x66: {  	s30 =	smul.u32 $0xA000, s24;
	_ =	swait.ge [sflag:s17], $0x2800  }
0x67: {  	[sflag:s17] =	ssyncset.done $0x0;
	s25 =	sshrl.u32 s25, $0x2  }
0x68: {  	s31 =	sshrl.u32 s30, $0x2;
	[sflag:s17] =	ssyncadd.s32 $0xFFFFD800;
	s25 =	sor.u32 $0x4000, s25  }
0x69: {  	[tilespmem:s25], [sflag:$0x1] =	stream.indirect.gather [hbm4b:s4+s15], $0x80, s22, s15, $0xb8;
	[tilespmem:$0x1CC00] =	vst v63  }
0x6a: {  	s22 =	sor.u32 $0x4000, s31  }
0x6b: {  	[spmem:s2] =	stream.indirect.scatter.add.f32 [tilespmem:s22], [sflag:$0x2], $0x80, s23, s15, $0xb8;
	[tilespmem:$0x1CC00] =	vst v63  }
0x6c: {  	_ =	swait.ge [sflag:s14], $0x2800  }
0x6d: {  	[sflag:s14] =	ssyncset.done $0x0  }
0x6e: {  	[sflag:s14] =	ssyncadd.s32 $0xFFFFD800  }
0x6f: {  	_ =	swait.ge [sflag:s17], $0x2800  }
0x70: {  	[sflag:s17] =	ssyncset.done $0x0  }
0x71: {  	[sflag:s17] =	ssyncadd.s32 $0xFFFFD800  }
0x72: {  	[spmem:s2] =	stream.indirect.scatter.add.f32 [tilespmem:s16], [sflag:$0x2], $0x80, s20, s15, $0xb8;
	[tilespmem:$0x1CC00] =	vst v63  }
0x73: {  	_ =	swait.ge [sflag:s14], $0x2800  }
0x74: {  	s21 =	sadd.s32 $0x1, s21;
	[sflag:s14] =	ssyncset.done $0x0  }
0x75: {  	p0 =	sne.s32 s21, s12;
	[sflag:s14] =	ssyncadd.s32 $0xFFFFD800  }
.Ltmp2:
0x76: {  	[bflag:$0x0] =	sbarrier.arrive $0xFFFF;
	(pc) =	sbr.rel @p0 .LBB2_1-.Ltmp2, $4  }
0x77: {  	[hbm:s11], [sflag:s6] =	dma.local [spmem:s13], $0x2780  }
0x78: {  	_ =	swait.ge [sflag:s14], $0x2780  }
0x79: {  	[sflag:s14] =	ssyncset.done $0x0  }
0x7a: {  	[sflag:s14] =	ssyncadd.s32 $0xFFFFD880  }
0x7b: {  	_ =	sfence.sel $0x180000  }
0x7c: {  	[bflag:$0x0] =	sbarrier.arrive $0xFFFF  }
0x7d: {  	p0 =	sne.s32 s1, $0x0;
	_ =	strace $0x90000047  }
0x7e: {  	s0 =	sadd.s32 @!p0 $0x100000, s0;
	[bflag:$0x2] =	sbarrier.arrive $0xFFFF  }
0x7f: {  	[sflag:s0] =	ssyncadd.tile.s32 @!p0 $0x1;
	_ =	shalt  }
.Lfunc_end2:
_tile_overlayer_lowered:
.L_overlay_start_2:
0x80: {  	(tag) =	ssettag $0x2  }
0x81: {  	s0 =	rddreg [dreg:$0x0];
	s2 =	stileid.u32  }
0x82: {  	s1 =	rddreg [dreg:$0x1];
	p0 =	sne.s32 s2, $0x0  }
0x83: {  	s3 =	rddreg [dreg:$0x2];
	[bflag:$0x3] =	sbarrier.arrive $0xFFFF;
	s2 =	simm.s32 @!p0 $0x1C02  }
0x84: {  	[timem:s3], [sflag:s2] =	dma.local @!p0 [hbm:s0], s1  }
0x85: {  	s0 =	simm.s32 @!p0 $0x2  }
0x86: {  	_ =	swait.ge @!p0 [sflag:s0], s1  }
0x87: {  	s1 =	ssub.s32 @!p0 $0x0, s1;
	[sflag:s0] =	ssyncset.done @!p0 $0x0  }
0x88: {  	[sflag:s0] =	ssyncadd.s32 @!p0 s1  }
0x89: {  	[bflag:$0x3] =	sbarrier.arrive $0xFFFF  }
0x8a: {  	_ =	shalt  }

</sc_bundles>
